<compile_context>
chip_gen: v7x
topology: tpu7x:2x2x1
jax: 0.10.2.dev20260603
libtpu: 0.0.44.dev20260713+nightly
codegen_flags: <defaults>
</compile_context>

<pallas_src>
import functools

import jax
import jax.numpy as jnp
from jax import lax
from jax.experimental import pallas as pl
from jax.experimental.pallas import tpu as pltpu
from jax.experimental.pallas import tpu_sc as plsc

N_NODES = 10000
N_EDGES = 320000
D_IN = 128
D_HID = 64

NC = 2
NS = 16
NW = NC * NS
EPW = N_EDGES // NW
CH = 80
NCHUNK = EPW // CH
NBUF = 12
NGRP = (NCHUNK - 1) // NBUF
N_PAD = 10240
RPT = N_PAD // NS

_sc_mesh = plsc.VectorSubcoreMesh(core_axis_name="c", subcore_axis_name="s")


@functools.partial(
    pl.kernel,
    out_type=jax.ShapeDtypeStruct((NC, N_PAD, D_HID), jnp.float32),
    mesh=_sc_mesh,
    compiler_params=pltpu.CompilerParams(use_tc_tiling_on_sc=False),
    scratch_types=[
        pltpu.VMEM((NCHUNK, CH), jnp.int32),
        pltpu.VMEM((NCHUNK, CH), jnp.int32),
        *[pltpu.VMEM((CH, D_HID), jnp.float32) for _ in range(NBUF)],
        pltpu.VMEM_SHARED((N_PAD, D_HID), jnp.float32),
        *[pltpu.SemaphoreType.DMA for _ in range(2 * NBUF)],
    ],
)
def _sc_aggregate(y_hbm, src_hbm, dst_hbm, zeros_hbm, out_hbm,
                  sidx, didx, *bufs):
    rows = bufs[:NBUF]
    acc = bufs[NBUF]
    gsem = bufs[NBUF + 1:2 * NBUF + 1]
    ssem = bufs[2 * NBUF + 1:]
    cid = lax.axis_index("c")
    sid = lax.axis_index("s")
    wid = cid * NS + sid

    z = pltpu.async_copy(zeros_hbm, acc.at[pl.ds(sid * RPT, RPT)], ssem[0])
    s = pltpu.async_copy(src_hbm.at[wid], sidx, ssem[1])
    t = pltpu.async_copy(dst_hbm.at[wid], didx, ssem[2])
    z.wait()
    s.wait()
    t.wait()
    plsc.subcore_barrier()

    def gather(g, b):
        pltpu.async_copy(y_hbm.at[sidx.at[g]], rows[b], gsem[b])

    def gather_wait(g, b):
        pltpu.make_async_copy(y_hbm.at[sidx.at[g]], rows[b], gsem[b]).wait()

    def scatter(g, b):
        pltpu.async_copy(rows[b], acc.at[didx.at[g]], ssem[b], add=True)

    def scatter_wait(g, b):
        pltpu.make_async_copy(rows[b], acc.at[didx.at[g]], ssem[b]).wait()

    for b in range(NBUF):
        gather(b, b)

    def body(i, carry):
        g = NBUF * i
        for b in range(NBUF):
            gather_wait(g + b, b)
            scatter(g + b, b)
        for b in range(NBUF):
            scatter_wait(g + b, b)

            @pl.when(g + b + NBUF < NCHUNK)
            def _():
                gather(g + b + NBUF, b)

        return carry

    lax.fori_loop(0, NGRP, body, 0)
    tail_start = NGRP * NBUF
    for g in range(tail_start, NCHUNK):
        gather_wait(g, g - tail_start)
        scatter(g, g - tail_start)
    for g in range(tail_start, NCHUNK):
        scatter_wait(g, g - tail_start)

    plsc.subcore_barrier()
    pltpu.sync_copy(acc.at[pl.ds(sid * RPT, RPT)],
                    out_hbm.at[cid, pl.ds(sid * RPT, RPT)])


def _mm1_body(x_ref, w_ref, o_ref):
    o_ref[...] = jnp.dot(x_ref[...], w_ref[...],
                         preferred_element_type=jnp.float32)


def _mid_body(y1_ref, agg_ref, eps_ref, b11_ref, w12_ref, b12_ref, w21_ref,
              emb_ref, y2_ref):
    pre = ((1.0 + eps_ref[0, 0]) * y1_ref[...]
           + agg_ref[0, :N_NODES] + agg_ref[1, :N_NODES] + b11_ref[...])
    h1 = jnp.maximum(pre, 0.0)
    emb = jnp.maximum(
        jnp.dot(h1, w12_ref[...], preferred_element_type=jnp.float32)
        + b12_ref[...], 0.0)
    emb_ref[...] = emb
    y2_ref[...] = jnp.dot(emb, w21_ref[...],
                          preferred_element_type=jnp.float32)


def _final_body(y2_ref, agg_ref, eps_ref, b21_ref, w22_ref, b22_ref, o_ref):
    pre = ((1.0 + eps_ref[0, 0]) * y2_ref[...]
           + agg_ref[0, :N_NODES] + agg_ref[1, :N_NODES] + b21_ref[...])
    a = jnp.maximum(pre, 0.0)
    h2 = (jnp.dot(a, w22_ref[...], preferred_element_type=jnp.float32)
          + b22_ref[...])
    m = jnp.max(h2, axis=1, keepdims=True)
    lse = jnp.log(jnp.sum(jnp.exp(h2 - m), axis=1, keepdims=True)) + m
    o_ref[...] = h2 - lse


def kernel(x, edge_index, eps1, W11, b11, W12, b12, eps2, W21, b21, W22, b22):
    src = edge_index[0].astype(jnp.int32).reshape(NW, NCHUNK, CH)
    dst = edge_index[1].astype(jnp.int32).reshape(NW, NCHUNK, CH)
    zeros = jnp.zeros((RPT, D_HID), jnp.float32)

    y1 = pl.pallas_call(
        _mm1_body,
        out_shape=jax.ShapeDtypeStruct((N_NODES, D_HID), jnp.float32),
    )(x, W11)

    agg1 = _sc_aggregate(y1, src, dst, zeros)

    emb, y2 = pl.pallas_call(
        _mid_body,
        out_shape=(jax.ShapeDtypeStruct((N_NODES, D_HID), jnp.float32),
                   jax.ShapeDtypeStruct((N_NODES, D_HID), jnp.float32)),
    )(y1, agg1, eps1.reshape(1, 1), b11.reshape(1, D_HID), W12,
      b12.reshape(1, D_HID), W21)

    agg2 = _sc_aggregate(y2, src, dst, zeros)

    out = pl.pallas_call(
        _final_body,
        out_shape=jax.ShapeDtypeStruct((N_NODES, D_HID), jnp.float32),
    )(y2, agg2, eps2.reshape(1, 1), b21.reshape(1, D_HID), W22,
      b22.reshape(1, D_HID))

    return (out, emb)

# --- scband reference (transcript-rebuilt; emitter-appended) ---
"""Pipeline reference for scband-gin-27994596836124 (READ-ONLY COPY).

The authoritative reference and input builder live on the scoring server;
editing this copy changes nothing except your own understanding.
"""

import jax, jax.numpy as jnp
import numpy as np

N_NODES = 10000
N_EDGES = 320000
D_IN = 128
D_HID = 64
N_CLASSES = 64


def setup_inputs(seed: int = 0) -> dict:
    key = jax.random.key(seed)
    ks = jax.random.split(key, 12)
    x = jax.random.normal(ks[0], (N_NODES, D_IN), dtype=jnp.float32)
    edge_index = jax.random.randint(ks[1], (2, N_EDGES), 0, N_NODES, dtype=jnp.int64)
    # GINConv layer 1 MLP: Linear(128->64), ReLU, Linear(64->64)
    W11 = jax.random.normal(ks[2], (D_IN, D_HID), dtype=jnp.float32) * (1.0 / np.sqrt(D_IN))
    b11 = jnp.zeros((D_HID,), dtype=jnp.float32)
    W12 = jax.random.normal(ks[3], (D_HID, D_HID), dtype=jnp.float32) * (1.0 / np.sqrt(D_HID))
    b12 = jnp.zeros((D_HID,), dtype=jnp.float32)
    eps1 = jnp.zeros((), dtype=jnp.float32)
    # GINConv layer 2 MLP: Linear(64->64), ReLU, Linear(64->64)
    W21 = jax.random.normal(ks[4], (D_HID, D_HID), dtype=jnp.float32) * (1.0 / np.sqrt(D_HID))
    b21 = jnp.zeros((D_HID,), dtype=jnp.float32)
    W22 = jax.random.normal(ks[5], (D_HID, N_CLASSES), dtype=jnp.float32) * (1.0 / np.sqrt(D_HID))
    b22 = jnp.zeros((N_CLASSES,), dtype=jnp.float32)
    eps2 = jnp.zeros((), dtype=jnp.float32)
    return {"x": x, "edge_index": edge_index,
            "eps1": eps1, "W11": W11, "b11": b11, "W12": W12, "b12": b12,
            "eps2": eps2, "W21": W21, "b21": b21, "W22": W22, "b22": b22}


def _gin_conv(x, edge_index, eps, W_a, b_a, W_b, b_b):
    src = edge_index[0]
    dst = edge_index[1]
    # message = x[src]; aggregate = scatter-sum at dst
    agg = jax.ops.segment_sum(jnp.take(x, src, axis=0), dst, num_segments=N_NODES)
    h = (1.0 + eps) * x + agg
    h = jnp.maximum(h @ W_a + b_a, 0.0)
    h = h @ W_b + b_b
    return h


def reference(x, edge_index, eps1, W11, b11, W12, b12, eps2, W21, b21, W22, b22):
    emb = jnp.maximum(_gin_conv(x, edge_index, eps1, W11, b11, W12, b12), 0.0)
    # dropout is identity in eval mode (training=False)
    h = _gin_conv(emb, edge_index, eps2, W21, b21, W22, b22)
    return (jax.nn.log_softmax(h, axis=1), emb)

if __name__ == "__main__":
    import jax
    _d = setup_inputs()
    print(jax.jit(kernel)(*tuple(_d.values())))

</pallas_src>

<mosaic_0001>
#map = affine_map<(d0, d1) -> (0, 0)>
#map1 = affine_map<(d0, d1) -> (0, 0, 0)>
module attributes {stable_mosaic.version = 14 : i64} {
  func.func @_sc_aggregate(%arg0: i32, %arg1: i32, %arg2: memref<10000x64xf32, #tpu.memory_space<hbm>>, %arg3: memref<32x125x80xi32, #tpu.memory_space<hbm>>, %arg4: memref<32x125x80xi32, #tpu.memory_space<hbm>>, %arg5: memref<640x64xf32, #tpu.memory_space<hbm>>, %arg6: memref<2x10240x64xf32, #tpu.memory_space<hbm>>, %arg7: memref<125x80xi32, #tpu.memory_space<vmem>>, %arg8: memref<125x80xi32, #tpu.memory_space<vmem>>, %arg9: memref<80x64xf32, #tpu.memory_space<vmem>>, %arg10: memref<80x64xf32, #tpu.memory_space<vmem>>, %arg11: memref<80x64xf32, #tpu.memory_space<vmem>>, %arg12: memref<80x64xf32, #tpu.memory_space<vmem>>, %arg13: memref<80x64xf32, #tpu.memory_space<vmem>>, %arg14: memref<80x64xf32, #tpu.memory_space<vmem>>, %arg15: memref<80x64xf32, #tpu.memory_space<vmem>>, %arg16: memref<80x64xf32, #tpu.memory_space<vmem>>, %arg17: memref<80x64xf32, #tpu.memory_space<vmem>>, %arg18: memref<80x64xf32, #tpu.memory_space<vmem>>, %arg19: memref<80x64xf32, #tpu.memory_space<vmem>>, %arg20: memref<80x64xf32, #tpu.memory_space<vmem>>, %arg21: memref<10240x64xf32, #tpu.memory_space<vmem_shared>>, %arg22: memref<!tpu.dma_semaphore, #tpu.memory_space<semaphore_mem>>, %arg23: memref<!tpu.dma_semaphore, #tpu.memory_space<semaphore_mem>>, %arg24: memref<!tpu.dma_semaphore, #tpu.memory_space<semaphore_mem>>, %arg25: memref<!tpu.dma_semaphore, #tpu.memory_space<semaphore_mem>>, %arg26: memref<!tpu.dma_semaphore, #tpu.memory_space<semaphore_mem>>, %arg27: memref<!tpu.dma_semaphore, #tpu.memory_space<semaphore_mem>>, %arg28: memref<!tpu.dma_semaphore, #tpu.memory_space<semaphore_mem>>, %arg29: memref<!tpu.dma_semaphore, #tpu.memory_space<semaphore_mem>>, %arg30: memref<!tpu.dma_semaphore, #tpu.memory_space<semaphore_mem>>, %arg31: memref<!tpu.dma_semaphore, #tpu.memory_space<semaphore_mem>>, %arg32: memref<!tpu.dma_semaphore, #tpu.memory_space<semaphore_mem>>, %arg33: memref<!tpu.dma_semaphore, #tpu.memory_space<semaphore_mem>>, %arg34: memref<!tpu.dma_semaphore, #tpu.memory_space<semaphore_mem>>, %arg35: memref<!tpu.dma_semaphore, #tpu.memory_space<semaphore_mem>>, %arg36: memref<!tpu.dma_semaphore, #tpu.memory_space<semaphore_mem>>, %arg37: memref<!tpu.dma_semaphore, #tpu.memory_space<semaphore_mem>>, %arg38: memref<!tpu.dma_semaphore, #tpu.memory_space<semaphore_mem>>, %arg39: memref<!tpu.dma_semaphore, #tpu.memory_space<semaphore_mem>>, %arg40: memref<!tpu.dma_semaphore, #tpu.memory_space<semaphore_mem>>, %arg41: memref<!tpu.dma_semaphore, #tpu.memory_space<semaphore_mem>>, %arg42: memref<!tpu.dma_semaphore, #tpu.memory_space<semaphore_mem>>, %arg43: memref<!tpu.dma_semaphore, #tpu.memory_space<semaphore_mem>>, %arg44: memref<!tpu.dma_semaphore, #tpu.memory_space<semaphore_mem>>, %arg45: memref<!tpu.dma_semaphore, #tpu.memory_space<semaphore_mem>>) attributes {dimension_semantics = [#tpu.dimension_semantics<core_parallel>, #tpu.dimension_semantics<subcore_parallel>], iteration_bounds = array<i64: 2, 16>, scalar_prefetch = 0 : i64, scratch_operands = 39 : i64, tpu.core_type = #tpu.core_type<sc_vector_subcore>, window_params = [{transform_indices = #map}, {transform_indices = #map1}, {transform_indices = #map1}, {transform_indices = #map}, {transform_indices = #map1}]} {
    %mul3A = arith.constant 16 : i32
    %mul3A_0 = arith.muli %arg0, %mul3A : i32
    %add3A = arith.addi %mul3A_0, %arg1 : i32
    %mul3A_1 = arith.constant 640 : i32
    %mul3A_2 = arith.muli %arg1, %mul3A_1 : i32
    %dma_start3A = arith.constant 0 : i32
    %dma_start3A_3 = tpu.memref_slice %arg21[%mul3A_2, %dma_start3A] : memref<10240x64xf32, #tpu.memory_space<vmem_shared>> -> memref<640x64xf32, #tpu.memory_space<vmem_shared>>
    tpu.enqueue_dma source(%arg5 : memref<640x64xf32, #tpu.memory_space<hbm>>) target(%dma_start3A_3 : memref<640x64xf32, #tpu.memory_space<vmem_shared>>) target_semaphore(%arg34 : memref<!tpu.dma_semaphore, #tpu.memory_space<semaphore_mem>>)
    %dma_start3A_4 = arith.constant 0 : i32
    %dma_start3A_5 = arith.constant 0 : i32
    %dma_start3A_6 = tpu.memref_slice %arg3[%add3A, %dma_start3A_4, %dma_start3A_5] : memref<32x125x80xi32, #tpu.memory_space<hbm>> -> memref<1x125x80xi32, #tpu.memory_space<hbm>>
    %dma_start3A_7 = tpu.memref_squeeze %dma_start3A_6 : memref<1x125x80xi32, #tpu.memory_space<hbm>> -> memref<125x80xi32, #tpu.memory_space<hbm>>
    %dma_start3A_8 = arith.constant 0 : i32
    %dma_start3A_9 = arith.constant 0 : i32
    %dma_start3A_10 = tpu.memref_slice %arg3[%add3A, %dma_start3A_8, %dma_start3A_9] : memref<32x125x80xi32, #tpu.memory_space<hbm>> -> memref<1x125x80xi32, #tpu.memory_space<hbm>>
    %dma_start3A_11 = tpu.memref_squeeze %dma_start3A_10 : memref<1x125x80xi32, #tpu.memory_space<hbm>> -> memref<125x80xi32, #tpu.memory_space<hbm>>
    tpu.enqueue_dma source(%dma_start3A_11 : memref<125x80xi32, #tpu.memory_space<hbm>>) target(%arg7 : memref<125x80xi32, #tpu.memory_space<vmem>>) target_semaphore(%arg35 : memref<!tpu.dma_semaphore, #tpu.memory_space<semaphore_mem>>)
    %dma_start3A_12 = arith.constant 0 : i32
    %dma_start3A_13 = arith.constant 0 : i32
    %dma_start3A_14 = tpu.memref_slice %arg4[%add3A, %dma_start3A_12, %dma_start3A_13] : memref<32x125x80xi32, #tpu.memory_space<hbm>> -> memref<1x125x80xi32, #tpu.memory_space<hbm>>
    %dma_start3A_15 = tpu.memref_squeeze %dma_start3A_14 : memref<1x125x80xi32, #tpu.memory_space<hbm>> -> memref<125x80xi32, #tpu.memory_space<hbm>>
    %dma_start3A_16 = arith.constant 0 : i32
    %dma_start3A_17 = arith.constant 0 : i32
    %dma_start3A_18 = tpu.memref_slice %arg4[%add3A, %dma_start3A_16, %dma_start3A_17] : memref<32x125x80xi32, #tpu.memory_space<hbm>> -> memref<1x125x80xi32, #tpu.memory_space<hbm>>
    %dma_start3A_19 = tpu.memref_squeeze %dma_start3A_18 : memref<1x125x80xi32, #tpu.memory_space<hbm>> -> memref<125x80xi32, #tpu.memory_space<hbm>>
    tpu.enqueue_dma source(%dma_start3A_19 : memref<125x80xi32, #tpu.memory_space<hbm>>) target(%arg8 : memref<125x80xi32, #tpu.memory_space<vmem>>) target_semaphore(%arg36 : memref<!tpu.dma_semaphore, #tpu.memory_space<semaphore_mem>>)
    %dma_wait3A = arith.constant 0 : i32
    %dma_wait3A_20 = tpu.memref_slice %arg21[%mul3A_2, %dma_wait3A] : memref<10240x64xf32, #tpu.memory_space<vmem_shared>> -> memref<640x64xf32, #tpu.memory_space<vmem_shared>>
    tpu.wait_dma2 semaphore(%arg34 : memref<!tpu.dma_semaphore, #tpu.memory_space<semaphore_mem>>) src(%arg5 : memref<640x64xf32, #tpu.memory_space<hbm>>) dst(%dma_wait3A_20 : memref<640x64xf32, #tpu.memory_space<vmem_shared>>)
    %dma_wait3A_21 = arith.constant 0 : i32
    %dma_wait3A_22 = arith.constant 0 : i32
    %dma_wait3A_23 = tpu.memref_slice %arg3[%add3A, %dma_wait3A_21, %dma_wait3A_22] : memref<32x125x80xi32, #tpu.memory_space<hbm>> -> memref<1x125x80xi32, #tpu.memory_space<hbm>>
    %dma_wait3A_24 = tpu.memref_squeeze %dma_wait3A_23 : memref<1x125x80xi32, #tpu.memory_space<hbm>> -> memref<125x80xi32, #tpu.memory_space<hbm>>
    %dma_wait3A_25 = arith.constant 0 : i32
    %dma_wait3A_26 = arith.constant 0 : i32
    %dma_wait3A_27 = tpu.memref_slice %arg3[%add3A, %dma_wait3A_25, %dma_wait3A_26] : memref<32x125x80xi32, #tpu.memory_space<hbm>> -> memref<1x125x80xi32, #tpu.memory_space<hbm>>
    %dma_wait3A_28 = tpu.memref_squeeze %dma_wait3A_27 : memref<1x125x80xi32, #tpu.memory_space<hbm>> -> memref<125x80xi32, #tpu.memory_space<hbm>>
    tpu.wait_dma2 semaphore(%arg35 : memref<!tpu.dma_semaphore, #tpu.memory_space<semaphore_mem>>) src(%dma_wait3A_28 : memref<125x80xi32, #tpu.memory_space<hbm>>) dst(%arg7 : memref<125x80xi32, #tpu.memory_space<vmem>>)
    %dma_wait3A_29 = arith.constant 0 : i32
    %dma_wait3A_30 = arith.constant 0 : i32
    %dma_wait3A_31 = tpu.memref_slice %arg4[%add3A, %dma_wait3A_29, %dma_wait3A_30] : memref<32x125x80xi32, #tpu.memory_space<hbm>> -> memref<1x125x80xi32, #tpu.memory_space<hbm>>
    %dma_wait3A_32 = tpu.memref_squeeze %dma_wait3A_31 : memref<1x125x80xi32, #tpu.memory_space<hbm>> -> memref<125x80xi32, #tpu.memory_space<hbm>>
    %dma_wait3A_33 = arith.constant 0 : i32
    %dma_wait3A_34 = arith.constant 0 : i32
    %dma_wait3A_35 = tpu.memref_slice %arg4[%add3A, %dma_wait3A_33, %dma_wait3A_34] : memref<32x125x80xi32, #tpu.memory_space<hbm>> -> memref<1x125x80xi32, #tpu.memory_space<hbm>>
    %dma_wait3A_36 = tpu.memref_squeeze %dma_wait3A_35 : memref<1x125x80xi32, #tpu.memory_space<hbm>> -> memref<125x80xi32, #tpu.memory_space<hbm>>
    tpu.wait_dma2 semaphore(%arg36 : memref<!tpu.dma_semaphore, #tpu.memory_space<semaphore_mem>>) src(%dma_wait3A_36 : memref<125x80xi32, #tpu.memory_space<hbm>>) dst(%arg8 : memref<125x80xi32, #tpu.memory_space<vmem>>)
    %barrier3A = arith.constant 0 : index
    tpu.barrier barrier_id(%barrier3A)
    %dma_start3A_37 = arith.constant 0 : i32
    %dma_start3A_38 = arith.constant 0 : i32
    %dma_start3A_39 = tpu.memref_slice %arg7[%dma_start3A_37, %dma_start3A_38] : memref<125x80xi32, #tpu.memory_space<vmem>> -> memref<1x80xi32, #tpu.memory_space<vmem>>
    %dma_start3A_40 = tpu.memref_squeeze %dma_start3A_39 : memref<1x80xi32, #tpu.memory_space<vmem>> -> memref<80xi32, #tpu.memory_space<vmem>>
    %dma_start3A_41 = arith.constant 0 : i32
    %dma_start3A_42 = arith.constant 0 : i32
    %dma_start3A_43 = tpu.memref_slice %arg2[%dma_start3A_41, %dma_start3A_42] : memref<10000x64xf32, #tpu.memory_space<hbm>> -> memref<10000x64xf32, #tpu.memory_space<hbm>>
    tpu.enqueue_indirect_dma source(%dma_start3A_43 : memref<10000x64xf32, #tpu.memory_space<hbm>>) target(%arg9 : memref<80x64xf32, #tpu.memory_space<vmem>>) offsets(%dma_start3A_40 : memref<80xi32, #tpu.memory_space<vmem>>) semaphore(%arg22 : memref<!tpu.dma_semaphore, #tpu.memory_space<semaphore_mem>>)
    %dma_start3A_44 = arith.constant 1 : i32
    %dma_start3A_45 = arith.constant 0 : i32
    %dma_start3A_46 = tpu.memref_slice %arg7[%dma_start3A_44, %dma_start3A_45] : memref<125x80xi32, #tpu.memory_space<vmem>> -> memref<1x80xi32, #tpu.memory_space<vmem>>
    %dma_start3A_47 = tpu.memref_squeeze %dma_start3A_46 : memref<1x80xi32, #tpu.memory_space<vmem>> -> memref<80xi32, #tpu.memory_space<vmem>>
    %dma_start3A_48 = arith.constant 0 : i32
    %dma_start3A_49 = arith.constant 0 : i32
    %dma_start3A_50 = tpu.memref_slice %arg2[%dma_start3A_48, %dma_start3A_49] : memref<10000x64xf32, #tpu.memory_space<hbm>> -> memref<10000x64xf32, #tpu.memory_space<hbm>>
    tpu.enqueue_indirect_dma source(%dma_start3A_50 : memref<10000x64xf32, #tpu.memory_space<hbm>>) target(%arg10 : memref<80x64xf32, #tpu.memory_space<vmem>>) offsets(%dma_start3A_47 : memref<80xi32, #tpu.memory_space<vmem>>) semaphore(%arg23 : memref<!tpu.dma_semaphore, #tpu.memory_space<semaphore_mem>>)
    %dma_start3A_51 = arith.constant 2 : i32
    %dma_start3A_52 = arith.constant 0 : i32
    %dma_start3A_53 = tpu.memref_slice %arg7[%dma_start3A_51, %dma_start3A_52] : memref<125x80xi32, #tpu.memory_space<vmem>> -> memref<1x80xi32, #tpu.memory_space<vmem>>
    %dma_start3A_54 = tpu.memref_squeeze %dma_start3A_53 : memref<1x80xi32, #tpu.memory_space<vmem>> -> memref<80xi32, #tpu.memory_space<vmem>>
    %dma_start3A_55 = arith.constant 0 : i32
    %dma_start3A_56 = arith.constant 0 : i32
    %dma_start3A_57 = tpu.memref_slice %arg2[%dma_start3A_55, %dma_start3A_56] : memref<10000x64xf32, #tpu.memory_space<hbm>> -> memref<10000x64xf32, #tpu.memory_space<hbm>>
    tpu.enqueue_indirect_dma source(%dma_start3A_57 : memref<10000x64xf32, #tpu.memory_space<hbm>>) target(%arg11 : memref<80x64xf32, #tpu.memory_space<vmem>>) offsets(%dma_start3A_54 : memref<80xi32, #tpu.memory_space<vmem>>) semaphore(%arg24 : memref<!tpu.dma_semaphore, #tpu.memory_space<semaphore_mem>>)
    %dma_start3A_58 = arith.constant 3 : i32
    %dma_start3A_59 = arith.constant 0 : i32
    %dma_start3A_60 = tpu.memref_slice %arg7[%dma_start3A_58, %dma_start3A_59] : memref<125x80xi32, #tpu.memory_space<vmem>> -> memref<1x80xi32, #tpu.memory_space<vmem>>
    %dma_start3A_61 = tpu.memref_squeeze %dma_start3A_60 : memref<1x80xi32, #tpu.memory_space<vmem>> -> memref<80xi32, #tpu.memory_space<vmem>>
    %dma_start3A_62 = arith.constant 0 : i32
    %dma_start3A_63 = arith.constant 0 : i32
    %dma_start3A_64 = tpu.memref_slice %arg2[%dma_start3A_62, %dma_start3A_63] : memref<10000x64xf32, #tpu.memory_space<hbm>> -> memref<10000x64xf32, #tpu.memory_space<hbm>>
    tpu.enqueue_indirect_dma source(%dma_start3A_64 : memref<10000x64xf32, #tpu.memory_space<hbm>>) target(%arg12 : memref<80x64xf32, #tpu.memory_space<vmem>>) offsets(%dma_start3A_61 : memref<80xi32, #tpu.memory_space<vmem>>) semaphore(%arg25 : memref<!tpu.dma_semaphore, #tpu.memory_space<semaphore_mem>>)
    %dma_start3A_65 = arith.constant 4 : i32
    %dma_start3A_66 = arith.constant 0 : i32
    %dma_start3A_67 = tpu.memref_slice %arg7[%dma_start3A_65, %dma_start3A_66] : memref<125x80xi32, #tpu.memory_space<vmem>> -> memref<1x80xi32, #tpu.memory_space<vmem>>
    %dma_start3A_68 = tpu.memref_squeeze %dma_start3A_67 : memref<1x80xi32, #tpu.memory_space<vmem>> -> memref<80xi32, #tpu.memory_space<vmem>>
    %dma_start3A_69 = arith.constant 0 : i32
    %dma_start3A_70 = arith.constant 0 : i32
    %dma_start3A_71 = tpu.memref_slice %arg2[%dma_start3A_69, %dma_start3A_70] : memref<10000x64xf32, #tpu.memory_space<hbm>> -> memref<10000x64xf32, #tpu.memory_space<hbm>>
    tpu.enqueue_indirect_dma source(%dma_start3A_71 : memref<10000x64xf32, #tpu.memory_space<hbm>>) target(%arg13 : memref<80x64xf32, #tpu.memory_space<vmem>>) offsets(%dma_start3A_68 : memref<80xi32, #tpu.memory_space<vmem>>) semaphore(%arg26 : memref<!tpu.dma_semaphore, #tpu.memory_space<semaphore_mem>>)
    %dma_start3A_72 = arith.constant 5 : i32
    %dma_start3A_73 = arith.constant 0 : i32
    %dma_start3A_74 = tpu.memref_slice %arg7[%dma_start3A_72, %dma_start3A_73] : memref<125x80xi32, #tpu.memory_space<vmem>> -> memref<1x80xi32, #tpu.memory_space<vmem>>
    %dma_start3A_75 = tpu.memref_squeeze %dma_start3A_74 : memref<1x80xi32, #tpu.memory_space<vmem>> -> memref<80xi32, #tpu.memory_space<vmem>>
    %dma_start3A_76 = arith.constant 0 : i32
    %dma_start3A_77 = arith.constant 0 : i32
    %dma_start3A_78 = tpu.memref_slice %arg2[%dma_start3A_76, %dma_start3A_77] : memref<10000x64xf32, #tpu.memory_space<hbm>> -> memref<10000x64xf32, #tpu.memory_space<hbm>>
    tpu.enqueue_indirect_dma source(%dma_start3A_78 : memref<10000x64xf32, #tpu.memory_space<hbm>>) target(%arg14 : memref<80x64xf32, #tpu.memory_space<vmem>>) offsets(%dma_start3A_75 : memref<80xi32, #tpu.memory_space<vmem>>) semaphore(%arg27 : memref<!tpu.dma_semaphore, #tpu.memory_space<semaphore_mem>>)
    %dma_start3A_79 = arith.constant 6 : i32
    %dma_start3A_80 = arith.constant 0 : i32
    %dma_start3A_81 = tpu.memref_slice %arg7[%dma_start3A_79, %dma_start3A_80] : memref<125x80xi32, #tpu.memory_space<vmem>> -> memref<1x80xi32, #tpu.memory_space<vmem>>
    %dma_start3A_82 = tpu.memref_squeeze %dma_start3A_81 : memref<1x80xi32, #tpu.memory_space<vmem>> -> memref<80xi32, #tpu.memory_space<vmem>>
    %dma_start3A_83 = arith.constant 0 : i32
    %dma_start3A_84 = arith.constant 0 : i32
    %dma_start3A_85 = tpu.memref_slice %arg2[%dma_start3A_83, %dma_start3A_84] : memref<10000x64xf32, #tpu.memory_space<hbm>> -> memref<10000x64xf32, #tpu.memory_space<hbm>>
    tpu.enqueue_indirect_dma source(%dma_start3A_85 : memref<10000x64xf32, #tpu.memory_space<hbm>>) target(%arg15 : memref<80x64xf32, #tpu.memory_space<vmem>>) offsets(%dma_start3A_82 : memref<80xi32, #tpu.memory_space<vmem>>) semaphore(%arg28 : memref<!tpu.dma_semaphore, #tpu.memory_space<semaphore_mem>>)
    %dma_start3A_86 = arith.constant 7 : i32
    %dma_start3A_87 = arith.constant 0 : i32
    %dma_start3A_88 = tpu.memref_slice %arg7[%dma_start3A_86, %dma_start3A_87] : memref<125x80xi32, #tpu.memory_space<vmem>> -> memref<1x80xi32, #tpu.memory_space<vmem>>
    %dma_start3A_89 = tpu.memref_squeeze %dma_start3A_88 : memref<1x80xi32, #tpu.memory_space<vmem>> -> memref<80xi32, #tpu.memory_space<vmem>>
    %dma_start3A_90 = arith.constant 0 : i32
    %dma_start3A_91 = arith.constant 0 : i32
    %dma_start3A_92 = tpu.memref_slice %arg2[%dma_start3A_90, %dma_start3A_91] : memref<10000x64xf32, #tpu.memory_space<hbm>> -> memref<10000x64xf32, #tpu.memory_space<hbm>>
    tpu.enqueue_indirect_dma source(%dma_start3A_92 : memref<10000x64xf32, #tpu.memory_space<hbm>>) target(%arg16 : memref<80x64xf32, #tpu.memory_space<vmem>>) offsets(%dma_start3A_89 : memref<80xi32, #tpu.memory_space<vmem>>) semaphore(%arg29 : memref<!tpu.dma_semaphore, #tpu.memory_space<semaphore_mem>>)
    %dma_start3A_93 = arith.constant 8 : i32
    %dma_start3A_94 = arith.constant 0 : i32
    %dma_start3A_95 = tpu.memref_slice %arg7[%dma_start3A_93, %dma_start3A_94] : memref<125x80xi32, #tpu.memory_space<vmem>> -> memref<1x80xi32, #tpu.memory_space<vmem>>
    %dma_start3A_96 = tpu.memref_squeeze %dma_start3A_95 : memref<1x80xi32, #tpu.memory_space<vmem>> -> memref<80xi32, #tpu.memory_space<vmem>>
    %dma_start3A_97 = arith.constant 0 : i32
    %dma_start3A_98 = arith.constant 0 : i32
    %dma_start3A_99 = tpu.memref_slice %arg2[%dma_start3A_97, %dma_start3A_98] : memref<10000x64xf32, #tpu.memory_space<hbm>> -> memref<10000x64xf32, #tpu.memory_space<hbm>>
    tpu.enqueue_indirect_dma source(%dma_start3A_99 : memref<10000x64xf32, #tpu.memory_space<hbm>>) target(%arg17 : memref<80x64xf32, #tpu.memory_space<vmem>>) offsets(%dma_start3A_96 : memref<80xi32, #tpu.memory_space<vmem>>) semaphore(%arg30 : memref<!tpu.dma_semaphore, #tpu.memory_space<semaphore_mem>>)
    %dma_start3A_100 = arith.constant 9 : i32
    %dma_start3A_101 = arith.constant 0 : i32
    %dma_start3A_102 = tpu.memref_slice %arg7[%dma_start3A_100, %dma_start3A_101] : memref<125x80xi32, #tpu.memory_space<vmem>> -> memref<1x80xi32, #tpu.memory_space<vmem>>
    %dma_start3A_103 = tpu.memref_squeeze %dma_start3A_102 : memref<1x80xi32, #tpu.memory_space<vmem>> -> memref<80xi32, #tpu.memory_space<vmem>>
    %dma_start3A_104 = arith.constant 0 : i32
    %dma_start3A_105 = arith.constant 0 : i32
    %dma_start3A_106 = tpu.memref_slice %arg2[%dma_start3A_104, %dma_start3A_105] : memref<10000x64xf32, #tpu.memory_space<hbm>> -> memref<10000x64xf32, #tpu.memory_space<hbm>>
    tpu.enqueue_indirect_dma source(%dma_start3A_106 : memref<10000x64xf32, #tpu.memory_space<hbm>>) target(%arg18 : memref<80x64xf32, #tpu.memory_space<vmem>>) offsets(%dma_start3A_103 : memref<80xi32, #tpu.memory_space<vmem>>) semaphore(%arg31 : memref<!tpu.dma_semaphore, #tpu.memory_space<semaphore_mem>>)
    %dma_start3A_107 = arith.constant 10 : i32
    %dma_start3A_108 = arith.constant 0 : i32
    %dma_start3A_109 = tpu.memref_slice %arg7[%dma_start3A_107, %dma_start3A_108] : memref<125x80xi32, #tpu.memory_space<vmem>> -> memref<1x80xi32, #tpu.memory_space<vmem>>
    %dma_start3A_110 = tpu.memref_squeeze %dma_start3A_109 : memref<1x80xi32, #tpu.memory_space<vmem>> -> memref<80xi32, #tpu.memory_space<vmem>>
    %dma_start3A_111 = arith.constant 0 : i32
    %dma_start3A_112 = arith.constant 0 : i32
    %dma_start3A_113 = tpu.memref_slice %arg2[%dma_start3A_111, %dma_start3A_112] : memref<10000x64xf32, #tpu.memory_space<hbm>> -> memref<10000x64xf32, #tpu.memory_space<hbm>>
    tpu.enqueue_indirect_dma source(%dma_start3A_113 : memref<10000x64xf32, #tpu.memory_space<hbm>>) target(%arg19 : memref<80x64xf32, #tpu.memory_space<vmem>>) offsets(%dma_start3A_110 : memref<80xi32, #tpu.memory_space<vmem>>) semaphore(%arg32 : memref<!tpu.dma_semaphore, #tpu.memory_space<semaphore_mem>>)
    %dma_start3A_114 = arith.constant 11 : i32
    %dma_start3A_115 = arith.constant 0 : i32
    %dma_start3A_116 = tpu.memref_slice %arg7[%dma_start3A_114, %dma_start3A_115] : memref<125x80xi32, #tpu.memory_space<vmem>> -> memref<1x80xi32, #tpu.memory_space<vmem>>
    %dma_start3A_117 = tpu.memref_squeeze %dma_start3A_116 : memref<1x80xi32, #tpu.memory_space<vmem>> -> memref<80xi32, #tpu.memory_space<vmem>>
    %dma_start3A_118 = arith.constant 0 : i32
    %dma_start3A_119 = arith.constant 0 : i32
    %dma_start3A_120 = tpu.memref_slice %arg2[%dma_start3A_118, %dma_start3A_119] : memref<10000x64xf32, #tpu.memory_space<hbm>> -> memref<10000x64xf32, #tpu.memory_space<hbm>>
    tpu.enqueue_indirect_dma source(%dma_start3A_120 : memref<10000x64xf32, #tpu.memory_space<hbm>>) target(%arg20 : memref<80x64xf32, #tpu.memory_space<vmem>>) offsets(%dma_start3A_117 : memref<80xi32, #tpu.memory_space<vmem>>) semaphore(%arg33 : memref<!tpu.dma_semaphore, #tpu.memory_space<semaphore_mem>>)
    %scan3A = arith.constant 0 : i32
    %scan3A_121 = arith.constant 0 : i32
    %scan3A_122 = arith.constant 10 : i32
    %scan3A_123 = arith.addi %scan3A_121, %scan3A_122 : i32
    %scan3A_124 = arith.constant 1 : i32
    scf.for %scan3A_236 = %scan3A_121 to %scan3A_123 step %scan3A_124  : i32 {
      %mul3A_237 = arith.constant 12 : i32
      %mul3A_238 = arith.muli %mul3A_237, %scan3A_236 : i32
      %add3A_239 = arith.constant 0 : i32
      %add3A_240 = arith.addi %mul3A_238, %add3A_239 : i32
      %dma_wait3A_241 = arith.constant 0 : i32
      %dma_wait3A_242 = tpu.memref_slice %arg7[%add3A_240, %dma_wait3A_241] : memref<125x80xi32, #tpu.memory_space<vmem>> -> memref<1x80xi32, #tpu.memory_space<vmem>>
      %dma_wait3A_243 = tpu.memref_squeeze %dma_wait3A_242 : memref<1x80xi32, #tpu.memory_space<vmem>> -> memref<80xi32, #tpu.memory_space<vmem>>
      %dma_wait3A_244 = arith.constant 0 : i32
      %dma_wait3A_245 = arith.constant 0 : i32
      %dma_wait3A_246 = tpu.memref_slice %arg2[%dma_wait3A_244, %dma_wait3A_245] : memref<10000x64xf32, #tpu.memory_space<hbm>> -> memref<10000x64xf32, #tpu.memory_space<hbm>>
      tpu.wait_indirect_dma semaphore(%arg22 : memref<!tpu.dma_semaphore, #tpu.memory_space<semaphore_mem>>) src(%dma_wait3A_246 : memref<10000x64xf32, #tpu.memory_space<hbm>>) dst(%arg9 : memref<80x64xf32, #tpu.memory_space<vmem>>)
      %add3A_247 = arith.constant 0 : i32
      %add3A_248 = arith.addi %mul3A_238, %add3A_247 : i32
      %dma_start3A_249 = arith.constant 0 : i32
      %dma_start3A_250 = tpu.memref_slice %arg8[%add3A_248, %dma_start3A_249] : memref<125x80xi32, #tpu.memory_space<vmem>> -> memref<1x80xi32, #tpu.memory_space<vmem>>
      %dma_start3A_251 = tpu.memref_squeeze %dma_start3A_250 : memref<1x80xi32, #tpu.memory_space<vmem>> -> memref<80xi32, #tpu.memory_space<vmem>>
      %dma_start3A_252 = arith.constant 0 : i32
      %dma_start3A_253 = arith.constant 0 : i32
      %dma_start3A_254 = tpu.memref_slice %arg21[%dma_start3A_252, %dma_start3A_253] : memref<10240x64xf32, #tpu.memory_space<vmem_shared>> -> memref<10240x64xf32, #tpu.memory_space<vmem_shared>>
      tpu.enqueue_indirect_dma source(%arg9 : memref<80x64xf32, #tpu.memory_space<vmem>>) target(%dma_start3A_254 : memref<10240x64xf32, #tpu.memory_space<vmem_shared>>) offsets(%dma_start3A_251 : memref<80xi32, #tpu.memory_space<vmem>>) semaphore(%arg34 : memref<!tpu.dma_semaphore, #tpu.memory_space<semaphore_mem>>) {add = true}
      %add3A_255 = arith.constant 1 : i32
      %add3A_256 = arith.addi %mul3A_238, %add3A_255 : i32
      %dma_wait3A_257 = arith.constant 0 : i32
      %dma_wait3A_258 = tpu.memref_slice %arg7[%add3A_256, %dma_wait3A_257] : memref<125x80xi32, #tpu.memory_space<vmem>> -> memref<1x80xi32, #tpu.memory_space<vmem>>
      %dma_wait3A_259 = tpu.memref_squeeze %dma_wait3A_258 : memref<1x80xi32, #tpu.memory_space<vmem>> -> memref<80xi32, #tpu.memory_space<vmem>>
      %dma_wait3A_260 = arith.constant 0 : i32
      %dma_wait3A_261 = arith.constant 0 : i32
      %dma_wait3A_262 = tpu.memref_slice %arg2[%dma_wait3A_260, %dma_wait3A_261] : memref<10000x64xf32, #tpu.memory_space<hbm>> -> memref<10000x64xf32, #tpu.memory_space<hbm>>
      tpu.wait_indirect_dma semaphore(%arg23 : memref<!tpu.dma_semaphore, #tpu.memory_space<semaphore_mem>>) src(%dma_wait3A_262 : memref<10000x64xf32, #tpu.memory_space<hbm>>) dst(%arg10 : memref<80x64xf32, #tpu.memory_space<vmem>>)
      %add3A_263 = arith.constant 1 : i32
      %add3A_264 = arith.addi %mul3A_238, %add3A_263 : i32
      %dma_start3A_265 = arith.constant 0 : i32
      %dma_start3A_266 = tpu.memref_slice %arg8[%add3A_264, %dma_start3A_265] : memref<125x80xi32, #tpu.memory_space<vmem>> -> memref<1x80xi32, #tpu.memory_space<vmem>>
      %dma_start3A_267 = tpu.memref_squeeze %dma_start3A_266 : memref<1x80xi32, #tpu.memory_space<vmem>> -> memref<80xi32, #tpu.memory_space<vmem>>
      %dma_start3A_268 = arith.constant 0 : i32
      %dma_start3A_269 = arith.constant 0 : i32
      %dma_start3A_270 = tpu.memref_slice %arg21[%dma_start3A_268, %dma_start3A_269] : memref<10240x64xf32, #tpu.memory_space<vmem_shared>> -> memref<10240x64xf32, #tpu.memory_space<vmem_shared>>
      tpu.enqueue_indirect_dma source(%arg10 : memref<80x64xf32, #tpu.memory_space<vmem>>) target(%dma_start3A_270 : memref<10240x64xf32, #tpu.memory_space<vmem_shared>>) offsets(%dma_start3A_267 : memref<80xi32, #tpu.memory_space<vmem>>) semaphore(%arg35 : memref<!tpu.dma_semaphore, #tpu.memory_space<semaphore_mem>>) {add = true}
      %add3A_271 = arith.constant 2 : i32
      %add3A_272 = arith.addi %mul3A_238, %add3A_271 : i32
      %dma_wait3A_273 = arith.constant 0 : i32
      %dma_wait3A_274 = tpu.memref_slice %arg7[%add3A_272, %dma_wait3A_273] : memref<125x80xi32, #tpu.memory_space<vmem>> -> memref<1x80xi32, #tpu.memory_space<vmem>>
      %dma_wait3A_275 = tpu.memref_squeeze %dma_wait3A_274 : memref<1x80xi32, #tpu.memory_space<vmem>> -> memref<80xi32, #tpu.memory_space<vmem>>
      %dma_wait3A_276 = arith.constant 0 : i32
      %dma_wait3A_277 = arith.constant 0 : i32
      %dma_wait3A_278 = tpu.memref_slice %arg2[%dma_wait3A_276, %dma_wait3A_277] : memref<10000x64xf32, #tpu.memory_space<hbm>> -> memref<10000x64xf32, #tpu.memory_space<hbm>>
      tpu.wait_indirect_dma semaphore(%arg24 : memref<!tpu.dma_semaphore, #tpu.memory_space<semaphore_mem>>) src(%dma_wait3A_278 : memref<10000x64xf32, #tpu.memory_space<hbm>>) dst(%arg11 : memref<80x64xf32, #tpu.memory_space<vmem>>)
      %add3A_279 = arith.constant 2 : i32
      %add3A_280 = arith.addi %mul3A_238, %add3A_279 : i32
      %dma_start3A_281 = arith.constant 0 : i32
      %dma_start3A_282 = tpu.memref_slice %arg8[%add3A_280, %dma_start3A_281] : memref<125x80xi32, #tpu.memory_space<vmem>> -> memref<1x80xi32, #tpu.memory_space<vmem>>
      %dma_start3A_283 = tpu.memref_squeeze %dma_start3A_282 : memref<1x80xi32, #tpu.memory_space<vmem>> -> memref<80xi32, #tpu.memory_space<vmem>>
      %dma_start3A_284 = arith.constant 0 : i32
      %dma_start3A_285 = arith.constant 0 : i32
      %dma_start3A_286 = tpu.memref_slice %arg21[%dma_start3A_284, %dma_start3A_285] : memref<10240x64xf32, #tpu.memory_space<vmem_shared>> -> memref<10240x64xf32, #tpu.memory_space<vmem_shared>>
      tpu.enqueue_indirect_dma source(%arg11 : memref<80x64xf32, #tpu.memory_space<vmem>>) target(%dma_start3A_286 : memref<10240x64xf32, #tpu.memory_space<vmem_shared>>) offsets(%dma_start3A_283 : memref<80xi32, #tpu.memory_space<vmem>>) semaphore(%arg36 : memref<!tpu.dma_semaphore, #tpu.memory_space<semaphore_mem>>) {add = true}
      %add3A_287 = arith.constant 3 : i32
      %add3A_288 = arith.addi %mul3A_238, %add3A_287 : i32
      %dma_wait3A_289 = arith.constant 0 : i32
      %dma_wait3A_290 = tpu.memref_slice %arg7[%add3A_288, %dma_wait3A_289] : memref<125x80xi32, #tpu.memory_space<vmem>> -> memref<1x80xi32, #tpu.memory_space<vmem>>
      %dma_wait3A_291 = tpu.memref_squeeze %dma_wait3A_290 : memref<1x80xi32, #tpu.memory_space<vmem>> -> memref<80xi32, #tpu.memory_space<vmem>>
      %dma_wait3A_292 = arith.constant 0 : i32
      %dma_wait3A_293 = arith.constant 0 : i32
      %dma_wait3A_294 = tpu.memref_slice %arg2[%dma_wait3A_292, %dma_wait3A_293] : memref<10000x64xf32, #tpu.memory_space<hbm>> -> memref<10000x64xf32, #tpu.memory_space<hbm>>
      tpu.wait_indirect_dma semaphore(%arg25 : memref<!tpu.dma_semaphore, #tpu.memory_space<semaphore_mem>>) src(%dma_wait3A_294 : memref<10000x64xf32, #tpu.memory_space<hbm>>) dst(%arg12 : memref<80x64xf32, #tpu.memory_space<vmem>>)
      %add3A_295 = arith.constant 3 : i32
      %add3A_296 = arith.addi %mul3A_238, %add3A_295 : i32
      %dma_start3A_297 = arith.constant 0 : i32
      %dma_start3A_298 = tpu.memref_slice %arg8[%add3A_296, %dma_start3A_297] : memref<125x80xi32, #tpu.memory_space<vmem>> -> memref<1x80xi32, #tpu.memory_space<vmem>>
      %dma_start3A_299 = tpu.memref_squeeze %dma_start3A_298 : memref<1x80xi32, #tpu.memory_space<vmem>> -> memref<80xi32, #tpu.memory_space<vmem>>
      %dma_start3A_300 = arith.constant 0 : i32
      %dma_start3A_301 = arith.constant 0 : i32
      %dma_start3A_302 = tpu.memref_slice %arg21[%dma_start3A_300, %dma_start3A_301] : memref<10240x64xf32, #tpu.memory_space<vmem_shared>> -> memref<10240x64xf32, #tpu.memory_space<vmem_shared>>
      tpu.enqueue_indirect_dma source(%arg12 : memref<80x64xf32, #tpu.memory_space<vmem>>) target(%dma_start3A_302 : memref<10240x64xf32, #tpu.memory_space<vmem_shared>>) offsets(%dma_start3A_299 : memref<80xi32, #tpu.memory_space<vmem>>) semaphore(%arg37 : memref<!tpu.dma_semaphore, #tpu.memory_space<semaphore_mem>>) {add = true}
      %add3A_303 = arith.constant 4 : i32
      %add3A_304 = arith.addi %mul3A_238, %add3A_303 : i32
      %dma_wait3A_305 = arith.constant 0 : i32
      %dma_wait3A_306 = tpu.memref_slice %arg7[%add3A_304, %dma_wait3A_305] : memref<125x80xi32, #tpu.memory_space<vmem>> -> memref<1x80xi32, #tpu.memory_space<vmem>>
      %dma_wait3A_307 = tpu.memref_squeeze %dma_wait3A_306 : memref<1x80xi32, #tpu.memory_space<vmem>> -> memref<80xi32, #tpu.memory_space<vmem>>
      %dma_wait3A_308 = arith.constant 0 : i32
      %dma_wait3A_309 = arith.constant 0 : i32
      %dma_wait3A_310 = tpu.memref_slice %arg2[%dma_wait3A_308, %dma_wait3A_309] : memref<10000x64xf32, #tpu.memory_space<hbm>> -> memref<10000x64xf32, #tpu.memory_space<hbm>>
      tpu.wait_indirect_dma semaphore(%arg26 : memref<!tpu.dma_semaphore, #tpu.memory_space<semaphore_mem>>) src(%dma_wait3A_310 : memref<10000x64xf32, #tpu.memory_space<hbm>>) dst(%arg13 : memref<80x64xf32, #tpu.memory_space<vmem>>)
      %add3A_311 = arith.constant 4 : i32
      %add3A_312 = arith.addi %mul3A_238, %add3A_311 : i32
      %dma_start3A_313 = arith.constant 0 : i32
      %dma_start3A_314 = tpu.memref_slice %arg8[%add3A_312, %dma_start3A_313] : memref<125x80xi32, #tpu.memory_space<vmem>> -> memref<1x80xi32, #tpu.memory_space<vmem>>
      %dma_start3A_315 = tpu.memref_squeeze %dma_start3A_314 : memref<1x80xi32, #tpu.memory_space<vmem>> -> memref<80xi32, #tpu.memory_space<vmem>>
      %dma_start3A_316 = arith.constant 0 : i32
      %dma_start3A_317 = arith.constant 0 : i32
      %dma_start3A_318 = tpu.memref_slice %arg21[%dma_start3A_316, %dma_start3A_317] : memref<10240x64xf32, #tpu.memory_space<vmem_shared>> -> memref<10240x64xf32, #tpu.memory_space<vmem_shared>>
      tpu.enqueue_indirect_dma source(%arg13 : memref<80x64xf32, #tpu.memory_space<vmem>>) target(%dma_start3A_318 : memref<10240x64xf32, #tpu.memory_space<vmem_shared>>) offsets(%dma_start3A_315 : memref<80xi32, #tpu.memory_space<vmem>>) semaphore(%arg38 : memref<!tpu.dma_semaphore, #tpu.memory_space<semaphore_mem>>) {add = true}
      %add3A_319 = arith.constant 5 : i32
      %add3A_320 = arith.addi %mul3A_238, %add3A_319 : i32
      %dma_wait3A_321 = arith.constant 0 : i32
      %dma_wait3A_322 = tpu.memref_slice %arg7[%add3A_320, %dma_wait3A_321] : memref<125x80xi32, #tpu.memory_space<vmem>> -> memref<1x80xi32, #tpu.memory_space<vmem>>
      %dma_wait3A_323 = tpu.memref_squeeze %dma_wait3A_322 : memref<1x80xi32, #tpu.memory_space<vmem>> -> memref<80xi32, #tpu.memory_space<vmem>>
      %dma_wait3A_324 = arith.constant 0 : i32
      %dma_wait3A_325 = arith.constant 0 : i32
      %dma_wait3A_326 = tpu.memref_slice %arg2[%dma_wait3A_324, %dma_wait3A_325] : memref<10000x64xf32, #tpu.memory_space<hbm>> -> memref<10000x64xf32, #tpu.memory_space<hbm>>
      tpu.wait_indirect_dma semaphore(%arg27 : memref<!tpu.dma_semaphore, #tpu.memory_space<semaphore_mem>>) src(%dma_wait3A_326 : memref<10000x64xf32, #tpu.memory_space<hbm>>) dst(%arg14 : memref<80x64xf32, #tpu.memory_space<vmem>>)
      %add3A_327 = arith.constant 5 : i32
      %add3A_328 = arith.addi %mul3A_238, %add3A_327 : i32
      %dma_start3A_329 = arith.constant 0 : i32
      %dma_start3A_330 = tpu.memref_slice %arg8[%add3A_328, %dma_start3A_329] : memref<125x80xi32, #tpu.memory_space<vmem>> -> memref<1x80xi32, #tpu.memory_space<vmem>>
      %dma_start3A_331 = tpu.memref_squeeze %dma_start3A_330 : memref<1x80xi32, #tpu.memory_space<vmem>> -> memref<80xi32, #tpu.memory_space<vmem>>
      %dma_start3A_332 = arith.constant 0 : i32
      %dma_start3A_333 = arith.constant 0 : i32
      %dma_start3A_334 = tpu.memref_slice %arg21[%dma_start3A_332, %dma_start3A_333] : memref<10240x64xf32, #tpu.memory_space<vmem_shared>> -> memref<10240x64xf32, #tpu.memory_space<vmem_shared>>
      tpu.enqueue_indirect_dma source(%arg14 : memref<80x64xf32, #tpu.memory_space<vmem>>) target(%dma_start3A_334 : memref<10240x64xf32, #tpu.memory_space<vmem_shared>>) offsets(%dma_start3A_331 : memref<80xi32, #tpu.memory_space<vmem>>) semaphore(%arg39 : memref<!tpu.dma_semaphore, #tpu.memory_space<semaphore_mem>>) {add = true}
      %add3A_335 = arith.constant 6 : i32
      %add3A_336 = arith.addi %mul3A_238, %add3A_335 : i32
      %dma_wait3A_337 = arith.constant 0 : i32
      %dma_wait3A_338 = tpu.memref_slice %arg7[%add3A_336, %dma_wait3A_337] : memref<125x80xi32, #tpu.memory_space<vmem>> -> memref<1x80xi32, #tpu.memory_space<vmem>>
      %dma_wait3A_339 = tpu.memref_squeeze %dma_wait3A_338 : memref<1x80xi32, #tpu.memory_space<vmem>> -> memref<80xi32, #tpu.memory_space<vmem>>
      %dma_wait3A_340 = arith.constant 0 : i32
      %dma_wait3A_341 = arith.constant 0 : i32
      %dma_wait3A_342 = tpu.memref_slice %arg2[%dma_wait3A_340, %dma_wait3A_341] : memref<10000x64xf32, #tpu.memory_space<hbm>> -> memref<10000x64xf32, #tpu.memory_space<hbm>>
      tpu.wait_indirect_dma semaphore(%arg28 : memref<!tpu.dma_semaphore, #tpu.memory_space<semaphore_mem>>) src(%dma_wait3A_342 : memref<10000x64xf32, #tpu.memory_space<hbm>>) dst(%arg15 : memref<80x64xf32, #tpu.memory_space<vmem>>)
      %add3A_343 = arith.constant 6 : i32
      %add3A_344 = arith.addi %mul3A_238, %add3A_343 : i32
      %dma_start3A_345 = arith.constant 0 : i32
      %dma_start3A_346 = tpu.memref_slice %arg8[%add3A_344, %dma_start3A_345] : memref<125x80xi32, #tpu.memory_space<vmem>> -> memref<1x80xi32, #tpu.memory_space<vmem>>
      %dma_start3A_347 = tpu.memref_squeeze %dma_start3A_346 : memref<1x80xi32, #tpu.memory_space<vmem>> -> memref<80xi32, #tpu.memory_space<vmem>>
      %dma_start3A_348 = arith.constant 0 : i32
      %dma_start3A_349 = arith.constant 0 : i32
      %dma_start3A_350 = tpu.memref_slice %arg21[%dma_start3A_348, %dma_start3A_349] : memref<10240x64xf32, #tpu.memory_space<vmem_shared>> -> memref<10240x64xf32, #tpu.memory_space<vmem_shared>>
      tpu.enqueue_indirect_dma source(%arg15 : memref<80x64xf32, #tpu.memory_space<vmem>>) target(%dma_start3A_350 : memref<10240x64xf32, #tpu.memory_space<vmem_shared>>) offsets(%dma_start3A_347 : memref<80xi32, #tpu.memory_space<vmem>>) semaphore(%arg40 : memref<!tpu.dma_semaphore, #tpu.memory_space<semaphore_mem>>) {add = true}
      %add3A_351 = arith.constant 7 : i32
      %add3A_352 = arith.addi %mul3A_238, %add3A_351 : i32
      %dma_wait3A_353 = arith.constant 0 : i32
      %dma_wait3A_354 = tpu.memref_slice %arg7[%add3A_352, %dma_wait3A_353] : memref<125x80xi32, #tpu.memory_space<vmem>> -> memref<1x80xi32, #tpu.memory_space<vmem>>
      %dma_wait3A_355 = tpu.memref_squeeze %dma_wait3A_354 : memref<1x80xi32, #tpu.memory_space<vmem>> -> memref<80xi32, #tpu.memory_space<vmem>>
      %dma_wait3A_356 = arith.constant 0 : i32
      %dma_wait3A_357 = arith.constant 0 : i32
      %dma_wait3A_358 = tpu.memref_slice %arg2[%dma_wait3A_356, %dma_wait3A_357] : memref<10000x64xf32, #tpu.memory_space<hbm>> -> memref<10000x64xf32, #tpu.memory_space<hbm>>
      tpu.wait_indirect_dma semaphore(%arg29 : memref<!tpu.dma_semaphore, #tpu.memory_space<semaphore_mem>>) src(%dma_wait3A_358 : memref<10000x64xf32, #tpu.memory_space<hbm>>) dst(%arg16 : memref<80x64xf32, #tpu.memory_space<vmem>>)
      %add3A_359 = arith.constant 7 : i32
      %add3A_360 = arith.addi %mul3A_238, %add3A_359 : i32
      %dma_start3A_361 = arith.constant 0 : i32
      %dma_start3A_362 = tpu.memref_slice %arg8[%add3A_360, %dma_start3A_361] : memref<125x80xi32, #tpu.memory_space<vmem>> -> memref<1x80xi32, #tpu.memory_space<vmem>>
      %dma_start3A_363 = tpu.memref_squeeze %dma_start3A_362 : memref<1x80xi32, #tpu.memory_space<vmem>> -> memref<80xi32, #tpu.memory_space<vmem>>
      %dma_start3A_364 = arith.constant 0 : i32
      %dma_start3A_365 = arith.constant 0 : i32
      %dma_start3A_366 = tpu.memref_slice %arg21[%dma_start3A_364, %dma_start3A_365] : memref<10240x64xf32, #tpu.memory_space<vmem_shared>> -> memref<10240x64xf32, #tpu.memory_space<vmem_shared>>
      tpu.enqueue_indirect_dma source(%arg16 : memref<80x64xf32, #tpu.memory_space<vmem>>) target(%dma_start3A_366 : memref<10240x64xf32, #tpu.memory_space<vmem_shared>>) offsets(%dma_start3A_363 : memref<80xi32, #tpu.memory_space<vmem>>) semaphore(%arg41 : memref<!tpu.dma_semaphore, #tpu.memory_space<semaphore_mem>>) {add = true}
      %add3A_367 = arith.constant 8 : i32
      %add3A_368 = arith.addi %mul3A_238, %add3A_367 : i32
      %dma_wait3A_369 = arith.constant 0 : i32
      %dma_wait3A_370 = tpu.memref_slice %arg7[%add3A_368, %dma_wait3A_369] : memref<125x80xi32, #tpu.memory_space<vmem>> -> memref<1x80xi32, #tpu.memory_space<vmem>>
      %dma_wait3A_371 = tpu.memref_squeeze %dma_wait3A_370 : memref<1x80xi32, #tpu.memory_space<vmem>> -> memref<80xi32, #tpu.memory_space<vmem>>
      %dma_wait3A_372 = arith.constant 0 : i32
      %dma_wait3A_373 = arith.constant 0 : i32
      %dma_wait3A_374 = tpu.memref_slice %arg2[%dma_wait3A_372, %dma_wait3A_373] : memref<10000x64xf32, #tpu.memory_space<hbm>> -> memref<10000x64xf32, #tpu.memory_space<hbm>>
      tpu.wait_indirect_dma semaphore(%arg30 : memref<!tpu.dma_semaphore, #tpu.memory_space<semaphore_mem>>) src(%dma_wait3A_374 : memref<10000x64xf32, #tpu.memory_space<hbm>>) dst(%arg17 : memref<80x64xf32, #tpu.memory_space<vmem>>)
      %add3A_375 = arith.constant 8 : i32
      %add3A_376 = arith.addi %mul3A_238, %add3A_375 : i32
      %dma_start3A_377 = arith.constant 0 : i32
      %dma_start3A_378 = tpu.memref_slice %arg8[%add3A_376, %dma_start3A_377] : memref<125x80xi32, #tpu.memory_space<vmem>> -> memref<1x80xi32, #tpu.memory_space<vmem>>
      %dma_start3A_379 = tpu.memref_squeeze %dma_start3A_378 : memref<1x80xi32, #tpu.memory_space<vmem>> -> memref<80xi32, #tpu.memory_space<vmem>>
      %dma_start3A_380 = arith.constant 0 : i32
      %dma_start3A_381 = arith.constant 0 : i32
      %dma_start3A_382 = tpu.memref_slice %arg21[%dma_start3A_380, %dma_start3A_381] : memref<10240x64xf32, #tpu.memory_space<vmem_shared>> -> memref<10240x64xf32, #tpu.memory_space<vmem_shared>>
      tpu.enqueue_indirect_dma source(%arg17 : memref<80x64xf32, #tpu.memory_space<vmem>>) target(%dma_start3A_382 : memref<10240x64xf32, #tpu.memory_space<vmem_shared>>) offsets(%dma_start3A_379 : memref<80xi32, #tpu.memory_space<vmem>>) semaphore(%arg42 : memref<!tpu.dma_semaphore, #tpu.memory_space<semaphore_mem>>) {add = true}
      %add3A_383 = arith.constant 9 : i32
      %add3A_384 = arith.addi %mul3A_238, %add3A_383 : i32
      %dma_wait3A_385 = arith.constant 0 : i32
      %dma_wait3A_386 = tpu.memref_slice %arg7[%add3A_384, %dma_wait3A_385] : memref<125x80xi32, #tpu.memory_space<vmem>> -> memref<1x80xi32, #tpu.memory_space<vmem>>
      %dma_wait3A_387 = tpu.memref_squeeze %dma_wait3A_386 : memref<1x80xi32, #tpu.memory_space<vmem>> -> memref<80xi32, #tpu.memory_space<vmem>>
      %dma_wait3A_388 = arith.constant 0 : i32
      %dma_wait3A_389 = arith.constant 0 : i32
      %dma_wait3A_390 = tpu.memref_slice %arg2[%dma_wait3A_388, %dma_wait3A_389] : memref<10000x64xf32, #tpu.memory_space<hbm>> -> memref<10000x64xf32, #tpu.memory_space<hbm>>
      tpu.wait_indirect_dma semaphore(%arg31 : memref<!tpu.dma_semaphore, #tpu.memory_space<semaphore_mem>>) src(%dma_wait3A_390 : memref<10000x64xf32, #tpu.memory_space<hbm>>) dst(%arg18 : memref<80x64xf32, #tpu.memory_space<vmem>>)
      %add3A_391 = arith.constant 9 : i32
      %add3A_392 = arith.addi %mul3A_238, %add3A_391 : i32
      %dma_start3A_393 = arith.constant 0 : i32
      %dma_start3A_394 = tpu.memref_slice %arg8[%add3A_392, %dma_start3A_393] : memref<125x80xi32, #tpu.memory_space<vmem>> -> memref<1x80xi32, #tpu.memory_space<vmem>>
      %dma_start3A_395 = tpu.memref_squeeze %dma_start3A_394 : memref<1x80xi32, #tpu.memory_space<vmem>> -> memref<80xi32, #tpu.memory_space<vmem>>
      %dma_start3A_396 = arith.constant 0 : i32
      %dma_start3A_397 = arith.constant 0 : i32
      %dma_start3A_398 = tpu.memref_slice %arg21[%dma_start3A_396, %dma_start3A_397] : memref<10240x64xf32, #tpu.memory_space<vmem_shared>> -> memref<10240x64xf32, #tpu.memory_space<vmem_shared>>
      tpu.enqueue_indirect_dma source(%arg18 : memref<80x64xf32, #tpu.memory_space<vmem>>) target(%dma_start3A_398 : memref<10240x64xf32, #tpu.memory_space<vmem_shared>>) offsets(%dma_start3A_395 : memref<80xi32, #tpu.memory_space<vmem>>) semaphore(%arg43 : memref<!tpu.dma_semaphore, #tpu.memory_space<semaphore_mem>>) {add = true}
      %add3A_399 = arith.constant 10 : i32
      %add3A_400 = arith.addi %mul3A_238, %add3A_399 : i32
      %dma_wait3A_401 = arith.constant 0 : i32
      %dma_wait3A_402 = tpu.memref_slice %arg7[%add3A_400, %dma_wait3A_401] : memref<125x80xi32, #tpu.memory_space<vmem>> -> memref<1x80xi32, #tpu.memory_space<vmem>>
      %dma_wait3A_403 = tpu.memref_squeeze %dma_wait3A_402 : memref<1x80xi32, #tpu.memory_space<vmem>> -> memref<80xi32, #tpu.memory_space<vmem>>
      %dma_wait3A_404 = arith.constant 0 : i32
      %dma_wait3A_405 = arith.constant 0 : i32
      %dma_wait3A_406 = tpu.memref_slice %arg2[%dma_wait3A_404, %dma_wait3A_405] : memref<10000x64xf32, #tpu.memory_space<hbm>> -> memref<10000x64xf32, #tpu.memory_space<hbm>>
      tpu.wait_indirect_dma semaphore(%arg32 : memref<!tpu.dma_semaphore, #tpu.memory_space<semaphore_mem>>) src(%dma_wait3A_406 : memref<10000x64xf32, #tpu.memory_space<hbm>>) dst(%arg19 : memref<80x64xf32, #tpu.memory_space<vmem>>)
      %add3A_407 = arith.constant 10 : i32
      %add3A_408 = arith.addi %mul3A_238, %add3A_407 : i32
      %dma_start3A_409 = arith.constant 0 : i32
      %dma_start3A_410 = tpu.memref_slice %arg8[%add3A_408, %dma_start3A_409] : memref<125x80xi32, #tpu.memory_space<vmem>> -> memref<1x80xi32, #tpu.memory_space<vmem>>
      %dma_start3A_411 = tpu.memref_squeeze %dma_start3A_410 : memref<1x80xi32, #tpu.memory_space<vmem>> -> memref<80xi32, #tpu.memory_space<vmem>>
      %dma_start3A_412 = arith.constant 0 : i32
      %dma_start3A_413 = arith.constant 0 : i32
      %dma_start3A_414 = tpu.memref_slice %arg21[%dma_start3A_412, %dma_start3A_413] : memref<10240x64xf32, #tpu.memory_space<vmem_shared>> -> memref<10240x64xf32, #tpu.memory_space<vmem_shared>>
      tpu.enqueue_indirect_dma source(%arg19 : memref<80x64xf32, #tpu.memory_space<vmem>>) target(%dma_start3A_414 : memref<10240x64xf32, #tpu.memory_space<vmem_shared>>) offsets(%dma_start3A_411 : memref<80xi32, #tpu.memory_space<vmem>>) semaphore(%arg44 : memref<!tpu.dma_semaphore, #tpu.memory_space<semaphore_mem>>) {add = true}
      %add3A_415 = arith.constant 11 : i32
      %add3A_416 = arith.addi %mul3A_238, %add3A_415 : i32
      %dma_wait3A_417 = arith.constant 0 : i32
      %dma_wait3A_418 = tpu.memref_slice %arg7[%add3A_416, %dma_wait3A_417] : memref<125x80xi32, #tpu.memory_space<vmem>> -> memref<1x80xi32, #tpu.memory_space<vmem>>
      %dma_wait3A_419 = tpu.memref_squeeze %dma_wait3A_418 : memref<1x80xi32, #tpu.memory_space<vmem>> -> memref<80xi32, #tpu.memory_space<vmem>>
      %dma_wait3A_420 = arith.constant 0 : i32
      %dma_wait3A_421 = arith.constant 0 : i32
      %dma_wait3A_422 = tpu.memref_slice %arg2[%dma_wait3A_420, %dma_wait3A_421] : memref<10000x64xf32, #tpu.memory_space<hbm>> -> memref<10000x64xf32, #tpu.memory_space<hbm>>
      tpu.wait_indirect_dma semaphore(%arg33 : memref<!tpu.dma_semaphore, #tpu.memory_space<semaphore_mem>>) src(%dma_wait3A_422 : memref<10000x64xf32, #tpu.memory_space<hbm>>) dst(%arg20 : memref<80x64xf32, #tpu.memory_space<vmem>>)
      %add3A_423 = arith.constant 11 : i32
      %add3A_424 = arith.addi %mul3A_238, %add3A_423 : i32
      %dma_start3A_425 = arith.constant 0 : i32
      %dma_start3A_426 = tpu.memref_slice %arg8[%add3A_424, %dma_start3A_425] : memref<125x80xi32, #tpu.memory_space<vmem>> -> memref<1x80xi32, #tpu.memory_space<vmem>>
      %dma_start3A_427 = tpu.memref_squeeze %dma_start3A_426 : memref<1x80xi32, #tpu.memory_space<vmem>> -> memref<80xi32, #tpu.memory_space<vmem>>
      %dma_start3A_428 = arith.constant 0 : i32
      %dma_start3A_429 = arith.constant 0 : i32
      %dma_start3A_430 = tpu.memref_slice %arg21[%dma_start3A_428, %dma_start3A_429] : memref<10240x64xf32, #tpu.memory_space<vmem_shared>> -> memref<10240x64xf32, #tpu.memory_space<vmem_shared>>
      tpu.enqueue_indirect_dma source(%arg20 : memref<80x64xf32, #tpu.memory_space<vmem>>) target(%dma_start3A_430 : memref<10240x64xf32, #tpu.memory_space<vmem_shared>>) offsets(%dma_start3A_427 : memref<80xi32, #tpu.memory_space<vmem>>) semaphore(%arg45 : memref<!tpu.dma_semaphore, #tpu.memory_space<semaphore_mem>>) {add = true}
      %add3A_431 = arith.constant 0 : i32
      %add3A_432 = arith.addi %mul3A_238, %add3A_431 : i32
      %dma_wait3A_433 = arith.constant 0 : i32
      %dma_wait3A_434 = tpu.memref_slice %arg8[%add3A_432, %dma_wait3A_433] : memref<125x80xi32, #tpu.memory_space<vmem>> -> memref<1x80xi32, #tpu.memory_space<vmem>>
      %dma_wait3A_435 = tpu.memref_squeeze %dma_wait3A_434 : memref<1x80xi32, #tpu.memory_space<vmem>> -> memref<80xi32, #tpu.memory_space<vmem>>
      %dma_wait3A_436 = arith.constant 0 : i32
      %dma_wait3A_437 = arith.constant 0 : i32
      %dma_wait3A_438 = tpu.memref_slice %arg21[%dma_wait3A_436, %dma_wait3A_437] : memref<10240x64xf32, #tpu.memory_space<vmem_shared>> -> memref<10240x64xf32, #tpu.memory_space<vmem_shared>>
      tpu.wait_indirect_dma semaphore(%arg34 : memref<!tpu.dma_semaphore, #tpu.memory_space<semaphore_mem>>) src(%arg9 : memref<80x64xf32, #tpu.memory_space<vmem>>) dst(%dma_wait3A_438 : memref<10240x64xf32, #tpu.memory_space<vmem_shared>>)
      %add3A_439 = arith.constant 0 : i32
      %add3A_440 = arith.addi %mul3A_238, %add3A_439 : i32
      %add3A_441 = arith.constant 12 : i32
      %add3A_442 = arith.addi %add3A_440, %add3A_441 : i32
      %lt3A = arith.constant 125 : i32
      %lt3A_443 = arith.cmpi slt, %add3A_442, %lt3A : i32
      %convert_element_type3A = arith.extui %lt3A_443 : i1 to i32
      %cond3A = arith.constant 0 : i32
      %cond3A_444 = arith.cmpi ne, %convert_element_type3A, %cond3A : i32
      scf.if %cond3A_444 {
        %add3A_632 = arith.constant 0 : i32
        %add3A_633 = arith.addi %mul3A_238, %add3A_632 : i32
        %add3A_634 = arith.constant 12 : i32
        %add3A_635 = arith.addi %add3A_633, %add3A_634 : i32
        %dma_start3A_636 = arith.constant 0 : i32
        %dma_start3A_637 = tpu.memref_slice %arg7[%add3A_635, %dma_start3A_636] : memref<125x80xi32, #tpu.memory_space<vmem>> -> memref<1x80xi32, #tpu.memory_space<vmem>>
        %dma_start3A_638 = tpu.memref_squeeze %dma_start3A_637 : memref<1x80xi32, #tpu.memory_space<vmem>> -> memref<80xi32, #tpu.memory_space<vmem>>
        %dma_start3A_639 = arith.constant 0 : i32
        %dma_start3A_640 = arith.constant 0 : i32
        %dma_start3A_641 = tpu.memref_slice %arg2[%dma_start3A_639, %dma_start3A_640] : memref<10000x64xf32, #tpu.memory_space<hbm>> -> memref<10000x64xf32, #tpu.memory_space<hbm>>
        tpu.enqueue_indirect_dma source(%dma_start3A_641 : memref<10000x64xf32, #tpu.memory_space<hbm>>) target(%arg9 : memref<80x64xf32, #tpu.memory_space<vmem>>) offsets(%dma_start3A_638 : memref<80xi32, #tpu.memory_space<vmem>>) semaphore(%arg22 : memref<!tpu.dma_semaphore, #tpu.memory_space<semaphore_mem>>)
      } else {
      }
      %add3A_445 = arith.constant 1 : i32
      %add3A_446 = arith.addi %mul3A_238, %add3A_445 : i32
      %dma_wait3A_447 = arith.constant 0 : i32
      %dma_wait3A_448 = tpu.memref_slice %arg8[%add3A_446, %dma_wait3A_447] : memref<125x80xi32, #tpu.memory_space<vmem>> -> memref<1x80xi32, #tpu.memory_space<vmem>>
      %dma_wait3A_449 = tpu.memref_squeeze %dma_wait3A_448 : memref<1x80xi32, #tpu.memory_space<vmem>> -> memref<80xi32, #tpu.memory_space<vmem>>
      %dma_wait3A_450 = arith.constant 0 : i32
      %dma_wait3A_451 = arith.constant 0 : i32
      %dma_wait3A_452 = tpu.memref_slice %arg21[%dma_wait3A_450, %dma_wait3A_451] : memref<10240x64xf32, #tpu.memory_space<vmem_shared>> -> memref<10240x64xf32, #tpu.memory_space<vmem_shared>>
      tpu.wait_indirect_dma semaphore(%arg35 : memref<!tpu.dma_semaphore, #tpu.memory_space<semaphore_mem>>) src(%arg10 : memref<80x64xf32, #tpu.memory_space<vmem>>) dst(%dma_wait3A_452 : memref<10240x64xf32, #tpu.memory_space<vmem_shared>>)
      %add3A_453 = arith.constant 1 : i32
      %add3A_454 = arith.addi %mul3A_238, %add3A_453 : i32
      %add3A_455 = arith.constant 12 : i32
      %add3A_456 = arith.addi %add3A_454, %add3A_455 : i32
      %lt3A_457 = arith.constant 125 : i32
      %lt3A_458 = arith.cmpi slt, %add3A_456, %lt3A_457 : i32
      %convert_element_type3A_459 = arith.extui %lt3A_458 : i1 to i32
      %cond3A_460 = arith.constant 0 : i32
      %cond3A_461 = arith.cmpi ne, %convert_element_type3A_459, %cond3A_460 : i32
      scf.if %cond3A_461 {
        %add3A_632 = arith.constant 1 : i32
        %add3A_633 = arith.addi %mul3A_238, %add3A_632 : i32
        %add3A_634 = arith.constant 12 : i32
        %add3A_635 = arith.addi %add3A_633, %add3A_634 : i32
        %dma_start3A_636 = arith.constant 0 : i32
        %dma_start3A_637 = tpu.memref_slice %arg7[%add3A_635, %dma_start3A_636] : memref<125x80xi32, #tpu.memory_space<vmem>> -> memref<1x80xi32, #tpu.memory_space<vmem>>
        %dma_start3A_638 = tpu.memref_squeeze %dma_start3A_637 : memref<1x80xi32, #tpu.memory_space<vmem>> -> memref<80xi32, #tpu.memory_space<vmem>>
        %dma_start3A_639 = arith.constant 0 : i32
        %dma_start3A_640 = arith.constant 0 : i32
        %dma_start3A_641 = tpu.memref_slice %arg2[%dma_start3A_639, %dma_start3A_640] : memref<10000x64xf32, #tpu.memory_space<hbm>> -> memref<10000x64xf32, #tpu.memory_space<hbm>>
        tpu.enqueue_indirect_dma source(%dma_start3A_641 : memref<10000x64xf32, #tpu.memory_space<hbm>>) target(%arg10 : memref<80x64xf32, #tpu.memory_space<vmem>>) offsets(%dma_start3A_638 : memref<80xi32, #tpu.memory_space<vmem>>) semaphore(%arg23 : memref<!tpu.dma_semaphore, #tpu.memory_space<semaphore_mem>>)
      } else {
      }
      %add3A_462 = arith.constant 2 : i32
      %add3A_463 = arith.addi %mul3A_238, %add3A_462 : i32
      %dma_wait3A_464 = arith.constant 0 : i32
      %dma_wait3A_465 = tpu.memref_slice %arg8[%add3A_463, %dma_wait3A_464] : memref<125x80xi32, #tpu.memory_space<vmem>> -> memref<1x80xi32, #tpu.memory_space<vmem>>
      %dma_wait3A_466 = tpu.memref_squeeze %dma_wait3A_465 : memref<1x80xi32, #tpu.memory_space<vmem>> -> memref<80xi32, #tpu.memory_space<vmem>>
      %dma_wait3A_467 = arith.constant 0 : i32
      %dma_wait3A_468 = arith.constant 0 : i32
      %dma_wait3A_469 = tpu.memref_slice %arg21[%dma_wait3A_467, %dma_wait3A_468] : memref<10240x64xf32, #tpu.memory_space<vmem_shared>> -> memref<10240x64xf32, #tpu.memory_space<vmem_shared>>
      tpu.wait_indirect_dma semaphore(%arg36 : memref<!tpu.dma_semaphore, #tpu.memory_space<semaphore_mem>>) src(%arg11 : memref<80x64xf32, #tpu.memory_space<vmem>>) dst(%dma_wait3A_469 : memref<10240x64xf32, #tpu.memory_space<vmem_shared>>)
      %add3A_470 = arith.constant 2 : i32
      %add3A_471 = arith.addi %mul3A_238, %add3A_470 : i32
      %add3A_472 = arith.constant 12 : i32
      %add3A_473 = arith.addi %add3A_471, %add3A_472 : i32
      %lt3A_474 = arith.constant 125 : i32
      %lt3A_475 = arith.cmpi slt, %add3A_473, %lt3A_474 : i32
      %convert_element_type3A_476 = arith.extui %lt3A_475 : i1 to i32
      %cond3A_477 = arith.constant 0 : i32
      %cond3A_478 = arith.cmpi ne, %convert_element_type3A_476, %cond3A_477 : i32
      scf.if %cond3A_478 {
        %add3A_632 = arith.constant 2 : i32
        %add3A_633 = arith.addi %mul3A_238, %add3A_632 : i32
        %add3A_634 = arith.constant 12 : i32
        %add3A_635 = arith.addi %add3A_633, %add3A_634 : i32
        %dma_start3A_636 = arith.constant 0 : i32
        %dma_start3A_637 = tpu.memref_slice %arg7[%add3A_635, %dma_start3A_636] : memref<125x80xi32, #tpu.memory_space<vmem>> -> memref<1x80xi32, #tpu.memory_space<vmem>>
        %dma_start3A_638 = tpu.memref_squeeze %dma_start3A_637 : memref<1x80xi32, #tpu.memory_space<vmem>> -> memref<80xi32, #tpu.memory_space<vmem>>
        %dma_start3A_639 = arith.constant 0 : i32
        %dma_start3A_640 = arith.constant 0 : i32
        %dma_start3A_641 = tpu.memref_slice %arg2[%dma_start3A_639, %dma_start3A_640] : memref<10000x64xf32, #tpu.memory_space<hbm>> -> memref<10000x64xf32, #tpu.memory_space<hbm>>
        tpu.enqueue_indirect_dma source(%dma_start3A_641 : memref<10000x64xf32, #tpu.memory_space<hbm>>) target(%arg11 : memref<80x64xf32, #tpu.memory_space<vmem>>) offsets(%dma_start3A_638 : memref<80xi32, #tpu.memory_space<vmem>>) semaphore(%arg24 : memref<!tpu.dma_semaphore, #tpu.memory_space<semaphore_mem>>)
      } else {
      }
      %add3A_479 = arith.constant 3 : i32
      %add3A_480 = arith.addi %mul3A_238, %add3A_479 : i32
      %dma_wait3A_481 = arith.constant 0 : i32
      %dma_wait3A_482 = tpu.memref_slice %arg8[%add3A_480, %dma_wait3A_481] : memref<125x80xi32, #tpu.memory_space<vmem>> -> memref<1x80xi32, #tpu.memory_space<vmem>>
      %dma_wait3A_483 = tpu.memref_squeeze %dma_wait3A_482 : memref<1x80xi32, #tpu.memory_space<vmem>> -> memref<80xi32, #tpu.memory_space<vmem>>
      %dma_wait3A_484 = arith.constant 0 : i32
      %dma_wait3A_485 = arith.constant 0 : i32
      %dma_wait3A_486 = tpu.memref_slice %arg21[%dma_wait3A_484, %dma_wait3A_485] : memref<10240x64xf32, #tpu.memory_space<vmem_shared>> -> memref<10240x64xf32, #tpu.memory_space<vmem_shared>>
      tpu.wait_indirect_dma semaphore(%arg37 : memref<!tpu.dma_semaphore, #tpu.memory_space<semaphore_mem>>) src(%arg12 : memref<80x64xf32, #tpu.memory_space<vmem>>) dst(%dma_wait3A_486 : memref<10240x64xf32, #tpu.memory_space<vmem_shared>>)
      %add3A_487 = arith.constant 3 : i32
      %add3A_488 = arith.addi %mul3A_238, %add3A_487 : i32
      %add3A_489 = arith.constant 12 : i32
      %add3A_490 = arith.addi %add3A_488, %add3A_489 : i32
      %lt3A_491 = arith.constant 125 : i32
      %lt3A_492 = arith.cmpi slt, %add3A_490, %lt3A_491 : i32
      %convert_element_type3A_493 = arith.extui %lt3A_492 : i1 to i32
      %cond3A_494 = arith.constant 0 : i32
      %cond3A_495 = arith.cmpi ne, %convert_element_type3A_493, %cond3A_494 : i32
      scf.if %cond3A_495 {
        %add3A_632 = arith.constant 3 : i32
        %add3A_633 = arith.addi %mul3A_238, %add3A_632 : i32
        %add3A_634 = arith.constant 12 : i32
        %add3A_635 = arith.addi %add3A_633, %add3A_634 : i32
        %dma_start3A_636 = arith.constant 0 : i32
        %dma_start3A_637 = tpu.memref_slice %arg7[%add3A_635, %dma_start3A_636] : memref<125x80xi32, #tpu.memory_space<vmem>> -> memref<1x80xi32, #tpu.memory_space<vmem>>
        %dma_start3A_638 = tpu.memref_squeeze %dma_start3A_637 : memref<1x80xi32, #tpu.memory_space<vmem>> -> memref<80xi32, #tpu.memory_space<vmem>>
        %dma_start3A_639 = arith.constant 0 : i32
        %dma_start3A_640 = arith.constant 0 : i32
        %dma_start3A_641 = tpu.memref_slice %arg2[%dma_start3A_639, %dma_start3A_640] : memref<10000x64xf32, #tpu.memory_space<hbm>> -> memref<10000x64xf32, #tpu.memory_space<hbm>>
        tpu.enqueue_indirect_dma source(%dma_start3A_641 : memref<10000x64xf32, #tpu.memory_space<hbm>>) target(%arg12 : memref<80x64xf32, #tpu.memory_space<vmem>>) offsets(%dma_start3A_638 : memref<80xi32, #tpu.memory_space<vmem>>) semaphore(%arg25 : memref<!tpu.dma_semaphore, #tpu.memory_space<semaphore_mem>>)
      } else {
      }
      %add3A_496 = arith.constant 4 : i32
      %add3A_497 = arith.addi %mul3A_238, %add3A_496 : i32
      %dma_wait3A_498 = arith.constant 0 : i32
      %dma_wait3A_499 = tpu.memref_slice %arg8[%add3A_497, %dma_wait3A_498] : memref<125x80xi32, #tpu.memory_space<vmem>> -> memref<1x80xi32, #tpu.memory_space<vmem>>
      %dma_wait3A_500 = tpu.memref_squeeze %dma_wait3A_499 : memref<1x80xi32, #tpu.memory_space<vmem>> -> memref<80xi32, #tpu.memory_space<vmem>>
      %dma_wait3A_501 = arith.constant 0 : i32
      %dma_wait3A_502 = arith.constant 0 : i32
      %dma_wait3A_503 = tpu.memref_slice %arg21[%dma_wait3A_501, %dma_wait3A_502] : memref<10240x64xf32, #tpu.memory_space<vmem_shared>> -> memref<10240x64xf32, #tpu.memory_space<vmem_shared>>
      tpu.wait_indirect_dma semaphore(%arg38 : memref<!tpu.dma_semaphore, #tpu.memory_space<semaphore_mem>>) src(%arg13 : memref<80x64xf32, #tpu.memory_space<vmem>>) dst(%dma_wait3A_503 : memref<10240x64xf32, #tpu.memory_space<vmem_shared>>)
      %add3A_504 = arith.constant 4 : i32
      %add3A_505 = arith.addi %mul3A_238, %add3A_504 : i32
      %add3A_506 = arith.constant 12 : i32
      %add3A_507 = arith.addi %add3A_505, %add3A_506 : i32
      %lt3A_508 = arith.constant 125 : i32
      %lt3A_509 = arith.cmpi slt, %add3A_507, %lt3A_508 : i32
      %convert_element_type3A_510 = arith.extui %lt3A_509 : i1 to i32
      %cond3A_511 = arith.constant 0 : i32
      %cond3A_512 = arith.cmpi ne, %convert_element_type3A_510, %cond3A_511 : i32
      scf.if %cond3A_512 {
        %add3A_632 = arith.constant 4 : i32
        %add3A_633 = arith.addi %mul3A_238, %add3A_632 : i32
        %add3A_634 = arith.constant 12 : i32
        %add3A_635 = arith.addi %add3A_633, %add3A_634 : i32
        %dma_start3A_636 = arith.constant 0 : i32
        %dma_start3A_637 = tpu.memref_slice %arg7[%add3A_635, %dma_start3A_636] : memref<125x80xi32, #tpu.memory_space<vmem>> -> memref<1x80xi32, #tpu.memory_space<vmem>>
        %dma_start3A_638 = tpu.memref_squeeze %dma_start3A_637 : memref<1x80xi32, #tpu.memory_space<vmem>> -> memref<80xi32, #tpu.memory_space<vmem>>
        %dma_start3A_639 = arith.constant 0 : i32
        %dma_start3A_640 = arith.constant 0 : i32
        %dma_start3A_641 = tpu.memref_slice %arg2[%dma_start3A_639, %dma_start3A_640] : memref<10000x64xf32, #tpu.memory_space<hbm>> -> memref<10000x64xf32, #tpu.memory_space<hbm>>
        tpu.enqueue_indirect_dma source(%dma_start3A_641 : memref<10000x64xf32, #tpu.memory_space<hbm>>) target(%arg13 : memref<80x64xf32, #tpu.memory_space<vmem>>) offsets(%dma_start3A_638 : memref<80xi32, #tpu.memory_space<vmem>>) semaphore(%arg26 : memref<!tpu.dma_semaphore, #tpu.memory_space<semaphore_mem>>)
      } else {
      }
      %add3A_513 = arith.constant 5 : i32
      %add3A_514 = arith.addi %mul3A_238, %add3A_513 : i32
      %dma_wait3A_515 = arith.constant 0 : i32
      %dma_wait3A_516 = tpu.memref_slice %arg8[%add3A_514, %dma_wait3A_515] : memref<125x80xi32, #tpu.memory_space<vmem>> -> memref<1x80xi32, #tpu.memory_space<vmem>>
      %dma_wait3A_517 = tpu.memref_squeeze %dma_wait3A_516 : memref<1x80xi32, #tpu.memory_space<vmem>> -> memref<80xi32, #tpu.memory_space<vmem>>
      %dma_wait3A_518 = arith.constant 0 : i32
      %dma_wait3A_519 = arith.constant 0 : i32
      %dma_wait3A_520 = tpu.memref_slice %arg21[%dma_wait3A_518, %dma_wait3A_519] : memref<10240x64xf32, #tpu.memory_space<vmem_shared>> -> memref<10240x64xf32, #tpu.memory_space<vmem_shared>>
      tpu.wait_indirect_dma semaphore(%arg39 : memref<!tpu.dma_semaphore, #tpu.memory_space<semaphore_mem>>) src(%arg14 : memref<80x64xf32, #tpu.memory_space<vmem>>) dst(%dma_wait3A_520 : memref<10240x64xf32, #tpu.memory_space<vmem_shared>>)
      %add3A_521 = arith.constant 5 : i32
      %add3A_522 = arith.addi %mul3A_238, %add3A_521 : i32
      %add3A_523 = arith.constant 12 : i32
      %add3A_524 = arith.addi %add3A_522, %add3A_523 : i32
      %lt3A_525 = arith.constant 125 : i32
      %lt3A_526 = arith.cmpi slt, %add3A_524, %lt3A_525 : i32
      %convert_element_type3A_527 = arith.extui %lt3A_526 : i1 to i32
      %cond3A_528 = arith.constant 0 : i32
      %cond3A_529 = arith.cmpi ne, %convert_element_type3A_527, %cond3A_528 : i32
      scf.if %cond3A_529 {
        %add3A_632 = arith.constant 5 : i32
        %add3A_633 = arith.addi %mul3A_238, %add3A_632 : i32
        %add3A_634 = arith.constant 12 : i32
        %add3A_635 = arith.addi %add3A_633, %add3A_634 : i32
        %dma_start3A_636 = arith.constant 0 : i32
        %dma_start3A_637 = tpu.memref_slice %arg7[%add3A_635, %dma_start3A_636] : memref<125x80xi32, #tpu.memory_space<vmem>> -> memref<1x80xi32, #tpu.memory_space<vmem>>
        %dma_start3A_638 = tpu.memref_squeeze %dma_start3A_637 : memref<1x80xi32, #tpu.memory_space<vmem>> -> memref<80xi32, #tpu.memory_space<vmem>>
        %dma_start3A_639 = arith.constant 0 : i32
        %dma_start3A_640 = arith.constant 0 : i32
        %dma_start3A_641 = tpu.memref_slice %arg2[%dma_start3A_639, %dma_start3A_640] : memref<10000x64xf32, #tpu.memory_space<hbm>> -> memref<10000x64xf32, #tpu.memory_space<hbm>>
        tpu.enqueue_indirect_dma source(%dma_start3A_641 : memref<10000x64xf32, #tpu.memory_space<hbm>>) target(%arg14 : memref<80x64xf32, #tpu.memory_space<vmem>>) offsets(%dma_start3A_638 : memref<80xi32, #tpu.memory_space<vmem>>) semaphore(%arg27 : memref<!tpu.dma_semaphore, #tpu.memory_space<semaphore_mem>>)
      } else {
      }
      %add3A_530 = arith.constant 6 : i32
      %add3A_531 = arith.addi %mul3A_238, %add3A_530 : i32
      %dma_wait3A_532 = arith.constant 0 : i32
      %dma_wait3A_533 = tpu.memref_slice %arg8[%add3A_531, %dma_wait3A_532] : memref<125x80xi32, #tpu.memory_space<vmem>> -> memref<1x80xi32, #tpu.memory_space<vmem>>
      %dma_wait3A_534 = tpu.memref_squeeze %dma_wait3A_533 : memref<1x80xi32, #tpu.memory_space<vmem>> -> memref<80xi32, #tpu.memory_space<vmem>>
      %dma_wait3A_535 = arith.constant 0 : i32
      %dma_wait3A_536 = arith.constant 0 : i32
      %dma_wait3A_537 = tpu.memref_slice %arg21[%dma_wait3A_535, %dma_wait3A_536] : memref<10240x64xf32, #tpu.memory_space<vmem_shared>> -> memref<10240x64xf32, #tpu.memory_space<vmem_shared>>
      tpu.wait_indirect_dma semaphore(%arg40 : memref<!tpu.dma_semaphore, #tpu.memory_space<semaphore_mem>>) src(%arg15 : memref<80x64xf32, #tpu.memory_space<vmem>>) dst(%dma_wait3A_537 : memref<10240x64xf32, #tpu.memory_space<vmem_shared>>)
      %add3A_538 = arith.constant 6 : i32
      %add3A_539 = arith.addi %mul3A_238, %add3A_538 : i32
      %add3A_540 = arith.constant 12 : i32
      %add3A_541 = arith.addi %add3A_539, %add3A_540 : i32
      %lt3A_542 = arith.constant 125 : i32
      %lt3A_543 = arith.cmpi slt, %add3A_541, %lt3A_542 : i32
      %convert_element_type3A_544 = arith.extui %lt3A_543 : i1 to i32
      %cond3A_545 = arith.constant 0 : i32
      %cond3A_546 = arith.cmpi ne, %convert_element_type3A_544, %cond3A_545 : i32
      scf.if %cond3A_546 {
        %add3A_632 = arith.constant 6 : i32
        %add3A_633 = arith.addi %mul3A_238, %add3A_632 : i32
        %add3A_634 = arith.constant 12 : i32
        %add3A_635 = arith.addi %add3A_633, %add3A_634 : i32
        %dma_start3A_636 = arith.constant 0 : i32
        %dma_start3A_637 = tpu.memref_slice %arg7[%add3A_635, %dma_start3A_636] : memref<125x80xi32, #tpu.memory_space<vmem>> -> memref<1x80xi32, #tpu.memory_space<vmem>>
        %dma_start3A_638 = tpu.memref_squeeze %dma_start3A_637 : memref<1x80xi32, #tpu.memory_space<vmem>> -> memref<80xi32, #tpu.memory_space<vmem>>
        %dma_start3A_639 = arith.constant 0 : i32
        %dma_start3A_640 = arith.constant 0 : i32
        %dma_start3A_641 = tpu.memref_slice %arg2[%dma_start3A_639, %dma_start3A_640] : memref<10000x64xf32, #tpu.memory_space<hbm>> -> memref<10000x64xf32, #tpu.memory_space<hbm>>
        tpu.enqueue_indirect_dma source(%dma_start3A_641 : memref<10000x64xf32, #tpu.memory_space<hbm>>) target(%arg15 : memref<80x64xf32, #tpu.memory_space<vmem>>) offsets(%dma_start3A_638 : memref<80xi32, #tpu.memory_space<vmem>>) semaphore(%arg28 : memref<!tpu.dma_semaphore, #tpu.memory_space<semaphore_mem>>)
      } else {
      }
      %add3A_547 = arith.constant 7 : i32
      %add3A_548 = arith.addi %mul3A_238, %add3A_547 : i32
      %dma_wait3A_549 = arith.constant 0 : i32
      %dma_wait3A_550 = tpu.memref_slice %arg8[%add3A_548, %dma_wait3A_549] : memref<125x80xi32, #tpu.memory_space<vmem>> -> memref<1x80xi32, #tpu.memory_space<vmem>>
      %dma_wait3A_551 = tpu.memref_squeeze %dma_wait3A_550 : memref<1x80xi32, #tpu.memory_space<vmem>> -> memref<80xi32, #tpu.memory_space<vmem>>
      %dma_wait3A_552 = arith.constant 0 : i32
      %dma_wait3A_553 = arith.constant 0 : i32
      %dma_wait3A_554 = tpu.memref_slice %arg21[%dma_wait3A_552, %dma_wait3A_553] : memref<10240x64xf32, #tpu.memory_space<vmem_shared>> -> memref<10240x64xf32, #tpu.memory_space<vmem_shared>>
      tpu.wait_indirect_dma semaphore(%arg41 : memref<!tpu.dma_semaphore, #tpu.memory_space<semaphore_mem>>) src(%arg16 : memref<80x64xf32, #tpu.memory_space<vmem>>) dst(%dma_wait3A_554 : memref<10240x64xf32, #tpu.memory_space<vmem_shared>>)
      %add3A_555 = arith.constant 7 : i32
      %add3A_556 = arith.addi %mul3A_238, %add3A_555 : i32
      %add3A_557 = arith.constant 12 : i32
      %add3A_558 = arith.addi %add3A_556, %add3A_557 : i32
      %lt3A_559 = arith.constant 125 : i32
      %lt3A_560 = arith.cmpi slt, %add3A_558, %lt3A_559 : i32
      %convert_element_type3A_561 = arith.extui %lt3A_560 : i1 to i32
      %cond3A_562 = arith.constant 0 : i32
      %cond3A_563 = arith.cmpi ne, %convert_element_type3A_561, %cond3A_562 : i32
      scf.if %cond3A_563 {
        %add3A_632 = arith.constant 7 : i32
        %add3A_633 = arith.addi %mul3A_238, %add3A_632 : i32
        %add3A_634 = arith.constant 12 : i32
        %add3A_635 = arith.addi %add3A_633, %add3A_634 : i32
        %dma_start3A_636 = arith.constant 0 : i32
        %dma_start3A_637 = tpu.memref_slice %arg7[%add3A_635, %dma_start3A_636] : memref<125x80xi32, #tpu.memory_space<vmem>> -> memref<1x80xi32, #tpu.memory_space<vmem>>
        %dma_start3A_638 = tpu.memref_squeeze %dma_start3A_637 : memref<1x80xi32, #tpu.memory_space<vmem>> -> memref<80xi32, #tpu.memory_space<vmem>>
        %dma_start3A_639 = arith.constant 0 : i32
        %dma_start3A_640 = arith.constant 0 : i32
        %dma_start3A_641 = tpu.memref_slice %arg2[%dma_start3A_639, %dma_start3A_640] : memref<10000x64xf32, #tpu.memory_space<hbm>> -> memref<10000x64xf32, #tpu.memory_space<hbm>>
        tpu.enqueue_indirect_dma source(%dma_start3A_641 : memref<10000x64xf32, #tpu.memory_space<hbm>>) target(%arg16 : memref<80x64xf32, #tpu.memory_space<vmem>>) offsets(%dma_start3A_638 : memref<80xi32, #tpu.memory_space<vmem>>) semaphore(%arg29 : memref<!tpu.dma_semaphore, #tpu.memory_space<semaphore_mem>>)
      } else {
      }
      %add3A_564 = arith.constant 8 : i32
      %add3A_565 = arith.addi %mul3A_238, %add3A_564 : i32
      %dma_wait3A_566 = arith.constant 0 : i32
      %dma_wait3A_567 = tpu.memref_slice %arg8[%add3A_565, %dma_wait3A_566] : memref<125x80xi32, #tpu.memory_space<vmem>> -> memref<1x80xi32, #tpu.memory_space<vmem>>
      %dma_wait3A_568 = tpu.memref_squeeze %dma_wait3A_567 : memref<1x80xi32, #tpu.memory_space<vmem>> -> memref<80xi32, #tpu.memory_space<vmem>>
      %dma_wait3A_569 = arith.constant 0 : i32
      %dma_wait3A_570 = arith.constant 0 : i32
      %dma_wait3A_571 = tpu.memref_slice %arg21[%dma_wait3A_569, %dma_wait3A_570] : memref<10240x64xf32, #tpu.memory_space<vmem_shared>> -> memref<10240x64xf32, #tpu.memory_space<vmem_shared>>
      tpu.wait_indirect_dma semaphore(%arg42 : memref<!tpu.dma_semaphore, #tpu.memory_space<semaphore_mem>>) src(%arg17 : memref<80x64xf32, #tpu.memory_space<vmem>>) dst(%dma_wait3A_571 : memref<10240x64xf32, #tpu.memory_space<vmem_shared>>)
      %add3A_572 = arith.constant 8 : i32
      %add3A_573 = arith.addi %mul3A_238, %add3A_572 : i32
      %add3A_574 = arith.constant 12 : i32
      %add3A_575 = arith.addi %add3A_573, %add3A_574 : i32
      %lt3A_576 = arith.constant 125 : i32
      %lt3A_577 = arith.cmpi slt, %add3A_575, %lt3A_576 : i32
      %convert_element_type3A_578 = arith.extui %lt3A_577 : i1 to i32
      %cond3A_579 = arith.constant 0 : i32
      %cond3A_580 = arith.cmpi ne, %convert_element_type3A_578, %cond3A_579 : i32
      scf.if %cond3A_580 {
        %add3A_632 = arith.constant 8 : i32
        %add3A_633 = arith.addi %mul3A_238, %add3A_632 : i32
        %add3A_634 = arith.constant 12 : i32
        %add3A_635 = arith.addi %add3A_633, %add3A_634 : i32
        %dma_start3A_636 = arith.constant 0 : i32
        %dma_start3A_637 = tpu.memref_slice %arg7[%add3A_635, %dma_start3A_636] : memref<125x80xi32, #tpu.memory_space<vmem>> -> memref<1x80xi32, #tpu.memory_space<vmem>>
        %dma_start3A_638 = tpu.memref_squeeze %dma_start3A_637 : memref<1x80xi32, #tpu.memory_space<vmem>> -> memref<80xi32, #tpu.memory_space<vmem>>
        %dma_start3A_639 = arith.constant 0 : i32
        %dma_start3A_640 = arith.constant 0 : i32
        %dma_start3A_641 = tpu.memref_slice %arg2[%dma_start3A_639, %dma_start3A_640] : memref<10000x64xf32, #tpu.memory_space<hbm>> -> memref<10000x64xf32, #tpu.memory_space<hbm>>
        tpu.enqueue_indirect_dma source(%dma_start3A_641 : memref<10000x64xf32, #tpu.memory_space<hbm>>) target(%arg17 : memref<80x64xf32, #tpu.memory_space<vmem>>) offsets(%dma_start3A_638 : memref<80xi32, #tpu.memory_space<vmem>>) semaphore(%arg30 : memref<!tpu.dma_semaphore, #tpu.memory_space<semaphore_mem>>)
      } else {
      }
      %add3A_581 = arith.constant 9 : i32
      %add3A_582 = arith.addi %mul3A_238, %add3A_581 : i32
      %dma_wait3A_583 = arith.constant 0 : i32
      %dma_wait3A_584 = tpu.memref_slice %arg8[%add3A_582, %dma_wait3A_583] : memref<125x80xi32, #tpu.memory_space<vmem>> -> memref<1x80xi32, #tpu.memory_space<vmem>>
      %dma_wait3A_585 = tpu.memref_squeeze %dma_wait3A_584 : memref<1x80xi32, #tpu.memory_space<vmem>> -> memref<80xi32, #tpu.memory_space<vmem>>
      %dma_wait3A_586 = arith.constant 0 : i32
      %dma_wait3A_587 = arith.constant 0 : i32
      %dma_wait3A_588 = tpu.memref_slice %arg21[%dma_wait3A_586, %dma_wait3A_587] : memref<10240x64xf32, #tpu.memory_space<vmem_shared>> -> memref<10240x64xf32, #tpu.memory_space<vmem_shared>>
      tpu.wait_indirect_dma semaphore(%arg43 : memref<!tpu.dma_semaphore, #tpu.memory_space<semaphore_mem>>) src(%arg18 : memref<80x64xf32, #tpu.memory_space<vmem>>) dst(%dma_wait3A_588 : memref<10240x64xf32, #tpu.memory_space<vmem_shared>>)
      %add3A_589 = arith.constant 9 : i32
      %add3A_590 = arith.addi %mul3A_238, %add3A_589 : i32
      %add3A_591 = arith.constant 12 : i32
      %add3A_592 = arith.addi %add3A_590, %add3A_591 : i32
      %lt3A_593 = arith.constant 125 : i32
      %lt3A_594 = arith.cmpi slt, %add3A_592, %lt3A_593 : i32
      %convert_element_type3A_595 = arith.extui %lt3A_594 : i1 to i32
      %cond3A_596 = arith.constant 0 : i32
      %cond3A_597 = arith.cmpi ne, %convert_element_type3A_595, %cond3A_596 : i32
      scf.if %cond3A_597 {
        %add3A_632 = arith.constant 9 : i32
        %add3A_633 = arith.addi %mul3A_238, %add3A_632 : i32
        %add3A_634 = arith.constant 12 : i32
        %add3A_635 = arith.addi %add3A_633, %add3A_634 : i32
        %dma_start3A_636 = arith.constant 0 : i32
        %dma_start3A_637 = tpu.memref_slice %arg7[%add3A_635, %dma_start3A_636] : memref<125x80xi32, #tpu.memory_space<vmem>> -> memref<1x80xi32, #tpu.memory_space<vmem>>
        %dma_start3A_638 = tpu.memref_squeeze %dma_start3A_637 : memref<1x80xi32, #tpu.memory_space<vmem>> -> memref<80xi32, #tpu.memory_space<vmem>>
        %dma_start3A_639 = arith.constant 0 : i32
        %dma_start3A_640 = arith.constant 0 : i32
        %dma_start3A_641 = tpu.memref_slice %arg2[%dma_start3A_639, %dma_start3A_640] : memref<10000x64xf32, #tpu.memory_space<hbm>> -> memref<10000x64xf32, #tpu.memory_space<hbm>>
        tpu.enqueue_indirect_dma source(%dma_start3A_641 : memref<10000x64xf32, #tpu.memory_space<hbm>>) target(%arg18 : memref<80x64xf32, #tpu.memory_space<vmem>>) offsets(%dma_start3A_638 : memref<80xi32, #tpu.memory_space<vmem>>) semaphore(%arg31 : memref<!tpu.dma_semaphore, #tpu.memory_space<semaphore_mem>>)
      } else {
      }
      %add3A_598 = arith.constant 10 : i32
      %add3A_599 = arith.addi %mul3A_238, %add3A_598 : i32
      %dma_wait3A_600 = arith.constant 0 : i32
      %dma_wait3A_601 = tpu.memref_slice %arg8[%add3A_599, %dma_wait3A_600] : memref<125x80xi32, #tpu.memory_space<vmem>> -> memref<1x80xi32, #tpu.memory_space<vmem>>
      %dma_wait3A_602 = tpu.memref_squeeze %dma_wait3A_601 : memref<1x80xi32, #tpu.memory_space<vmem>> -> memref<80xi32, #tpu.memory_space<vmem>>
      %dma_wait3A_603 = arith.constant 0 : i32
      %dma_wait3A_604 = arith.constant 0 : i32
      %dma_wait3A_605 = tpu.memref_slice %arg21[%dma_wait3A_603, %dma_wait3A_604] : memref<10240x64xf32, #tpu.memory_space<vmem_shared>> -> memref<10240x64xf32, #tpu.memory_space<vmem_shared>>
      tpu.wait_indirect_dma semaphore(%arg44 : memref<!tpu.dma_semaphore, #tpu.memory_space<semaphore_mem>>) src(%arg19 : memref<80x64xf32, #tpu.memory_space<vmem>>) dst(%dma_wait3A_605 : memref<10240x64xf32, #tpu.memory_space<vmem_shared>>)
      %add3A_606 = arith.constant 10 : i32
      %add3A_607 = arith.addi %mul3A_238, %add3A_606 : i32
      %add3A_608 = arith.constant 12 : i32
      %add3A_609 = arith.addi %add3A_607, %add3A_608 : i32
      %lt3A_610 = arith.constant 125 : i32
      %lt3A_611 = arith.cmpi slt, %add3A_609, %lt3A_610 : i32
      %convert_element_type3A_612 = arith.extui %lt3A_611 : i1 to i32
      %cond3A_613 = arith.constant 0 : i32
      %cond3A_614 = arith.cmpi ne, %convert_element_type3A_612, %cond3A_613 : i32
      scf.if %cond3A_614 {
        %add3A_632 = arith.constant 10 : i32
        %add3A_633 = arith.addi %mul3A_238, %add3A_632 : i32
        %add3A_634 = arith.constant 12 : i32
        %add3A_635 = arith.addi %add3A_633, %add3A_634 : i32
        %dma_start3A_636 = arith.constant 0 : i32
        %dma_start3A_637 = tpu.memref_slice %arg7[%add3A_635, %dma_start3A_636] : memref<125x80xi32, #tpu.memory_space<vmem>> -> memref<1x80xi32, #tpu.memory_space<vmem>>
        %dma_start3A_638 = tpu.memref_squeeze %dma_start3A_637 : memref<1x80xi32, #tpu.memory_space<vmem>> -> memref<80xi32, #tpu.memory_space<vmem>>
        %dma_start3A_639 = arith.constant 0 : i32
        %dma_start3A_640 = arith.constant 0 : i32
        %dma_start3A_641 = tpu.memref_slice %arg2[%dma_start3A_639, %dma_start3A_640] : memref<10000x64xf32, #tpu.memory_space<hbm>> -> memref<10000x64xf32, #tpu.memory_space<hbm>>
        tpu.enqueue_indirect_dma source(%dma_start3A_641 : memref<10000x64xf32, #tpu.memory_space<hbm>>) target(%arg19 : memref<80x64xf32, #tpu.memory_space<vmem>>) offsets(%dma_start3A_638 : memref<80xi32, #tpu.memory_space<vmem>>) semaphore(%arg32 : memref<!tpu.dma_semaphore, #tpu.memory_space<semaphore_mem>>)
      } else {
      }
      %add3A_615 = arith.constant 11 : i32
      %add3A_616 = arith.addi %mul3A_238, %add3A_615 : i32
      %dma_wait3A_617 = arith.constant 0 : i32
      %dma_wait3A_618 = tpu.memref_slice %arg8[%add3A_616, %dma_wait3A_617] : memref<125x80xi32, #tpu.memory_space<vmem>> -> memref<1x80xi32, #tpu.memory_space<vmem>>
      %dma_wait3A_619 = tpu.memref_squeeze %dma_wait3A_618 : memref<1x80xi32, #tpu.memory_space<vmem>> -> memref<80xi32, #tpu.memory_space<vmem>>
      %dma_wait3A_620 = arith.constant 0 : i32
      %dma_wait3A_621 = arith.constant 0 : i32
      %dma_wait3A_622 = tpu.memref_slice %arg21[%dma_wait3A_620, %dma_wait3A_621] : memref<10240x64xf32, #tpu.memory_space<vmem_shared>> -> memref<10240x64xf32, #tpu.memory_space<vmem_shared>>
      tpu.wait_indirect_dma semaphore(%arg45 : memref<!tpu.dma_semaphore, #tpu.memory_space<semaphore_mem>>) src(%arg20 : memref<80x64xf32, #tpu.memory_space<vmem>>) dst(%dma_wait3A_622 : memref<10240x64xf32, #tpu.memory_space<vmem_shared>>)
      %add3A_623 = arith.constant 11 : i32
      %add3A_624 = arith.addi %mul3A_238, %add3A_623 : i32
      %add3A_625 = arith.constant 12 : i32
      %add3A_626 = arith.addi %add3A_624, %add3A_625 : i32
      %lt3A_627 = arith.constant 125 : i32
      %lt3A_628 = arith.cmpi slt, %add3A_626, %lt3A_627 : i32
      %convert_element_type3A_629 = arith.extui %lt3A_628 : i1 to i32
      %cond3A_630 = arith.constant 0 : i32
      %cond3A_631 = arith.cmpi ne, %convert_element_type3A_629, %cond3A_630 : i32
      scf.if %cond3A_631 {
        %add3A_632 = arith.constant 11 : i32
        %add3A_633 = arith.addi %mul3A_238, %add3A_632 : i32
        %add3A_634 = arith.constant 12 : i32
        %add3A_635 = arith.addi %add3A_633, %add3A_634 : i32
        %dma_start3A_636 = arith.constant 0 : i32
        %dma_start3A_637 = tpu.memref_slice %arg7[%add3A_635, %dma_start3A_636] : memref<125x80xi32, #tpu.memory_space<vmem>> -> memref<1x80xi32, #tpu.memory_space<vmem>>
        %dma_start3A_638 = tpu.memref_squeeze %dma_start3A_637 : memref<1x80xi32, #tpu.memory_space<vmem>> -> memref<80xi32, #tpu.memory_space<vmem>>
        %dma_start3A_639 = arith.constant 0 : i32
        %dma_start3A_640 = arith.constant 0 : i32
        %dma_start3A_641 = tpu.memref_slice %arg2[%dma_start3A_639, %dma_start3A_640] : memref<10000x64xf32, #tpu.memory_space<hbm>> -> memref<10000x64xf32, #tpu.memory_space<hbm>>
        tpu.enqueue_indirect_dma source(%dma_start3A_641 : memref<10000x64xf32, #tpu.memory_space<hbm>>) target(%arg20 : memref<80x64xf32, #tpu.memory_space<vmem>>) offsets(%dma_start3A_638 : memref<80xi32, #tpu.memory_space<vmem>>) semaphore(%arg33 : memref<!tpu.dma_semaphore, #tpu.memory_space<semaphore_mem>>)
      } else {
      }
    }
    %scan3A_125 = arith.constant 10 : i32
    %dma_wait3A_126 = arith.constant 120 : i32
    %dma_wait3A_127 = arith.constant 0 : i32
    %dma_wait3A_128 = tpu.memref_slice %arg7[%dma_wait3A_126, %dma_wait3A_127] : memref<125x80xi32, #tpu.memory_space<vmem>> -> memref<1x80xi32, #tpu.memory_space<vmem>>
    %dma_wait3A_129 = tpu.memref_squeeze %dma_wait3A_128 : memref<1x80xi32, #tpu.memory_space<vmem>> -> memref<80xi32, #tpu.memory_space<vmem>>
    %dma_wait3A_130 = arith.constant 0 : i32
    %dma_wait3A_131 = arith.constant 0 : i32
    %dma_wait3A_132 = tpu.memref_slice %arg2[%dma_wait3A_130, %dma_wait3A_131] : memref<10000x64xf32, #tpu.memory_space<hbm>> -> memref<10000x64xf32, #tpu.memory_space<hbm>>
    tpu.wait_indirect_dma semaphore(%arg22 : memref<!tpu.dma_semaphore, #tpu.memory_space<semaphore_mem>>) src(%dma_wait3A_132 : memref<10000x64xf32, #tpu.memory_space<hbm>>) dst(%arg9 : memref<80x64xf32, #tpu.memory_space<vmem>>)
    %dma_start3A_133 = arith.constant 120 : i32
    %dma_start3A_134 = arith.constant 0 : i32
    %dma_start3A_135 = tpu.memref_slice %arg8[%dma_start3A_133, %dma_start3A_134] : memref<125x80xi32, #tpu.memory_space<vmem>> -> memref<1x80xi32, #tpu.memory_space<vmem>>
    %dma_start3A_136 = tpu.memref_squeeze %dma_start3A_135 : memref<1x80xi32, #tpu.memory_space<vmem>> -> memref<80xi32, #tpu.memory_space<vmem>>
    %dma_start3A_137 = arith.constant 0 : i32
    %dma_start3A_138 = arith.constant 0 : i32
    %dma_start3A_139 = tpu.memref_slice %arg21[%dma_start3A_137, %dma_start3A_138] : memref<10240x64xf32, #tpu.memory_space<vmem_shared>> -> memref<10240x64xf32, #tpu.memory_space<vmem_shared>>
    tpu.enqueue_indirect_dma source(%arg9 : memref<80x64xf32, #tpu.memory_space<vmem>>) target(%dma_start3A_139 : memref<10240x64xf32, #tpu.memory_space<vmem_shared>>) offsets(%dma_start3A_136 : memref<80xi32, #tpu.memory_space<vmem>>) semaphore(%arg34 : memref<!tpu.dma_semaphore, #tpu.memory_space<semaphore_mem>>) {add = true}
    %dma_wait3A_140 = arith.constant 121 : i32
    %dma_wait3A_141 = arith.constant 0 : i32
    %dma_wait3A_142 = tpu.memref_slice %arg7[%dma_wait3A_140, %dma_wait3A_141] : memref<125x80xi32, #tpu.memory_space<vmem>> -> memref<1x80xi32, #tpu.memory_space<vmem>>
    %dma_wait3A_143 = tpu.memref_squeeze %dma_wait3A_142 : memref<1x80xi32, #tpu.memory_space<vmem>> -> memref<80xi32, #tpu.memory_space<vmem>>
    %dma_wait3A_144 = arith.constant 0 : i32
    %dma_wait3A_145 = arith.constant 0 : i32
    %dma_wait3A_146 = tpu.memref_slice %arg2[%dma_wait3A_144, %dma_wait3A_145] : memref<10000x64xf32, #tpu.memory_space<hbm>> -> memref<10000x64xf32, #tpu.memory_space<hbm>>
    tpu.wait_indirect_dma semaphore(%arg23 : memref<!tpu.dma_semaphore, #tpu.memory_space<semaphore_mem>>) src(%dma_wait3A_146 : memref<10000x64xf32, #tpu.memory_space<hbm>>) dst(%arg10 : memref<80x64xf32, #tpu.memory_space<vmem>>)
    %dma_start3A_147 = arith.constant 121 : i32
    %dma_start3A_148 = arith.constant 0 : i32
    %dma_start3A_149 = tpu.memref_slice %arg8[%dma_start3A_147, %dma_start3A_148] : memref<125x80xi32, #tpu.memory_space<vmem>> -> memref<1x80xi32, #tpu.memory_space<vmem>>
    %dma_start3A_150 = tpu.memref_squeeze %dma_start3A_149 : memref<1x80xi32, #tpu.memory_space<vmem>> -> memref<80xi32, #tpu.memory_space<vmem>>
    %dma_start3A_151 = arith.constant 0 : i32
    %dma_start3A_152 = arith.constant 0 : i32
    %dma_start3A_153 = tpu.memref_slice %arg21[%dma_start3A_151, %dma_start3A_152] : memref<10240x64xf32, #tpu.memory_space<vmem_shared>> -> memref<10240x64xf32, #tpu.memory_space<vmem_shared>>
    tpu.enqueue_indirect_dma source(%arg10 : memref<80x64xf32, #tpu.memory_space<vmem>>) target(%dma_start3A_153 : memref<10240x64xf32, #tpu.memory_space<vmem_shared>>) offsets(%dma_start3A_150 : memref<80xi32, #tpu.memory_space<vmem>>) semaphore(%arg35 : memref<!tpu.dma_semaphore, #tpu.memory_space<semaphore_mem>>) {add = true}
    %dma_wait3A_154 = arith.constant 122 : i32
    %dma_wait3A_155 = arith.constant 0 : i32
    %dma_wait3A_156 = tpu.memref_slice %arg7[%dma_wait3A_154, %dma_wait3A_155] : memref<125x80xi32, #tpu.memory_space<vmem>> -> memref<1x80xi32, #tpu.memory_space<vmem>>
    %dma_wait3A_157 = tpu.memref_squeeze %dma_wait3A_156 : memref<1x80xi32, #tpu.memory_space<vmem>> -> memref<80xi32, #tpu.memory_space<vmem>>
    %dma_wait3A_158 = arith.constant 0 : i32
    %dma_wait3A_159 = arith.constant 0 : i32
    %dma_wait3A_160 = tpu.memref_slice %arg2[%dma_wait3A_158, %dma_wait3A_159] : memref<10000x64xf32, #tpu.memory_space<hbm>> -> memref<10000x64xf32, #tpu.memory_space<hbm>>
    tpu.wait_indirect_dma semaphore(%arg24 : memref<!tpu.dma_semaphore, #tpu.memory_space<semaphore_mem>>) src(%dma_wait3A_160 : memref<10000x64xf32, #tpu.memory_space<hbm>>) dst(%arg11 : memref<80x64xf32, #tpu.memory_space<vmem>>)
    %dma_start3A_161 = arith.constant 122 : i32
    %dma_start3A_162 = arith.constant 0 : i32
    %dma_start3A_163 = tpu.memref_slice %arg8[%dma_start3A_161, %dma_start3A_162] : memref<125x80xi32, #tpu.memory_space<vmem>> -> memref<1x80xi32, #tpu.memory_space<vmem>>
    %dma_start3A_164 = tpu.memref_squeeze %dma_start3A_163 : memref<1x80xi32, #tpu.memory_space<vmem>> -> memref<80xi32, #tpu.memory_space<vmem>>
    %dma_start3A_165 = arith.constant 0 : i32
    %dma_start3A_166 = arith.constant 0 : i32
    %dma_start3A_167 = tpu.memref_slice %arg21[%dma_start3A_165, %dma_start3A_166] : memref<10240x64xf32, #tpu.memory_space<vmem_shared>> -> memref<10240x64xf32, #tpu.memory_space<vmem_shared>>
    tpu.enqueue_indirect_dma source(%arg11 : memref<80x64xf32, #tpu.memory_space<vmem>>) target(%dma_start3A_167 : memref<10240x64xf32, #tpu.memory_space<vmem_shared>>) offsets(%dma_start3A_164 : memref<80xi32, #tpu.memory_space<vmem>>) semaphore(%arg36 : memref<!tpu.dma_semaphore, #tpu.memory_space<semaphore_mem>>) {add = true}
    %dma_wait3A_168 = arith.constant 123 : i32
    %dma_wait3A_169 = arith.constant 0 : i32
    %dma_wait3A_170 = tpu.memref_slice %arg7[%dma_wait3A_168, %dma_wait3A_169] : memref<125x80xi32, #tpu.memory_space<vmem>> -> memref<1x80xi32, #tpu.memory_space<vmem>>
    %dma_wait3A_171 = tpu.memref_squeeze %dma_wait3A_170 : memref<1x80xi32, #tpu.memory_space<vmem>> -> memref<80xi32, #tpu.memory_space<vmem>>
    %dma_wait3A_172 = arith.constant 0 : i32
    %dma_wait3A_173 = arith.constant 0 : i32
    %dma_wait3A_174 = tpu.memref_slice %arg2[%dma_wait3A_172, %dma_wait3A_173] : memref<10000x64xf32, #tpu.memory_space<hbm>> -> memref<10000x64xf32, #tpu.memory_space<hbm>>
    tpu.wait_indirect_dma semaphore(%arg25 : memref<!tpu.dma_semaphore, #tpu.memory_space<semaphore_mem>>) src(%dma_wait3A_174 : memref<10000x64xf32, #tpu.memory_space<hbm>>) dst(%arg12 : memref<80x64xf32, #tpu.memory_space<vmem>>)
    %dma_start3A_175 = arith.constant 123 : i32
    %dma_start3A_176 = arith.constant 0 : i32
    %dma_start3A_177 = tpu.memref_slice %arg8[%dma_start3A_175, %dma_start3A_176] : memref<125x80xi32, #tpu.memory_space<vmem>> -> memref<1x80xi32, #tpu.memory_space<vmem>>
    %dma_start3A_178 = tpu.memref_squeeze %dma_start3A_177 : memref<1x80xi32, #tpu.memory_space<vmem>> -> memref<80xi32, #tpu.memory_space<vmem>>
    %dma_start3A_179 = arith.constant 0 : i32
    %dma_start3A_180 = arith.constant 0 : i32
    %dma_start3A_181 = tpu.memref_slice %arg21[%dma_start3A_179, %dma_start3A_180] : memref<10240x64xf32, #tpu.memory_space<vmem_shared>> -> memref<10240x64xf32, #tpu.memory_space<vmem_shared>>
    tpu.enqueue_indirect_dma source(%arg12 : memref<80x64xf32, #tpu.memory_space<vmem>>) target(%dma_start3A_181 : memref<10240x64xf32, #tpu.memory_space<vmem_shared>>) offsets(%dma_start3A_178 : memref<80xi32, #tpu.memory_space<vmem>>) semaphore(%arg37 : memref<!tpu.dma_semaphore, #tpu.memory_space<semaphore_mem>>) {add = true}
    %dma_wait3A_182 = arith.constant 124 : i32
    %dma_wait3A_183 = arith.constant 0 : i32
    %dma_wait3A_184 = tpu.memref_slice %arg7[%dma_wait3A_182, %dma_wait3A_183] : memref<125x80xi32, #tpu.memory_space<vmem>> -> memref<1x80xi32, #tpu.memory_space<vmem>>
    %dma_wait3A_185 = tpu.memref_squeeze %dma_wait3A_184 : memref<1x80xi32, #tpu.memory_space<vmem>> -> memref<80xi32, #tpu.memory_space<vmem>>
    %dma_wait3A_186 = arith.constant 0 : i32
    %dma_wait3A_187 = arith.constant 0 : i32
    %dma_wait3A_188 = tpu.memref_slice %arg2[%dma_wait3A_186, %dma_wait3A_187] : memref<10000x64xf32, #tpu.memory_space<hbm>> -> memref<10000x64xf32, #tpu.memory_space<hbm>>
    tpu.wait_indirect_dma semaphore(%arg26 : memref<!tpu.dma_semaphore, #tpu.memory_space<semaphore_mem>>) src(%dma_wait3A_188 : memref<10000x64xf32, #tpu.memory_space<hbm>>) dst(%arg13 : memref<80x64xf32, #tpu.memory_space<vmem>>)
    %dma_start3A_189 = arith.constant 124 : i32
    %dma_start3A_190 = arith.constant 0 : i32
    %dma_start3A_191 = tpu.memref_slice %arg8[%dma_start3A_189, %dma_start3A_190] : memref<125x80xi32, #tpu.memory_space<vmem>> -> memref<1x80xi32, #tpu.memory_space<vmem>>
    %dma_start3A_192 = tpu.memref_squeeze %dma_start3A_191 : memref<1x80xi32, #tpu.memory_space<vmem>> -> memref<80xi32, #tpu.memory_space<vmem>>
    %dma_start3A_193 = arith.constant 0 : i32
    %dma_start3A_194 = arith.constant 0 : i32
    %dma_start3A_195 = tpu.memref_slice %arg21[%dma_start3A_193, %dma_start3A_194] : memref<10240x64xf32, #tpu.memory_space<vmem_shared>> -> memref<10240x64xf32, #tpu.memory_space<vmem_shared>>
    tpu.enqueue_indirect_dma source(%arg13 : memref<80x64xf32, #tpu.memory_space<vmem>>) target(%dma_start3A_195 : memref<10240x64xf32, #tpu.memory_space<vmem_shared>>) offsets(%dma_start3A_192 : memref<80xi32, #tpu.memory_space<vmem>>) semaphore(%arg38 : memref<!tpu.dma_semaphore, #tpu.memory_space<semaphore_mem>>) {add = true}
    %dma_wait3A_196 = arith.constant 120 : i32
    %dma_wait3A_197 = arith.constant 0 : i32
    %dma_wait3A_198 = tpu.memref_slice %arg8[%dma_wait3A_196, %dma_wait3A_197] : memref<125x80xi32, #tpu.memory_space<vmem>> -> memref<1x80xi32, #tpu.memory_space<vmem>>
    %dma_wait3A_199 = tpu.memref_squeeze %dma_wait3A_198 : memref<1x80xi32, #tpu.memory_space<vmem>> -> memref<80xi32, #tpu.memory_space<vmem>>
    %dma_wait3A_200 = arith.constant 0 : i32
    %dma_wait3A_201 = arith.constant 0 : i32
    %dma_wait3A_202 = tpu.memref_slice %arg21[%dma_wait3A_200, %dma_wait3A_201] : memref<10240x64xf32, #tpu.memory_space<vmem_shared>> -> memref<10240x64xf32, #tpu.memory_space<vmem_shared>>
    tpu.wait_indirect_dma semaphore(%arg34 : memref<!tpu.dma_semaphore, #tpu.memory_space<semaphore_mem>>) src(%arg9 : memref<80x64xf32, #tpu.memory_space<vmem>>) dst(%dma_wait3A_202 : memref<10240x64xf32, #tpu.memory_space<vmem_shared>>)
    %dma_wait3A_203 = arith.constant 121 : i32
    %dma_wait3A_204 = arith.constant 0 : i32
    %dma_wait3A_205 = tpu.memref_slice %arg8[%dma_wait3A_203, %dma_wait3A_204] : memref<125x80xi32, #tpu.memory_space<vmem>> -> memref<1x80xi32, #tpu.memory_space<vmem>>
    %dma_wait3A_206 = tpu.memref_squeeze %dma_wait3A_205 : memref<1x80xi32, #tpu.memory_space<vmem>> -> memref<80xi32, #tpu.memory_space<vmem>>
    %dma_wait3A_207 = arith.constant 0 : i32
    %dma_wait3A_208 = arith.constant 0 : i32
    %dma_wait3A_209 = tpu.memref_slice %arg21[%dma_wait3A_207, %dma_wait3A_208] : memref<10240x64xf32, #tpu.memory_space<vmem_shared>> -> memref<10240x64xf32, #tpu.memory_space<vmem_shared>>
    tpu.wait_indirect_dma semaphore(%arg35 : memref<!tpu.dma_semaphore, #tpu.memory_space<semaphore_mem>>) src(%arg10 : memref<80x64xf32, #tpu.memory_space<vmem>>) dst(%dma_wait3A_209 : memref<10240x64xf32, #tpu.memory_space<vmem_shared>>)
    %dma_wait3A_210 = arith.constant 122 : i32
    %dma_wait3A_211 = arith.constant 0 : i32
    %dma_wait3A_212 = tpu.memref_slice %arg8[%dma_wait3A_210, %dma_wait3A_211] : memref<125x80xi32, #tpu.memory_space<vmem>> -> memref<1x80xi32, #tpu.memory_space<vmem>>
    %dma_wait3A_213 = tpu.memref_squeeze %dma_wait3A_212 : memref<1x80xi32, #tpu.memory_space<vmem>> -> memref<80xi32, #tpu.memory_space<vmem>>
    %dma_wait3A_214 = arith.constant 0 : i32
    %dma_wait3A_215 = arith.constant 0 : i32
    %dma_wait3A_216 = tpu.memref_slice %arg21[%dma_wait3A_214, %dma_wait3A_215] : memref<10240x64xf32, #tpu.memory_space<vmem_shared>> -> memref<10240x64xf32, #tpu.memory_space<vmem_shared>>
    tpu.wait_indirect_dma semaphore(%arg36 : memref<!tpu.dma_semaphore, #tpu.memory_space<semaphore_mem>>) src(%arg11 : memref<80x64xf32, #tpu.memory_space<vmem>>) dst(%dma_wait3A_216 : memref<10240x64xf32, #tpu.memory_space<vmem_shared>>)
    %dma_wait3A_217 = arith.constant 123 : i32
    %dma_wait3A_218 = arith.constant 0 : i32
    %dma_wait3A_219 = tpu.memref_slice %arg8[%dma_wait3A_217, %dma_wait3A_218] : memref<125x80xi32, #tpu.memory_space<vmem>> -> memref<1x80xi32, #tpu.memory_space<vmem>>
    %dma_wait3A_220 = tpu.memref_squeeze %dma_wait3A_219 : memref<1x80xi32, #tpu.memory_space<vmem>> -> memref<80xi32, #tpu.memory_space<vmem>>
    %dma_wait3A_221 = arith.constant 0 : i32
    %dma_wait3A_222 = arith.constant 0 : i32
    %dma_wait3A_223 = tpu.memref_slice %arg21[%dma_wait3A_221, %dma_wait3A_222] : memref<10240x64xf32, #tpu.memory_space<vmem_shared>> -> memref<10240x64xf32, #tpu.memory_space<vmem_shared>>
    tpu.wait_indirect_dma semaphore(%arg37 : memref<!tpu.dma_semaphore, #tpu.memory_space<semaphore_mem>>) src(%arg12 : memref<80x64xf32, #tpu.memory_space<vmem>>) dst(%dma_wait3A_223 : memref<10240x64xf32, #tpu.memory_space<vmem_shared>>)
    %dma_wait3A_224 = arith.constant 124 : i32
    %dma_wait3A_225 = arith.constant 0 : i32
    %dma_wait3A_226 = tpu.memref_slice %arg8[%dma_wait3A_224, %dma_wait3A_225] : memref<125x80xi32, #tpu.memory_space<vmem>> -> memref<1x80xi32, #tpu.memory_space<vmem>>
    %dma_wait3A_227 = tpu.memref_squeeze %dma_wait3A_226 : memref<1x80xi32, #tpu.memory_space<vmem>> -> memref<80xi32, #tpu.memory_space<vmem>>
    %dma_wait3A_228 = arith.constant 0 : i32
    %dma_wait3A_229 = arith.constant 0 : i32
    %dma_wait3A_230 = tpu.memref_slice %arg21[%dma_wait3A_228, %dma_wait3A_229] : memref<10240x64xf32, #tpu.memory_space<vmem_shared>> -> memref<10240x64xf32, #tpu.memory_space<vmem_shared>>
    tpu.wait_indirect_dma semaphore(%arg38 : memref<!tpu.dma_semaphore, #tpu.memory_space<semaphore_mem>>) src(%arg13 : memref<80x64xf32, #tpu.memory_space<vmem>>) dst(%dma_wait3A_230 : memref<10240x64xf32, #tpu.memory_space<vmem_shared>>)
    %barrier3A_231 = arith.constant 0 : index
    tpu.barrier barrier_id(%barrier3A_231)
    %mul3A_232 = arith.constant 640 : i32
    %mul3A_233 = arith.muli %arg1, %mul3A_232 : i32
    %mul3A_234 = arith.constant 640 : i32
    %mul3A_235 = arith.muli %arg1, %mul3A_234 : i32
    "tpu.region"() ({
      %run_scoped3A = tpu.sem_alloc : memref<!tpu.dma_semaphore, #tpu.memory_space<semaphore_mem>>
      %dma_start3A_236 = arith.constant 0 : i32
      %dma_start3A_237 = tpu.memref_slice %arg6[%arg0, %mul3A_235, %dma_start3A_236] : memref<2x10240x64xf32, #tpu.memory_space<hbm>> -> memref<1x640x64xf32, #tpu.memory_space<hbm>>
      %dma_start3A_238 = tpu.memref_squeeze %dma_start3A_237 : memref<1x640x64xf32, #tpu.memory_space<hbm>> -> memref<640x64xf32, #tpu.memory_space<hbm>>
      %dma_start3A_239 = arith.constant 0 : i32
      %dma_start3A_240 = tpu.memref_slice %arg21[%mul3A_233, %dma_start3A_239] : memref<10240x64xf32, #tpu.memory_space<vmem_shared>> -> memref<640x64xf32, #tpu.memory_space<vmem_shared>>
      tpu.enqueue_dma source(%dma_start3A_240 : memref<640x64xf32, #tpu.memory_space<vmem_shared>>) target(%dma_start3A_238 : memref<640x64xf32, #tpu.memory_space<hbm>>) target_semaphore(%run_scoped3A : memref<!tpu.dma_semaphore, #tpu.memory_space<semaphore_mem>>)
      %dma_wait3A_241 = arith.constant 0 : i32
      %dma_wait3A_242 = tpu.memref_slice %arg6[%arg0, %mul3A_235, %dma_wait3A_241] : memref<2x10240x64xf32, #tpu.memory_space<hbm>> -> memref<1x640x64xf32, #tpu.memory_space<hbm>>
      %dma_wait3A_243 = tpu.memref_squeeze %dma_wait3A_242 : memref<1x640x64xf32, #tpu.memory_space<hbm>> -> memref<640x64xf32, #tpu.memory_space<hbm>>
      %dma_wait3A_244 = arith.constant 0 : i32
      %dma_wait3A_245 = tpu.memref_slice %arg21[%mul3A_233, %dma_wait3A_244] : memref<10240x64xf32, #tpu.memory_space<vmem_shared>> -> memref<640x64xf32, #tpu.memory_space<vmem_shared>>
      tpu.wait_dma2 semaphore(%run_scoped3A : memref<!tpu.dma_semaphore, #tpu.memory_space<semaphore_mem>>) src(%dma_wait3A_245 : memref<640x64xf32, #tpu.memory_space<vmem_shared>>) dst(%dma_wait3A_243 : memref<640x64xf32, #tpu.memory_space<hbm>>)
      tpu.yield
    }) : () -> ()
    return
  }
}

#map = affine_map<(d0, d1) -> (0, 0)>
#map1 = affine_map<(d0, d1) -> (0, 0, 0)>
module attributes {stable_mosaic.version = 14 : i64} {
  func.func @_sc_aggregate(%arg0: i32, %arg1: i32, %arg2: memref<10000x64xf32, #tpu.memory_space<hbm>>, %arg3: memref<32x125x80xi32, #tpu.memory_space<hbm>>, %arg4: memref<32x125x80xi32, #tpu.memory_space<hbm>>, %arg5: memref<640x64xf32, #tpu.memory_space<hbm>>, %arg6: memref<2x10240x64xf32, #tpu.memory_space<hbm>>, %arg7: memref<125x80xi32, #tpu.memory_space<vmem>>, %arg8: memref<125x80xi32, #tpu.memory_space<vmem>>, %arg9: memref<80x64xf32, #tpu.memory_space<vmem>>, %arg10: memref<80x64xf32, #tpu.memory_space<vmem>>, %arg11: memref<80x64xf32, #tpu.memory_space<vmem>>, %arg12: memref<80x64xf32, #tpu.memory_space<vmem>>, %arg13: memref<80x64xf32, #tpu.memory_space<vmem>>, %arg14: memref<80x64xf32, #tpu.memory_space<vmem>>, %arg15: memref<80x64xf32, #tpu.memory_space<vmem>>, %arg16: memref<80x64xf32, #tpu.memory_space<vmem>>, %arg17: memref<80x64xf32, #tpu.memory_space<vmem>>, %arg18: memref<80x64xf32, #tpu.memory_space<vmem>>, %arg19: memref<80x64xf32, #tpu.memory_space<vmem>>, %arg20: memref<80x64xf32, #tpu.memory_space<vmem>>, %arg21: memref<10240x64xf32, #tpu.memory_space<vmem_shared>>, %arg22: memref<!tpu.dma_semaphore, #tpu.memory_space<semaphore_mem>>, %arg23: memref<!tpu.dma_semaphore, #tpu.memory_space<semaphore_mem>>, %arg24: memref<!tpu.dma_semaphore, #tpu.memory_space<semaphore_mem>>, %arg25: memref<!tpu.dma_semaphore, #tpu.memory_space<semaphore_mem>>, %arg26: memref<!tpu.dma_semaphore, #tpu.memory_space<semaphore_mem>>, %arg27: memref<!tpu.dma_semaphore, #tpu.memory_space<semaphore_mem>>, %arg28: memref<!tpu.dma_semaphore, #tpu.memory_space<semaphore_mem>>, %arg29: memref<!tpu.dma_semaphore, #tpu.memory_space<semaphore_mem>>, %arg30: memref<!tpu.dma_semaphore, #tpu.memory_space<semaphore_mem>>, %arg31: memref<!tpu.dma_semaphore, #tpu.memory_space<semaphore_mem>>, %arg32: memref<!tpu.dma_semaphore, #tpu.memory_space<semaphore_mem>>, %arg33: memref<!tpu.dma_semaphore, #tpu.memory_space<semaphore_mem>>, %arg34: memref<!tpu.dma_semaphore, #tpu.memory_space<semaphore_mem>>, %arg35: memref<!tpu.dma_semaphore, #tpu.memory_space<semaphore_mem>>, %arg36: memref<!tpu.dma_semaphore, #tpu.memory_space<semaphore_mem>>, %arg37: memref<!tpu.dma_semaphore, #tpu.memory_space<semaphore_mem>>, %arg38: memref<!tpu.dma_semaphore, #tpu.memory_space<semaphore_mem>>, %arg39: memref<!tpu.dma_semaphore, #tpu.memory_space<semaphore_mem>>, %arg40: memref<!tpu.dma_semaphore, #tpu.memory_space<semaphore_mem>>, %arg41: memref<!tpu.dma_semaphore, #tpu.memory_space<semaphore_mem>>, %arg42: memref<!tpu.dma_semaphore, #tpu.memory_space<semaphore_mem>>, %arg43: memref<!tpu.dma_semaphore, #tpu.memory_space<semaphore_mem>>, %arg44: memref<!tpu.dma_semaphore, #tpu.memory_space<semaphore_mem>>, %arg45: memref<!tpu.dma_semaphore, #tpu.memory_space<semaphore_mem>>) attributes {dimension_semantics = [#tpu.dimension_semantics<core_parallel>, #tpu.dimension_semantics<subcore_parallel>], iteration_bounds = array<i64: 2, 16>, scalar_prefetch = 0 : i64, scratch_operands = 39 : i64, tpu.core_type = #tpu.core_type<sc_vector_subcore>, window_params = [{transform_indices = #map}, {transform_indices = #map1}, {transform_indices = #map1}, {transform_indices = #map}, {transform_indices = #map1}]} {
    %mul3A = arith.constant 16 : i32
    %mul3A_0 = arith.muli %arg0, %mul3A : i32
    %add3A = arith.addi %mul3A_0, %arg1 : i32
    %mul3A_1 = arith.constant 640 : i32
    %mul3A_2 = arith.muli %arg1, %mul3A_1 : i32
    %dma_start3A = arith.constant 0 : i32
    %dma_start3A_3 = tpu.memref_slice %arg21[%mul3A_2, %dma_start3A] : memref<10240x64xf32, #tpu.memory_space<vmem_shared>> -> memref<640x64xf32, #tpu.memory_space<vmem_shared>>
    tpu.enqueue_dma source(%arg5 : memref<640x64xf32, #tpu.memory_space<hbm>>) target(%dma_start3A_3 : memref<640x64xf32, #tpu.memory_space<vmem_shared>>) target_semaphore(%arg34 : memref<!tpu.dma_semaphore, #tpu.memory_space<semaphore_mem>>)
    %dma_start3A_4 = arith.constant 0 : i32
    %dma_start3A_5 = arith.constant 0 : i32
    %dma_start3A_6 = tpu.memref_slice %arg3[%add3A, %dma_start3A_4, %dma_start3A_5] : memref<32x125x80xi32, #tpu.memory_space<hbm>> -> memref<1x125x80xi32, #tpu.memory_space<hbm>>
    %dma_start3A_7 = tpu.memref_squeeze %dma_start3A_6 : memref<1x125x80xi32, #tpu.memory_space<hbm>> -> memref<125x80xi32, #tpu.memory_space<hbm>>
    %dma_start3A_8 = arith.constant 0 : i32
    %dma_start3A_9 = arith.constant 0 : i32
    %dma_start3A_10 = tpu.memref_slice %arg3[%add3A, %dma_start3A_8, %dma_start3A_9] : memref<32x125x80xi32, #tpu.memory_space<hbm>> -> memref<1x125x80xi32, #tpu.memory_space<hbm>>
    %dma_start3A_11 = tpu.memref_squeeze %dma_start3A_10 : memref<1x125x80xi32, #tpu.memory_space<hbm>> -> memref<125x80xi32, #tpu.memory_space<hbm>>
    tpu.enqueue_dma source(%dma_start3A_11 : memref<125x80xi32, #tpu.memory_space<hbm>>) target(%arg7 : memref<125x80xi32, #tpu.memory_space<vmem>>) target_semaphore(%arg35 : memref<!tpu.dma_semaphore, #tpu.memory_space<semaphore_mem>>)
    %dma_start3A_12 = arith.constant 0 : i32
    %dma_start3A_13 = arith.constant 0 : i32
    %dma_start3A_14 = tpu.memref_slice %arg4[%add3A, %dma_start3A_12, %dma_start3A_13] : memref<32x125x80xi32, #tpu.memory_space<hbm>> -> memref<1x125x80xi32, #tpu.memory_space<hbm>>
    %dma_start3A_15 = tpu.memref_squeeze %dma_start3A_14 : memref<1x125x80xi32, #tpu.memory_space<hbm>> -> memref<125x80xi32, #tpu.memory_space<hbm>>
    %dma_start3A_16 = arith.constant 0 : i32
    %dma_start3A_17 = arith.constant 0 : i32
    %dma_start3A_18 = tpu.memref_slice %arg4[%add3A, %dma_start3A_16, %dma_start3A_17] : memref<32x125x80xi32, #tpu.memory_space<hbm>> -> memref<1x125x80xi32, #tpu.memory_space<hbm>>
    %dma_start3A_19 = tpu.memref_squeeze %dma_start3A_18 : memref<1x125x80xi32, #tpu.memory_space<hbm>> -> memref<125x80xi32, #tpu.memory_space<hbm>>
    tpu.enqueue_dma source(%dma_start3A_19 : memref<125x80xi32, #tpu.memory_space<hbm>>) target(%arg8 : memref<125x80xi32, #tpu.memory_space<vmem>>) target_semaphore(%arg36 : memref<!tpu.dma_semaphore, #tpu.memory_space<semaphore_mem>>)
    %dma_wait3A = arith.constant 0 : i32
    %dma_wait3A_20 = tpu.memref_slice %arg21[%mul3A_2, %dma_wait3A] : memref<10240x64xf32, #tpu.memory_space<vmem_shared>> -> memref<640x64xf32, #tpu.memory_space<vmem_shared>>
    tpu.wait_dma2 semaphore(%arg34 : memref<!tpu.dma_semaphore, #tpu.memory_space<semaphore_mem>>) src(%arg5 : memref<640x64xf32, #tpu.memory_space<hbm>>) dst(%dma_wait3A_20 : memref<640x64xf32, #tpu.memory_space<vmem_shared>>)
    %dma_wait3A_21 = arith.constant 0 : i32
    %dma_wait3A_22 = arith.constant 0 : i32
    %dma_wait3A_23 = tpu.memref_slice %arg3[%add3A, %dma_wait3A_21, %dma_wait3A_22] : memref<32x125x80xi32, #tpu.memory_space<hbm>> -> memref<1x125x80xi32, #tpu.memory_space<hbm>>
    %dma_wait3A_24 = tpu.memref_squeeze %dma_wait3A_23 : memref<1x125x80xi32, #tpu.memory_space<hbm>> -> memref<125x80xi32, #tpu.memory_space<hbm>>
    %dma_wait3A_25 = arith.constant 0 : i32
    %dma_wait3A_26 = arith.constant 0 : i32
    %dma_wait3A_27 = tpu.memref_slice %arg3[%add3A, %dma_wait3A_25, %dma_wait3A_26] : memref<32x125x80xi32, #tpu.memory_space<hbm>> -> memref<1x125x80xi32, #tpu.memory_space<hbm>>
    %dma_wait3A_28 = tpu.memref_squeeze %dma_wait3A_27 : memref<1x125x80xi32, #tpu.memory_space<hbm>> -> memref<125x80xi32, #tpu.memory_space<hbm>>
    tpu.wait_dma2 semaphore(%arg35 : memref<!tpu.dma_semaphore, #tpu.memory_space<semaphore_mem>>) src(%dma_wait3A_28 : memref<125x80xi32, #tpu.memory_space<hbm>>) dst(%arg7 : memref<125x80xi32, #tpu.memory_space<vmem>>)
    %dma_wait3A_29 = arith.constant 0 : i32
    %dma_wait3A_30 = arith.constant 0 : i32
    %dma_wait3A_31 = tpu.memref_slice %arg4[%add3A, %dma_wait3A_29, %dma_wait3A_30] : memref<32x125x80xi32, #tpu.memory_space<hbm>> -> memref<1x125x80xi32, #tpu.memory_space<hbm>>
    %dma_wait3A_32 = tpu.memref_squeeze %dma_wait3A_31 : memref<1x125x80xi32, #tpu.memory_space<hbm>> -> memref<125x80xi32, #tpu.memory_space<hbm>>
    %dma_wait3A_33 = arith.constant 0 : i32
    %dma_wait3A_34 = arith.constant 0 : i32
    %dma_wait3A_35 = tpu.memref_slice %arg4[%add3A, %dma_wait3A_33, %dma_wait3A_34] : memref<32x125x80xi32, #tpu.memory_space<hbm>> -> memref<1x125x80xi32, #tpu.memory_space<hbm>>
    %dma_wait3A_36 = tpu.memref_squeeze %dma_wait3A_35 : memref<1x125x80xi32, #tpu.memory_space<hbm>> -> memref<125x80xi32, #tpu.memory_space<hbm>>
    tpu.wait_dma2 semaphore(%arg36 : memref<!tpu.dma_semaphore, #tpu.memory_space<semaphore_mem>>) src(%dma_wait3A_36 : memref<125x80xi32, #tpu.memory_space<hbm>>) dst(%arg8 : memref<125x80xi32, #tpu.memory_space<vmem>>)
    %barrier3A = arith.constant 0 : index
    tpu.barrier barrier_id(%barrier3A)
    %dma_start3A_37 = arith.constant 0 : i32
    %dma_start3A_38 = arith.constant 0 : i32
    %dma_start3A_39 = tpu.memref_slice %arg7[%dma_start3A_37, %dma_start3A_38] : memref<125x80xi32, #tpu.memory_space<vmem>> -> memref<1x80xi32, #tpu.memory_space<vmem>>
    %dma_start3A_40 = tpu.memref_squeeze %dma_start3A_39 : memref<1x80xi32, #tpu.memory_space<vmem>> -> memref<80xi32, #tpu.memory_space<vmem>>
    %dma_start3A_41 = arith.constant 0 : i32
    %dma_start3A_42 = arith.constant 0 : i32
    %dma_start3A_43 = tpu.memref_slice %arg2[%dma_start3A_41, %dma_start3A_42] : memref<10000x64xf32, #tpu.memory_space<hbm>> -> memref<10000x64xf32, #tpu.memory_space<hbm>>
    tpu.enqueue_indirect_dma source(%dma_start3A_43 : memref<10000x64xf32, #tpu.memory_space<hbm>>) target(%arg9 : memref<80x64xf32, #tpu.memory_space<vmem>>) offsets(%dma_start3A_40 : memref<80xi32, #tpu.memory_space<vmem>>) semaphore(%arg22 : memref<!tpu.dma_semaphore, #tpu.memory_space<semaphore_mem>>)
    %dma_start3A_44 = arith.constant 1 : i32
    %dma_start3A_45 = arith.constant 0 : i32
    %dma_start3A_46 = tpu.memref_slice %arg7[%dma_start3A_44, %dma_start3A_45] : memref<125x80xi32, #tpu.memory_space<vmem>> -> memref<1x80xi32, #tpu.memory_space<vmem>>
    %dma_start3A_47 = tpu.memref_squeeze %dma_start3A_46 : memref<1x80xi32, #tpu.memory_space<vmem>> -> memref<80xi32, #tpu.memory_space<vmem>>
    %dma_start3A_48 = arith.constant 0 : i32
    %dma_start3A_49 = arith.constant 0 : i32
    %dma_start3A_50 = tpu.memref_slice %arg2[%dma_start3A_48, %dma_start3A_49] : memref<10000x64xf32, #tpu.memory_space<hbm>> -> memref<10000x64xf32, #tpu.memory_space<hbm>>
    tpu.enqueue_indirect_dma source(%dma_start3A_50 : memref<10000x64xf32, #tpu.memory_space<hbm>>) target(%arg10 : memref<80x64xf32, #tpu.memory_space<vmem>>) offsets(%dma_start3A_47 : memref<80xi32, #tpu.memory_space<vmem>>) semaphore(%arg23 : memref<!tpu.dma_semaphore, #tpu.memory_space<semaphore_mem>>)
    %dma_start3A_51 = arith.constant 2 : i32
    %dma_start3A_52 = arith.constant 0 : i32
    %dma_start3A_53 = tpu.memref_slice %arg7[%dma_start3A_51, %dma_start3A_52] : memref<125x80xi32, #tpu.memory_space<vmem>> -> memref<1x80xi32, #tpu.memory_space<vmem>>
    %dma_start3A_54 = tpu.memref_squeeze %dma_start3A_53 : memref<1x80xi32, #tpu.memory_space<vmem>> -> memref<80xi32, #tpu.memory_space<vmem>>
    %dma_start3A_55 = arith.constant 0 : i32
    %dma_start3A_56 = arith.constant 0 : i32
    %dma_start3A_57 = tpu.memref_slice %arg2[%dma_start3A_55, %dma_start3A_56] : memref<10000x64xf32, #tpu.memory_space<hbm>> -> memref<10000x64xf32, #tpu.memory_space<hbm>>
    tpu.enqueue_indirect_dma source(%dma_start3A_57 : memref<10000x64xf32, #tpu.memory_space<hbm>>) target(%arg11 : memref<80x64xf32, #tpu.memory_space<vmem>>) offsets(%dma_start3A_54 : memref<80xi32, #tpu.memory_space<vmem>>) semaphore(%arg24 : memref<!tpu.dma_semaphore, #tpu.memory_space<semaphore_mem>>)
    %dma_start3A_58 = arith.constant 3 : i32
    %dma_start3A_59 = arith.constant 0 : i32
    %dma_start3A_60 = tpu.memref_slice %arg7[%dma_start3A_58, %dma_start3A_59] : memref<125x80xi32, #tpu.memory_space<vmem>> -> memref<1x80xi32, #tpu.memory_space<vmem>>
    %dma_start3A_61 = tpu.memref_squeeze %dma_start3A_60 : memref<1x80xi32, #tpu.memory_space<vmem>> -> memref<80xi32, #tpu.memory_space<vmem>>
    %dma_start3A_62 = arith.constant 0 : i32
    %dma_start3A_63 = arith.constant 0 : i32
    %dma_start3A_64 = tpu.memref_slice %arg2[%dma_start3A_62, %dma_start3A_63] : memref<10000x64xf32, #tpu.memory_space<hbm>> -> memref<10000x64xf32, #tpu.memory_space<hbm>>
    tpu.enqueue_indirect_dma source(%dma_start3A_64 : memref<10000x64xf32, #tpu.memory_space<hbm>>) target(%arg12 : memref<80x64xf32, #tpu.memory_space<vmem>>) offsets(%dma_start3A_61 : memref<80xi32, #tpu.memory_space<vmem>>) semaphore(%arg25 : memref<!tpu.dma_semaphore, #tpu.memory_space<semaphore_mem>>)
    %dma_start3A_65 = arith.constant 4 : i32
    %dma_start3A_66 = arith.constant 0 : i32
    %dma_start3A_67 = tpu.memref_slice %arg7[%dma_start3A_65, %dma_start3A_66] : memref<125x80xi32, #tpu.memory_space<vmem>> -> memref<1x80xi32, #tpu.memory_space<vmem>>
    %dma_start3A_68 = tpu.memref_squeeze %dma_start3A_67 : memref<1x80xi32, #tpu.memory_space<vmem>> -> memref<80xi32, #tpu.memory_space<vmem>>
    %dma_start3A_69 = arith.constant 0 : i32
    %dma_start3A_70 = arith.constant 0 : i32
    %dma_start3A_71 = tpu.memref_slice %arg2[%dma_start3A_69, %dma_start3A_70] : memref<10000x64xf32, #tpu.memory_space<hbm>> -> memref<10000x64xf32, #tpu.memory_space<hbm>>
    tpu.enqueue_indirect_dma source(%dma_start3A_71 : memref<10000x64xf32, #tpu.memory_space<hbm>>) target(%arg13 : memref<80x64xf32, #tpu.memory_space<vmem>>) offsets(%dma_start3A_68 : memref<80xi32, #tpu.memory_space<vmem>>) semaphore(%arg26 : memref<!tpu.dma_semaphore, #tpu.memory_space<semaphore_mem>>)
    %dma_start3A_72 = arith.constant 5 : i32
    %dma_start3A_73 = arith.constant 0 : i32
    %dma_start3A_74 = tpu.memref_slice %arg7[%dma_start3A_72, %dma_start3A_73] : memref<125x80xi32, #tpu.memory_space<vmem>> -> memref<1x80xi32, #tpu.memory_space<vmem>>
    %dma_start3A_75 = tpu.memref_squeeze %dma_start3A_74 : memref<1x80xi32, #tpu.memory_space<vmem>> -> memref<80xi32, #tpu.memory_space<vmem>>
    %dma_start3A_76 = arith.constant 0 : i32
    %dma_start3A_77 = arith.constant 0 : i32
    %dma_start3A_78 = tpu.memref_slice %arg2[%dma_start3A_76, %dma_start3A_77] : memref<10000x64xf32, #tpu.memory_space<hbm>> -> memref<10000x64xf32, #tpu.memory_space<hbm>>
    tpu.enqueue_indirect_dma source(%dma_start3A_78 : memref<10000x64xf32, #tpu.memory_space<hbm>>) target(%arg14 : memref<80x64xf32, #tpu.memory_space<vmem>>) offsets(%dma_start3A_75 : memref<80xi32, #tpu.memory_space<vmem>>) semaphore(%arg27 : memref<!tpu.dma_semaphore, #tpu.memory_space<semaphore_mem>>)
    %dma_start3A_79 = arith.constant 6 : i32
    %dma_start3A_80 = arith.constant 0 : i32
    %dma_start3A_81 = tpu.memref_slice %arg7[%dma_start3A_79, %dma_start3A_80] : memref<125x80xi32, #tpu.memory_space<vmem>> -> memref<1x80xi32, #tpu.memory_space<vmem>>
    %dma_start3A_82 = tpu.memref_squeeze %dma_start3A_81 : memref<1x80xi32, #tpu.memory_space<vmem>> -> memref<80xi32, #tpu.memory_space<vmem>>
    %dma_start3A_83 = arith.constant 0 : i32
    %dma_start3A_84 = arith.constant 0 : i32
    %dma_start3A_85 = tpu.memref_slice %arg2[%dma_start3A_83, %dma_start3A_84] : memref<10000x64xf32, #tpu.memory_space<hbm>> -> memref<10000x64xf32, #tpu.memory_space<hbm>>
    tpu.enqueue_indirect_dma source(%dma_start3A_85 : memref<10000x64xf32, #tpu.memory_space<hbm>>) target(%arg15 : memref<80x64xf32, #tpu.memory_space<vmem>>) offsets(%dma_start3A_82 : memref<80xi32, #tpu.memory_space<vmem>>) semaphore(%arg28 : memref<!tpu.dma_semaphore, #tpu.memory_space<semaphore_mem>>)
    %dma_start3A_86 = arith.constant 7 : i32
    %dma_start3A_87 = arith.constant 0 : i32
    %dma_start3A_88 = tpu.memref_slice %arg7[%dma_start3A_86, %dma_start3A_87] : memref<125x80xi32, #tpu.memory_space<vmem>> -> memref<1x80xi32, #tpu.memory_space<vmem>>
    %dma_start3A_89 = tpu.memref_squeeze %dma_start3A_88 : memref<1x80xi32, #tpu.memory_space<vmem>> -> memref<80xi32, #tpu.memory_space<vmem>>
    %dma_start3A_90 = arith.constant 0 : i32
    %dma_start3A_91 = arith.constant 0 : i32
    %dma_start3A_92 = tpu.memref_slice %arg2[%dma_start3A_90, %dma_start3A_91] : memref<10000x64xf32, #tpu.memory_space<hbm>> -> memref<10000x64xf32, #tpu.memory_space<hbm>>
    tpu.enqueue_indirect_dma source(%dma_start3A_92 : memref<10000x64xf32, #tpu.memory_space<hbm>>) target(%arg16 : memref<80x64xf32, #tpu.memory_space<vmem>>) offsets(%dma_start3A_89 : memref<80xi32, #tpu.memory_space<vmem>>) semaphore(%arg29 : memref<!tpu.dma_semaphore, #tpu.memory_space<semaphore_mem>>)
    %dma_start3A_93 = arith.constant 8 : i32
    %dma_start3A_94 = arith.constant 0 : i32
    %dma_start3A_95 = tpu.memref_slice %arg7[%dma_start3A_93, %dma_start3A_94] : memref<125x80xi32, #tpu.memory_space<vmem>> -> memref<1x80xi32, #tpu.memory_space<vmem>>
    %dma_start3A_96 = tpu.memref_squeeze %dma_start3A_95 : memref<1x80xi32, #tpu.memory_space<vmem>> -> memref<80xi32, #tpu.memory_space<vmem>>
    %dma_start3A_97 = arith.constant 0 : i32
    %dma_start3A_98 = arith.constant 0 : i32
    %dma_start3A_99 = tpu.memref_slice %arg2[%dma_start3A_97, %dma_start3A_98] : memref<10000x64xf32, #tpu.memory_space<hbm>> -> memref<10000x64xf32, #tpu.memory_space<hbm>>
    tpu.enqueue_indirect_dma source(%dma_start3A_99 : memref<10000x64xf32, #tpu.memory_space<hbm>>) target(%arg17 : memref<80x64xf32, #tpu.memory_space<vmem>>) offsets(%dma_start3A_96 : memref<80xi32, #tpu.memory_space<vmem>>) semaphore(%arg30 : memref<!tpu.dma_semaphore, #tpu.memory_space<semaphore_mem>>)
    %dma_start3A_100 = arith.constant 9 : i32
    %dma_start3A_101 = arith.constant 0 : i32
    %dma_start3A_102 = tpu.memref_slice %arg7[%dma_start3A_100, %dma_start3A_101] : memref<125x80xi32, #tpu.memory_space<vmem>> -> memref<1x80xi32, #tpu.memory_space<vmem>>
    %dma_start3A_103 = tpu.memref_squeeze %dma_start3A_102 : memref<1x80xi32, #tpu.memory_space<vmem>> -> memref<80xi32, #tpu.memory_space<vmem>>
    %dma_start3A_104 = arith.constant 0 : i32
    %dma_start3A_105 = arith.constant 0 : i32
    %dma_start3A_106 = tpu.memref_slice %arg2[%dma_start3A_104, %dma_start3A_105] : memref<10000x64xf32, #tpu.memory_space<hbm>> -> memref<10000x64xf32, #tpu.memory_space<hbm>>
    tpu.enqueue_indirect_dma source(%dma_start3A_106 : memref<10000x64xf32, #tpu.memory_space<hbm>>) target(%arg18 : memref<80x64xf32, #tpu.memory_space<vmem>>) offsets(%dma_start3A_103 : memref<80xi32, #tpu.memory_space<vmem>>) semaphore(%arg31 : memref<!tpu.dma_semaphore, #tpu.memory_space<semaphore_mem>>)
    %dma_start3A_107 = arith.constant 10 : i32
    %dma_start3A_108 = arith.constant 0 : i32
    %dma_start3A_109 = tpu.memref_slice %arg7[%dma_start3A_107, %dma_start3A_108] : memref<125x80xi32, #tpu.memory_space<vmem>> -> memref<1x80xi32, #tpu.memory_space<vmem>>
    %dma_start3A_110 = tpu.memref_squeeze %dma_start3A_109 : memref<1x80xi32, #tpu.memory_space<vmem>> -> memref<80xi32, #tpu.memory_space<vmem>>
    %dma_start3A_111 = arith.constant 0 : i32
    %dma_start3A_112 = arith.constant 0 : i32
    %dma_start3A_113 = tpu.memref_slice %arg2[%dma_start3A_111, %dma_start3A_112] : memref<10000x64xf32, #tpu.memory_space<hbm>> -> memref<10000x64xf32, #tpu.memory_space<hbm>>
    tpu.enqueue_indirect_dma source(%dma_start3A_113 : memref<10000x64xf32, #tpu.memory_space<hbm>>) target(%arg19 : memref<80x64xf32, #tpu.memory_space<vmem>>) offsets(%dma_start3A_110 : memref<80xi32, #tpu.memory_space<vmem>>) semaphore(%arg32 : memref<!tpu.dma_semaphore, #tpu.memory_space<semaphore_mem>>)
    %dma_start3A_114 = arith.constant 11 : i32
    %dma_start3A_115 = arith.constant 0 : i32
    %dma_start3A_116 = tpu.memref_slice %arg7[%dma_start3A_114, %dma_start3A_115] : memref<125x80xi32, #tpu.memory_space<vmem>> -> memref<1x80xi32, #tpu.memory_space<vmem>>
    %dma_start3A_117 = tpu.memref_squeeze %dma_start3A_116 : memref<1x80xi32, #tpu.memory_space<vmem>> -> memref<80xi32, #tpu.memory_space<vmem>>
    %dma_start3A_118 = arith.constant 0 : i32
    %dma_start3A_119 = arith.constant 0 : i32
    %dma_start3A_120 = tpu.memref_slice %arg2[%dma_start3A_118, %dma_start3A_119] : memref<10000x64xf32, #tpu.memory_space<hbm>> -> memref<10000x64xf32, #tpu.memory_space<hbm>>
    tpu.enqueue_indirect_dma source(%dma_start3A_120 : memref<10000x64xf32, #tpu.memory_space<hbm>>) target(%arg20 : memref<80x64xf32, #tpu.memory_space<vmem>>) offsets(%dma_start3A_117 : memref<80xi32, #tpu.memory_space<vmem>>) semaphore(%arg33 : memref<!tpu.dma_semaphore, #tpu.memory_space<semaphore_mem>>)
    %scan3A = arith.constant 0 : i32
    %scan3A_121 = arith.constant 0 : i32
    %scan3A_122 = arith.constant 10 : i32
    %scan3A_123 = arith.addi %scan3A_121, %scan3A_122 : i32
    %scan3A_124 = arith.constant 1 : i32
    scf.for %scan3A_236 = %scan3A_121 to %scan3A_123 step %scan3A_124  : i32 {
      %mul3A_237 = arith.constant 12 : i32
      %mul3A_238 = arith.muli %mul3A_237, %scan3A_236 : i32
      %add3A_239 = arith.constant 0 : i32
      %add3A_240 = arith.addi %mul3A_238, %add3A_239 : i32
      %dma_wait3A_241 = arith.constant 0 : i32
      %dma_wait3A_242 = tpu.memref_slice %arg7[%add3A_240, %dma_wait3A_241] : memref<125x80xi32, #tpu.memory_space<vmem>> -> memref<1x80xi32, #tpu.memory_space<vmem>>
      %dma_wait3A_243 = tpu.memref_squeeze %dma_wait3A_242 : memref<1x80xi32, #tpu.memory_space<vmem>> -> memref<80xi32, #tpu.memory_space<vmem>>
      %dma_wait3A_244 = arith.constant 0 : i32
      %dma_wait3A_245 = arith.constant 0 : i32
      %dma_wait3A_246 = tpu.memref_slice %arg2[%dma_wait3A_244, %dma_wait3A_245] : memref<10000x64xf32, #tpu.memory_space<hbm>> -> memref<10000x64xf32, #tpu.memory_space<hbm>>
      tpu.wait_indirect_dma semaphore(%arg22 : memref<!tpu.dma_semaphore, #tpu.memory_space<semaphore_mem>>) src(%dma_wait3A_246 : memref<10000x64xf32, #tpu.memory_space<hbm>>) dst(%arg9 : memref<80x64xf32, #tpu.memory_space<vmem>>)
      %add3A_247 = arith.constant 0 : i32
      %add3A_248 = arith.addi %mul3A_238, %add3A_247 : i32
      %dma_start3A_249 = arith.constant 0 : i32
      %dma_start3A_250 = tpu.memref_slice %arg8[%add3A_248, %dma_start3A_249] : memref<125x80xi32, #tpu.memory_space<vmem>> -> memref<1x80xi32, #tpu.memory_space<vmem>>
      %dma_start3A_251 = tpu.memref_squeeze %dma_start3A_250 : memref<1x80xi32, #tpu.memory_space<vmem>> -> memref<80xi32, #tpu.memory_space<vmem>>
      %dma_start3A_252 = arith.constant 0 : i32
      %dma_start3A_253 = arith.constant 0 : i32
      %dma_start3A_254 = tpu.memref_slice %arg21[%dma_start3A_252, %dma_start3A_253] : memref<10240x64xf32, #tpu.memory_space<vmem_shared>> -> memref<10240x64xf32, #tpu.memory_space<vmem_shared>>
      tpu.enqueue_indirect_dma source(%arg9 : memref<80x64xf32, #tpu.memory_space<vmem>>) target(%dma_start3A_254 : memref<10240x64xf32, #tpu.memory_space<vmem_shared>>) offsets(%dma_start3A_251 : memref<80xi32, #tpu.memory_space<vmem>>) semaphore(%arg34 : memref<!tpu.dma_semaphore, #tpu.memory_space<semaphore_mem>>) {add = true}
      %add3A_255 = arith.constant 1 : i32
      %add3A_256 = arith.addi %mul3A_238, %add3A_255 : i32
      %dma_wait3A_257 = arith.constant 0 : i32
      %dma_wait3A_258 = tpu.memref_slice %arg7[%add3A_256, %dma_wait3A_257] : memref<125x80xi32, #tpu.memory_space<vmem>> -> memref<1x80xi32, #tpu.memory_space<vmem>>
      %dma_wait3A_259 = tpu.memref_squeeze %dma_wait3A_258 : memref<1x80xi32, #tpu.memory_space<vmem>> -> memref<80xi32, #tpu.memory_space<vmem>>
      %dma_wait3A_260 = arith.constant 0 : i32
      %dma_wait3A_261 = arith.constant 0 : i32
      %dma_wait3A_262 = tpu.memref_slice %arg2[%dma_wait3A_260, %dma_wait3A_261] : memref<10000x64xf32, #tpu.memory_space<hbm>> -> memref<10000x64xf32, #tpu.memory_space<hbm>>
      tpu.wait_indirect_dma semaphore(%arg23 : memref<!tpu.dma_semaphore, #tpu.memory_space<semaphore_mem>>) src(%dma_wait3A_262 : memref<10000x64xf32, #tpu.memory_space<hbm>>) dst(%arg10 : memref<80x64xf32, #tpu.memory_space<vmem>>)
      %add3A_263 = arith.constant 1 : i32
      %add3A_264 = arith.addi %mul3A_238, %add3A_263 : i32
      %dma_start3A_265 = arith.constant 0 : i32
      %dma_start3A_266 = tpu.memref_slice %arg8[%add3A_264, %dma_start3A_265] : memref<125x80xi32, #tpu.memory_space<vmem>> -> memref<1x80xi32, #tpu.memory_space<vmem>>
      %dma_start3A_267 = tpu.memref_squeeze %dma_start3A_266 : memref<1x80xi32, #tpu.memory_space<vmem>> -> memref<80xi32, #tpu.memory_space<vmem>>
      %dma_start3A_268 = arith.constant 0 : i32
      %dma_start3A_269 = arith.constant 0 : i32
      %dma_start3A_270 = tpu.memref_slice %arg21[%dma_start3A_268, %dma_start3A_269] : memref<10240x64xf32, #tpu.memory_space<vmem_shared>> -> memref<10240x64xf32, #tpu.memory_space<vmem_shared>>
      tpu.enqueue_indirect_dma source(%arg10 : memref<80x64xf32, #tpu.memory_space<vmem>>) target(%dma_start3A_270 : memref<10240x64xf32, #tpu.memory_space<vmem_shared>>) offsets(%dma_start3A_267 : memref<80xi32, #tpu.memory_space<vmem>>) semaphore(%arg35 : memref<!tpu.dma_semaphore, #tpu.memory_space<semaphore_mem>>) {add = true}
      %add3A_271 = arith.constant 2 : i32
      %add3A_272 = arith.addi %mul3A_238, %add3A_271 : i32
      %dma_wait3A_273 = arith.constant 0 : i32
      %dma_wait3A_274 = tpu.memref_slice %arg7[%add3A_272, %dma_wait3A_273] : memref<125x80xi32, #tpu.memory_space<vmem>> -> memref<1x80xi32, #tpu.memory_space<vmem>>
      %dma_wait3A_275 = tpu.memref_squeeze %dma_wait3A_274 : memref<1x80xi32, #tpu.memory_space<vmem>> -> memref<80xi32, #tpu.memory_space<vmem>>
      %dma_wait3A_276 = arith.constant 0 : i32
      %dma_wait3A_277 = arith.constant 0 : i32
      %dma_wait3A_278 = tpu.memref_slice %arg2[%dma_wait3A_276, %dma_wait3A_277] : memref<10000x64xf32, #tpu.memory_space<hbm>> -> memref<10000x64xf32, #tpu.memory_space<hbm>>
      tpu.wait_indirect_dma semaphore(%arg24 : memref<!tpu.dma_semaphore, #tpu.memory_space<semaphore_mem>>) src(%dma_wait3A_278 : memref<10000x64xf32, #tpu.memory_space<hbm>>) dst(%arg11 : memref<80x64xf32, #tpu.memory_space<vmem>>)
      %add3A_279 = arith.constant 2 : i32
      %add3A_280 = arith.addi %mul3A_238, %add3A_279 : i32
      %dma_start3A_281 = arith.constant 0 : i32
      %dma_start3A_282 = tpu.memref_slice %arg8[%add3A_280, %dma_start3A_281] : memref<125x80xi32, #tpu.memory_space<vmem>> -> memref<1x80xi32, #tpu.memory_space<vmem>>
      %dma_start3A_283 = tpu.memref_squeeze %dma_start3A_282 : memref<1x80xi32, #tpu.memory_space<vmem>> -> memref<80xi32, #tpu.memory_space<vmem>>
      %dma_start3A_284 = arith.constant 0 : i32
      %dma_start3A_285 = arith.constant 0 : i32
      %dma_start3A_286 = tpu.memref_slice %arg21[%dma_start3A_284, %dma_start3A_285] : memref<10240x64xf32, #tpu.memory_space<vmem_shared>> -> memref<10240x64xf32, #tpu.memory_space<vmem_shared>>
      tpu.enqueue_indirect_dma source(%arg11 : memref<80x64xf32, #tpu.memory_space<vmem>>) target(%dma_start3A_286 : memref<10240x64xf32, #tpu.memory_space<vmem_shared>>) offsets(%dma_start3A_283 : memref<80xi32, #tpu.memory_space<vmem>>) semaphore(%arg36 : memref<!tpu.dma_semaphore, #tpu.memory_space<semaphore_mem>>) {add = true}
      %add3A_287 = arith.constant 3 : i32
      %add3A_288 = arith.addi %mul3A_238, %add3A_287 : i32
      %dma_wait3A_289 = arith.constant 0 : i32
      %dma_wait3A_290 = tpu.memref_slice %arg7[%add3A_288, %dma_wait3A_289] : memref<125x80xi32, #tpu.memory_space<vmem>> -> memref<1x80xi32, #tpu.memory_space<vmem>>
      %dma_wait3A_291 = tpu.memref_squeeze %dma_wait3A_290 : memref<1x80xi32, #tpu.memory_space<vmem>> -> memref<80xi32, #tpu.memory_space<vmem>>
      %dma_wait3A_292 = arith.constant 0 : i32
      %dma_wait3A_293 = arith.constant 0 : i32
      %dma_wait3A_294 = tpu.memref_slice %arg2[%dma_wait3A_292, %dma_wait3A_293] : memref<10000x64xf32, #tpu.memory_space<hbm>> -> memref<10000x64xf32, #tpu.memory_space<hbm>>
      tpu.wait_indirect_dma semaphore(%arg25 : memref<!tpu.dma_semaphore, #tpu.memory_space<semaphore_mem>>) src(%dma_wait3A_294 : memref<10000x64xf32, #tpu.memory_space<hbm>>) dst(%arg12 : memref<80x64xf32, #tpu.memory_space<vmem>>)
      %add3A_295 = arith.constant 3 : i32
      %add3A_296 = arith.addi %mul3A_238, %add3A_295 : i32
      %dma_start3A_297 = arith.constant 0 : i32
      %dma_start3A_298 = tpu.memref_slice %arg8[%add3A_296, %dma_start3A_297] : memref<125x80xi32, #tpu.memory_space<vmem>> -> memref<1x80xi32, #tpu.memory_space<vmem>>
      %dma_start3A_299 = tpu.memref_squeeze %dma_start3A_298 : memref<1x80xi32, #tpu.memory_space<vmem>> -> memref<80xi32, #tpu.memory_space<vmem>>
      %dma_start3A_300 = arith.constant 0 : i32
      %dma_start3A_301 = arith.constant 0 : i32
      %dma_start3A_302 = tpu.memref_slice %arg21[%dma_start3A_300, %dma_start3A_301] : memref<10240x64xf32, #tpu.memory_space<vmem_shared>> -> memref<10240x64xf32, #tpu.memory_space<vmem_shared>>
      tpu.enqueue_indirect_dma source(%arg12 : memref<80x64xf32, #tpu.memory_space<vmem>>) target(%dma_start3A_302 : memref<10240x64xf32, #tpu.memory_space<vmem_shared>>) offsets(%dma_start3A_299 : memref<80xi32, #tpu.memory_space<vmem>>) semaphore(%arg37 : memref<!tpu.dma_semaphore, #tpu.memory_space<semaphore_mem>>) {add = true}
      %add3A_303 = arith.constant 4 : i32
      %add3A_304 = arith.addi %mul3A_238, %add3A_303 : i32
      %dma_wait3A_305 = arith.constant 0 : i32
      %dma_wait3A_306 = tpu.memref_slice %arg7[%add3A_304, %dma_wait3A_305] : memref<125x80xi32, #tpu.memory_space<vmem>> -> memref<1x80xi32, #tpu.memory_space<vmem>>
      %dma_wait3A_307 = tpu.memref_squeeze %dma_wait3A_306 : memref<1x80xi32, #tpu.memory_space<vmem>> -> memref<80xi32, #tpu.memory_space<vmem>>
      %dma_wait3A_308 = arith.constant 0 : i32
      %dma_wait3A_309 = arith.constant 0 : i32
      %dma_wait3A_310 = tpu.memref_slice %arg2[%dma_wait3A_308, %dma_wait3A_309] : memref<10000x64xf32, #tpu.memory_space<hbm>> -> memref<10000x64xf32, #tpu.memory_space<hbm>>
      tpu.wait_indirect_dma semaphore(%arg26 : memref<!tpu.dma_semaphore, #tpu.memory_space<semaphore_mem>>) src(%dma_wait3A_310 : memref<10000x64xf32, #tpu.memory_space<hbm>>) dst(%arg13 : memref<80x64xf32, #tpu.memory_space<vmem>>)
      %add3A_311 = arith.constant 4 : i32
      %add3A_312 = arith.addi %mul3A_238, %add3A_311 : i32
      %dma_start3A_313 = arith.constant 0 : i32
      %dma_start3A_314 = tpu.memref_slice %arg8[%add3A_312, %dma_start3A_313] : memref<125x80xi32, #tpu.memory_space<vmem>> -> memref<1x80xi32, #tpu.memory_space<vmem>>
      %dma_start3A_315 = tpu.memref_squeeze %dma_start3A_314 : memref<1x80xi32, #tpu.memory_space<vmem>> -> memref<80xi32, #tpu.memory_space<vmem>>
      %dma_start3A_316 = arith.constant 0 : i32
      %dma_start3A_317 = arith.constant 0 : i32
      %dma_start3A_318 = tpu.memref_slice %arg21[%dma_start3A_316, %dma_start3A_317] : memref<10240x64xf32, #tpu.memory_space<vmem_shared>> -> memref<10240x64xf32, #tpu.memory_space<vmem_shared>>
      tpu.enqueue_indirect_dma source(%arg13 : memref<80x64xf32, #tpu.memory_space<vmem>>) target(%dma_start3A_318 : memref<10240x64xf32, #tpu.memory_space<vmem_shared>>) offsets(%dma_start3A_315 : memref<80xi32, #tpu.memory_space<vmem>>) semaphore(%arg38 : memref<!tpu.dma_semaphore, #tpu.memory_space<semaphore_mem>>) {add = true}
      %add3A_319 = arith.constant 5 : i32
      %add3A_320 = arith.addi %mul3A_238, %add3A_319 : i32
      %dma_wait3A_321 = arith.constant 0 : i32
      %dma_wait3A_322 = tpu.memref_slice %arg7[%add3A_320, %dma_wait3A_321] : memref<125x80xi32, #tpu.memory_space<vmem>> -> memref<1x80xi32, #tpu.memory_space<vmem>>
      %dma_wait3A_323 = tpu.memref_squeeze %dma_wait3A_322 : memref<1x80xi32, #tpu.memory_space<vmem>> -> memref<80xi32, #tpu.memory_space<vmem>>
      %dma_wait3A_324 = arith.constant 0 : i32
      %dma_wait3A_325 = arith.constant 0 : i32
      %dma_wait3A_326 = tpu.memref_slice %arg2[%dma_wait3A_324, %dma_wait3A_325] : memref<10000x64xf32, #tpu.memory_space<hbm>> -> memref<10000x64xf32, #tpu.memory_space<hbm>>
      tpu.wait_indirect_dma semaphore(%arg27 : memref<!tpu.dma_semaphore, #tpu.memory_space<semaphore_mem>>) src(%dma_wait3A_326 : memref<10000x64xf32, #tpu.memory_space<hbm>>) dst(%arg14 : memref<80x64xf32, #tpu.memory_space<vmem>>)
      %add3A_327 = arith.constant 5 : i32
      %add3A_328 = arith.addi %mul3A_238, %add3A_327 : i32
      %dma_start3A_329 = arith.constant 0 : i32
      %dma_start3A_330 = tpu.memref_slice %arg8[%add3A_328, %dma_start3A_329] : memref<125x80xi32, #tpu.memory_space<vmem>> -> memref<1x80xi32, #tpu.memory_space<vmem>>
      %dma_start3A_331 = tpu.memref_squeeze %dma_start3A_330 : memref<1x80xi32, #tpu.memory_space<vmem>> -> memref<80xi32, #tpu.memory_space<vmem>>
      %dma_start3A_332 = arith.constant 0 : i32
      %dma_start3A_333 = arith.constant 0 : i32
      %dma_start3A_334 = tpu.memref_slice %arg21[%dma_start3A_332, %dma_start3A_333] : memref<10240x64xf32, #tpu.memory_space<vmem_shared>> -> memref<10240x64xf32, #tpu.memory_space<vmem_shared>>
      tpu.enqueue_indirect_dma source(%arg14 : memref<80x64xf32, #tpu.memory_space<vmem>>) target(%dma_start3A_334 : memref<10240x64xf32, #tpu.memory_space<vmem_shared>>) offsets(%dma_start3A_331 : memref<80xi32, #tpu.memory_space<vmem>>) semaphore(%arg39 : memref<!tpu.dma_semaphore, #tpu.memory_space<semaphore_mem>>) {add = true}
      %add3A_335 = arith.constant 6 : i32
      %add3A_336 = arith.addi %mul3A_238, %add3A_335 : i32
      %dma_wait3A_337 = arith.constant 0 : i32
      %dma_wait3A_338 = tpu.memref_slice %arg7[%add3A_336, %dma_wait3A_337] : memref<125x80xi32, #tpu.memory_space<vmem>> -> memref<1x80xi32, #tpu.memory_space<vmem>>
      %dma_wait3A_339 = tpu.memref_squeeze %dma_wait3A_338 : memref<1x80xi32, #tpu.memory_space<vmem>> -> memref<80xi32, #tpu.memory_space<vmem>>
      %dma_wait3A_340 = arith.constant 0 : i32
      %dma_wait3A_341 = arith.constant 0 : i32
      %dma_wait3A_342 = tpu.memref_slice %arg2[%dma_wait3A_340, %dma_wait3A_341] : memref<10000x64xf32, #tpu.memory_space<hbm>> -> memref<10000x64xf32, #tpu.memory_space<hbm>>
      tpu.wait_indirect_dma semaphore(%arg28 : memref<!tpu.dma_semaphore, #tpu.memory_space<semaphore_mem>>) src(%dma_wait3A_342 : memref<10000x64xf32, #tpu.memory_space<hbm>>) dst(%arg15 : memref<80x64xf32, #tpu.memory_space<vmem>>)
      %add3A_343 = arith.constant 6 : i32
      %add3A_344 = arith.addi %mul3A_238, %add3A_343 : i32
      %dma_start3A_345 = arith.constant 0 : i32
      %dma_start3A_346 = tpu.memref_slice %arg8[%add3A_344, %dma_start3A_345] : memref<125x80xi32, #tpu.memory_space<vmem>> -> memref<1x80xi32, #tpu.memory_space<vmem>>
      %dma_start3A_347 = tpu.memref_squeeze %dma_start3A_346 : memref<1x80xi32, #tpu.memory_space<vmem>> -> memref<80xi32, #tpu.memory_space<vmem>>
      %dma_start3A_348 = arith.constant 0 : i32
      %dma_start3A_349 = arith.constant 0 : i32
      %dma_start3A_350 = tpu.memref_slice %arg21[%dma_start3A_348, %dma_start3A_349] : memref<10240x64xf32, #tpu.memory_space<vmem_shared>> -> memref<10240x64xf32, #tpu.memory_space<vmem_shared>>
      tpu.enqueue_indirect_dma source(%arg15 : memref<80x64xf32, #tpu.memory_space<vmem>>) target(%dma_start3A_350 : memref<10240x64xf32, #tpu.memory_space<vmem_shared>>) offsets(%dma_start3A_347 : memref<80xi32, #tpu.memory_space<vmem>>) semaphore(%arg40 : memref<!tpu.dma_semaphore, #tpu.memory_space<semaphore_mem>>) {add = true}
      %add3A_351 = arith.constant 7 : i32
      %add3A_352 = arith.addi %mul3A_238, %add3A_351 : i32
      %dma_wait3A_353 = arith.constant 0 : i32
      %dma_wait3A_354 = tpu.memref_slice %arg7[%add3A_352, %dma_wait3A_353] : memref<125x80xi32, #tpu.memory_space<vmem>> -> memref<1x80xi32, #tpu.memory_space<vmem>>
      %dma_wait3A_355 = tpu.memref_squeeze %dma_wait3A_354 : memref<1x80xi32, #tpu.memory_space<vmem>> -> memref<80xi32, #tpu.memory_space<vmem>>
      %dma_wait3A_356 = arith.constant 0 : i32
      %dma_wait3A_357 = arith.constant 0 : i32
      %dma_wait3A_358 = tpu.memref_slice %arg2[%dma_wait3A_356, %dma_wait3A_357] : memref<10000x64xf32, #tpu.memory_space<hbm>> -> memref<10000x64xf32, #tpu.memory_space<hbm>>
      tpu.wait_indirect_dma semaphore(%arg29 : memref<!tpu.dma_semaphore, #tpu.memory_space<semaphore_mem>>) src(%dma_wait3A_358 : memref<10000x64xf32, #tpu.memory_space<hbm>>) dst(%arg16 : memref<80x64xf32, #tpu.memory_space<vmem>>)
      %add3A_359 = arith.constant 7 : i32
      %add3A_360 = arith.addi %mul3A_238, %add3A_359 : i32
      %dma_start3A_361 = arith.constant 0 : i32
      %dma_start3A_362 = tpu.memref_slice %arg8[%add3A_360, %dma_start3A_361] : memref<125x80xi32, #tpu.memory_space<vmem>> -> memref<1x80xi32, #tpu.memory_space<vmem>>
      %dma_start3A_363 = tpu.memref_squeeze %dma_start3A_362 : memref<1x80xi32, #tpu.memory_space<vmem>> -> memref<80xi32, #tpu.memory_space<vmem>>
      %dma_start3A_364 = arith.constant 0 : i32
      %dma_start3A_365 = arith.constant 0 : i32
      %dma_start3A_366 = tpu.memref_slice %arg21[%dma_start3A_364, %dma_start3A_365] : memref<10240x64xf32, #tpu.memory_space<vmem_shared>> -> memref<10240x64xf32, #tpu.memory_space<vmem_shared>>
      tpu.enqueue_indirect_dma source(%arg16 : memref<80x64xf32, #tpu.memory_space<vmem>>) target(%dma_start3A_366 : memref<10240x64xf32, #tpu.memory_space<vmem_shared>>) offsets(%dma_start3A_363 : memref<80xi32, #tpu.memory_space<vmem>>) semaphore(%arg41 : memref<!tpu.dma_semaphore, #tpu.memory_space<semaphore_mem>>) {add = true}
      %add3A_367 = arith.constant 8 : i32
      %add3A_368 = arith.addi %mul3A_238, %add3A_367 : i32
      %dma_wait3A_369 = arith.constant 0 : i32
      %dma_wait3A_370 = tpu.memref_slice %arg7[%add3A_368, %dma_wait3A_369] : memref<125x80xi32, #tpu.memory_space<vmem>> -> memref<1x80xi32, #tpu.memory_space<vmem>>
      %dma_wait3A_371 = tpu.memref_squeeze %dma_wait3A_370 : memref<1x80xi32, #tpu.memory_space<vmem>> -> memref<80xi32, #tpu.memory_space<vmem>>
      %dma_wait3A_372 = arith.constant 0 : i32
      %dma_wait3A_373 = arith.constant 0 : i32
      %dma_wait3A_374 = tpu.memref_slice %arg2[%dma_wait3A_372, %dma_wait3A_373] : memref<10000x64xf32, #tpu.memory_space<hbm>> -> memref<10000x64xf32, #tpu.memory_space<hbm>>
      tpu.wait_indirect_dma semaphore(%arg30 : memref<!tpu.dma_semaphore, #tpu.memory_space<semaphore_mem>>) src(%dma_wait3A_374 : memref<10000x64xf32, #tpu.memory_space<hbm>>) dst(%arg17 : memref<80x64xf32, #tpu.memory_space<vmem>>)
      %add3A_375 = arith.constant 8 : i32
      %add3A_376 = arith.addi %mul3A_238, %add3A_375 : i32
      %dma_start3A_377 = arith.constant 0 : i32
      %dma_start3A_378 = tpu.memref_slice %arg8[%add3A_376, %dma_start3A_377] : memref<125x80xi32, #tpu.memory_space<vmem>> -> memref<1x80xi32, #tpu.memory_space<vmem>>
      %dma_start3A_379 = tpu.memref_squeeze %dma_start3A_378 : memref<1x80xi32, #tpu.memory_space<vmem>> -> memref<80xi32, #tpu.memory_space<vmem>>
      %dma_start3A_380 = arith.constant 0 : i32
      %dma_start3A_381 = arith.constant 0 : i32
      %dma_start3A_382 = tpu.memref_slice %arg21[%dma_start3A_380, %dma_start3A_381] : memref<10240x64xf32, #tpu.memory_space<vmem_shared>> -> memref<10240x64xf32, #tpu.memory_space<vmem_shared>>
      tpu.enqueue_indirect_dma source(%arg17 : memref<80x64xf32, #tpu.memory_space<vmem>>) target(%dma_start3A_382 : memref<10240x64xf32, #tpu.memory_space<vmem_shared>>) offsets(%dma_start3A_379 : memref<80xi32, #tpu.memory_space<vmem>>) semaphore(%arg42 : memref<!tpu.dma_semaphore, #tpu.memory_space<semaphore_mem>>) {add = true}
      %add3A_383 = arith.constant 9 : i32
      %add3A_384 = arith.addi %mul3A_238, %add3A_383 : i32
      %dma_wait3A_385 = arith.constant 0 : i32
      %dma_wait3A_386 = tpu.memref_slice %arg7[%add3A_384, %dma_wait3A_385] : memref<125x80xi32, #tpu.memory_space<vmem>> -> memref<1x80xi32, #tpu.memory_space<vmem>>
      %dma_wait3A_387 = tpu.memref_squeeze %dma_wait3A_386 : memref<1x80xi32, #tpu.memory_space<vmem>> -> memref<80xi32, #tpu.memory_space<vmem>>
      %dma_wait3A_388 = arith.constant 0 : i32
      %dma_wait3A_389 = arith.constant 0 : i32
      %dma_wait3A_390 = tpu.memref_slice %arg2[%dma_wait3A_388, %dma_wait3A_389] : memref<10000x64xf32, #tpu.memory_space<hbm>> -> memref<10000x64xf32, #tpu.memory_space<hbm>>
      tpu.wait_indirect_dma semaphore(%arg31 : memref<!tpu.dma_semaphore, #tpu.memory_space<semaphore_mem>>) src(%dma_wait3A_390 : memref<10000x64xf32, #tpu.memory_space<hbm>>) dst(%arg18 : memref<80x64xf32, #tpu.memory_space<vmem>>)
      %add3A_391 = arith.constant 9 : i32
      %add3A_392 = arith.addi %mul3A_238, %add3A_391 : i32
      %dma_start3A_393 = arith.constant 0 : i32
      %dma_start3A_394 = tpu.memref_slice %arg8[%add3A_392, %dma_start3A_393] : memref<125x80xi32, #tpu.memory_space<vmem>> -> memref<1x80xi32, #tpu.memory_space<vmem>>
      %dma_start3A_395 = tpu.memref_squeeze %dma_start3A_394 : memref<1x80xi32, #tpu.memory_space<vmem>> -> memref<80xi32, #tpu.memory_space<vmem>>
      %dma_start3A_396 = arith.constant 0 : i32
      %dma_start3A_397 = arith.constant 0 : i32
      %dma_start3A_398 = tpu.memref_slice %arg21[%dma_start3A_396, %dma_start3A_397] : memref<10240x64xf32, #tpu.memory_space<vmem_shared>> -> memref<10240x64xf32, #tpu.memory_space<vmem_shared>>
      tpu.enqueue_indirect_dma source(%arg18 : memref<80x64xf32, #tpu.memory_space<vmem>>) target(%dma_start3A_398 : memref<10240x64xf32, #tpu.memory_space<vmem_shared>>) offsets(%dma_start3A_395 : memref<80xi32, #tpu.memory_space<vmem>>) semaphore(%arg43 : memref<!tpu.dma_semaphore, #tpu.memory_space<semaphore_mem>>) {add = true}
      %add3A_399 = arith.constant 10 : i32
      %add3A_400 = arith.addi %mul3A_238, %add3A_399 : i32
      %dma_wait3A_401 = arith.constant 0 : i32
      %dma_wait3A_402 = tpu.memref_slice %arg7[%add3A_400, %dma_wait3A_401] : memref<125x80xi32, #tpu.memory_space<vmem>> -> memref<1x80xi32, #tpu.memory_space<vmem>>
      %dma_wait3A_403 = tpu.memref_squeeze %dma_wait3A_402 : memref<1x80xi32, #tpu.memory_space<vmem>> -> memref<80xi32, #tpu.memory_space<vmem>>
      %dma_wait3A_404 = arith.constant 0 : i32
      %dma_wait3A_405 = arith.constant 0 : i32
      %dma_wait3A_406 = tpu.memref_slice %arg2[%dma_wait3A_404, %dma_wait3A_405] : memref<10000x64xf32, #tpu.memory_space<hbm>> -> memref<10000x64xf32, #tpu.memory_space<hbm>>
      tpu.wait_indirect_dma semaphore(%arg32 : memref<!tpu.dma_semaphore, #tpu.memory_space<semaphore_mem>>) src(%dma_wait3A_406 : memref<10000x64xf32, #tpu.memory_space<hbm>>) dst(%arg19 : memref<80x64xf32, #tpu.memory_space<vmem>>)
      %add3A_407 = arith.constant 10 : i32
      %add3A_408 = arith.addi %mul3A_238, %add3A_407 : i32
      %dma_start3A_409 = arith.constant 0 : i32
      %dma_start3A_410 = tpu.memref_slice %arg8[%add3A_408, %dma_start3A_409] : memref<125x80xi32, #tpu.memory_space<vmem>> -> memref<1x80xi32, #tpu.memory_space<vmem>>
      %dma_start3A_411 = tpu.memref_squeeze %dma_start3A_410 : memref<1x80xi32, #tpu.memory_space<vmem>> -> memref<80xi32, #tpu.memory_space<vmem>>
      %dma_start3A_412 = arith.constant 0 : i32
      %dma_start3A_413 = arith.constant 0 : i32
      %dma_start3A_414 = tpu.memref_slice %arg21[%dma_start3A_412, %dma_start3A_413] : memref<10240x64xf32, #tpu.memory_space<vmem_shared>> -> memref<10240x64xf32, #tpu.memory_space<vmem_shared>>
      tpu.enqueue_indirect_dma source(%arg19 : memref<80x64xf32, #tpu.memory_space<vmem>>) target(%dma_start3A_414 : memref<10240x64xf32, #tpu.memory_space<vmem_shared>>) offsets(%dma_start3A_411 : memref<80xi32, #tpu.memory_space<vmem>>) semaphore(%arg44 : memref<!tpu.dma_semaphore, #tpu.memory_space<semaphore_mem>>) {add = true}
      %add3A_415 = arith.constant 11 : i32
      %add3A_416 = arith.addi %mul3A_238, %add3A_415 : i32
      %dma_wait3A_417 = arith.constant 0 : i32
      %dma_wait3A_418 = tpu.memref_slice %arg7[%add3A_416, %dma_wait3A_417] : memref<125x80xi32, #tpu.memory_space<vmem>> -> memref<1x80xi32, #tpu.memory_space<vmem>>
      %dma_wait3A_419 = tpu.memref_squeeze %dma_wait3A_418 : memref<1x80xi32, #tpu.memory_space<vmem>> -> memref<80xi32, #tpu.memory_space<vmem>>
      %dma_wait3A_420 = arith.constant 0 : i32
      %dma_wait3A_421 = arith.constant 0 : i32
      %dma_wait3A_422 = tpu.memref_slice %arg2[%dma_wait3A_420, %dma_wait3A_421] : memref<10000x64xf32, #tpu.memory_space<hbm>> -> memref<10000x64xf32, #tpu.memory_space<hbm>>
      tpu.wait_indirect_dma semaphore(%arg33 : memref<!tpu.dma_semaphore, #tpu.memory_space<semaphore_mem>>) src(%dma_wait3A_422 : memref<10000x64xf32, #tpu.memory_space<hbm>>) dst(%arg20 : memref<80x64xf32, #tpu.memory_space<vmem>>)
      %add3A_423 = arith.constant 11 : i32
      %add3A_424 = arith.addi %mul3A_238, %add3A_423 : i32
      %dma_start3A_425 = arith.constant 0 : i32
      %dma_start3A_426 = tpu.memref_slice %arg8[%add3A_424, %dma_start3A_425] : memref<125x80xi32, #tpu.memory_space<vmem>> -> memref<1x80xi32, #tpu.memory_space<vmem>>
      %dma_start3A_427 = tpu.memref_squeeze %dma_start3A_426 : memref<1x80xi32, #tpu.memory_space<vmem>> -> memref<80xi32, #tpu.memory_space<vmem>>
      %dma_start3A_428 = arith.constant 0 : i32
      %dma_start3A_429 = arith.constant 0 : i32
      %dma_start3A_430 = tpu.memref_slice %arg21[%dma_start3A_428, %dma_start3A_429] : memref<10240x64xf32, #tpu.memory_space<vmem_shared>> -> memref<10240x64xf32, #tpu.memory_space<vmem_shared>>
      tpu.enqueue_indirect_dma source(%arg20 : memref<80x64xf32, #tpu.memory_space<vmem>>) target(%dma_start3A_430 : memref<10240x64xf32, #tpu.memory_space<vmem_shared>>) offsets(%dma_start3A_427 : memref<80xi32, #tpu.memory_space<vmem>>) semaphore(%arg45 : memref<!tpu.dma_semaphore, #tpu.memory_space<semaphore_mem>>) {add = true}
      %add3A_431 = arith.constant 0 : i32
      %add3A_432 = arith.addi %mul3A_238, %add3A_431 : i32
      %dma_wait3A_433 = arith.constant 0 : i32
      %dma_wait3A_434 = tpu.memref_slice %arg8[%add3A_432, %dma_wait3A_433] : memref<125x80xi32, #tpu.memory_space<vmem>> -> memref<1x80xi32, #tpu.memory_space<vmem>>
      %dma_wait3A_435 = tpu.memref_squeeze %dma_wait3A_434 : memref<1x80xi32, #tpu.memory_space<vmem>> -> memref<80xi32, #tpu.memory_space<vmem>>
      %dma_wait3A_436 = arith.constant 0 : i32
      %dma_wait3A_437 = arith.constant 0 : i32
      %dma_wait3A_438 = tpu.memref_slice %arg21[%dma_wait3A_436, %dma_wait3A_437] : memref<10240x64xf32, #tpu.memory_space<vmem_shared>> -> memref<10240x64xf32, #tpu.memory_space<vmem_shared>>
      tpu.wait_indirect_dma semaphore(%arg34 : memref<!tpu.dma_semaphore, #tpu.memory_space<semaphore_mem>>) src(%arg9 : memref<80x64xf32, #tpu.memory_space<vmem>>) dst(%dma_wait3A_438 : memref<10240x64xf32, #tpu.memory_space<vmem_shared>>)
      %add3A_439 = arith.constant 0 : i32
      %add3A_440 = arith.addi %mul3A_238, %add3A_439 : i32
      %add3A_441 = arith.constant 12 : i32
      %add3A_442 = arith.addi %add3A_440, %add3A_441 : i32
      %lt3A = arith.constant 125 : i32
      %lt3A_443 = arith.cmpi slt, %add3A_442, %lt3A : i32
      %convert_element_type3A = arith.extui %lt3A_443 : i1 to i32
      %cond3A = arith.constant 0 : i32
      %cond3A_444 = arith.cmpi ne, %convert_element_type3A, %cond3A : i32
      scf.if %cond3A_444 {
        %add3A_632 = arith.constant 0 : i32
        %add3A_633 = arith.addi %mul3A_238, %add3A_632 : i32
        %add3A_634 = arith.constant 12 : i32
        %add3A_635 = arith.addi %add3A_633, %add3A_634 : i32
        %dma_start3A_636 = arith.constant 0 : i32
        %dma_start3A_637 = tpu.memref_slice %arg7[%add3A_635, %dma_start3A_636] : memref<125x80xi32, #tpu.memory_space<vmem>> -> memref<1x80xi32, #tpu.memory_space<vmem>>
        %dma_start3A_638 = tpu.memref_squeeze %dma_start3A_637 : memref<1x80xi32, #tpu.memory_space<vmem>> -> memref<80xi32, #tpu.memory_space<vmem>>
        %dma_start3A_639 = arith.constant 0 : i32
        %dma_start3A_640 = arith.constant 0 : i32
        %dma_start3A_641 = tpu.memref_slice %arg2[%dma_start3A_639, %dma_start3A_640] : memref<10000x64xf32, #tpu.memory_space<hbm>> -> memref<10000x64xf32, #tpu.memory_space<hbm>>
        tpu.enqueue_indirect_dma source(%dma_start3A_641 : memref<10000x64xf32, #tpu.memory_space<hbm>>) target(%arg9 : memref<80x64xf32, #tpu.memory_space<vmem>>) offsets(%dma_start3A_638 : memref<80xi32, #tpu.memory_space<vmem>>) semaphore(%arg22 : memref<!tpu.dma_semaphore, #tpu.memory_space<semaphore_mem>>)
      } else {
      }
      %add3A_445 = arith.constant 1 : i32
      %add3A_446 = arith.addi %mul3A_238, %add3A_445 : i32
      %dma_wait3A_447 = arith.constant 0 : i32
      %dma_wait3A_448 = tpu.memref_slice %arg8[%add3A_446, %dma_wait3A_447] : memref<125x80xi32, #tpu.memory_space<vmem>> -> memref<1x80xi32, #tpu.memory_space<vmem>>
      %dma_wait3A_449 = tpu.memref_squeeze %dma_wait3A_448 : memref<1x80xi32, #tpu.memory_space<vmem>> -> memref<80xi32, #tpu.memory_space<vmem>>
      %dma_wait3A_450 = arith.constant 0 : i32
      %dma_wait3A_451 = arith.constant 0 : i32
      %dma_wait3A_452 = tpu.memref_slice %arg21[%dma_wait3A_450, %dma_wait3A_451] : memref<10240x64xf32, #tpu.memory_space<vmem_shared>> -> memref<10240x64xf32, #tpu.memory_space<vmem_shared>>
      tpu.wait_indirect_dma semaphore(%arg35 : memref<!tpu.dma_semaphore, #tpu.memory_space<semaphore_mem>>) src(%arg10 : memref<80x64xf32, #tpu.memory_space<vmem>>) dst(%dma_wait3A_452 : memref<10240x64xf32, #tpu.memory_space<vmem_shared>>)
      %add3A_453 = arith.constant 1 : i32
      %add3A_454 = arith.addi %mul3A_238, %add3A_453 : i32
      %add3A_455 = arith.constant 12 : i32
      %add3A_456 = arith.addi %add3A_454, %add3A_455 : i32
      %lt3A_457 = arith.constant 125 : i32
      %lt3A_458 = arith.cmpi slt, %add3A_456, %lt3A_457 : i32
      %convert_element_type3A_459 = arith.extui %lt3A_458 : i1 to i32
      %cond3A_460 = arith.constant 0 : i32
      %cond3A_461 = arith.cmpi ne, %convert_element_type3A_459, %cond3A_460 : i32
      scf.if %cond3A_461 {
        %add3A_632 = arith.constant 1 : i32
        %add3A_633 = arith.addi %mul3A_238, %add3A_632 : i32
        %add3A_634 = arith.constant 12 : i32
        %add3A_635 = arith.addi %add3A_633, %add3A_634 : i32
        %dma_start3A_636 = arith.constant 0 : i32
        %dma_start3A_637 = tpu.memref_slice %arg7[%add3A_635, %dma_start3A_636] : memref<125x80xi32, #tpu.memory_space<vmem>> -> memref<1x80xi32, #tpu.memory_space<vmem>>
        %dma_start3A_638 = tpu.memref_squeeze %dma_start3A_637 : memref<1x80xi32, #tpu.memory_space<vmem>> -> memref<80xi32, #tpu.memory_space<vmem>>
        %dma_start3A_639 = arith.constant 0 : i32
        %dma_start3A_640 = arith.constant 0 : i32
        %dma_start3A_641 = tpu.memref_slice %arg2[%dma_start3A_639, %dma_start3A_640] : memref<10000x64xf32, #tpu.memory_space<hbm>> -> memref<10000x64xf32, #tpu.memory_space<hbm>>
        tpu.enqueue_indirect_dma source(%dma_start3A_641 : memref<10000x64xf32, #tpu.memory_space<hbm>>) target(%arg10 : memref<80x64xf32, #tpu.memory_space<vmem>>) offsets(%dma_start3A_638 : memref<80xi32, #tpu.memory_space<vmem>>) semaphore(%arg23 : memref<!tpu.dma_semaphore, #tpu.memory_space<semaphore_mem>>)
      } else {
      }
      %add3A_462 = arith.constant 2 : i32
      %add3A_463 = arith.addi %mul3A_238, %add3A_462 : i32
      %dma_wait3A_464 = arith.constant 0 : i32
      %dma_wait3A_465 = tpu.memref_slice %arg8[%add3A_463, %dma_wait3A_464] : memref<125x80xi32, #tpu.memory_space<vmem>> -> memref<1x80xi32, #tpu.memory_space<vmem>>
      %dma_wait3A_466 = tpu.memref_squeeze %dma_wait3A_465 : memref<1x80xi32, #tpu.memory_space<vmem>> -> memref<80xi32, #tpu.memory_space<vmem>>
      %dma_wait3A_467 = arith.constant 0 : i32
      %dma_wait3A_468 = arith.constant 0 : i32
      %dma_wait3A_469 = tpu.memref_slice %arg21[%dma_wait3A_467, %dma_wait3A_468] : memref<10240x64xf32, #tpu.memory_space<vmem_shared>> -> memref<10240x64xf32, #tpu.memory_space<vmem_shared>>
      tpu.wait_indirect_dma semaphore(%arg36 : memref<!tpu.dma_semaphore, #tpu.memory_space<semaphore_mem>>) src(%arg11 : memref<80x64xf32, #tpu.memory_space<vmem>>) dst(%dma_wait3A_469 : memref<10240x64xf32, #tpu.memory_space<vmem_shared>>)
      %add3A_470 = arith.constant 2 : i32
      %add3A_471 = arith.addi %mul3A_238, %add3A_470 : i32
      %add3A_472 = arith.constant 12 : i32
      %add3A_473 = arith.addi %add3A_471, %add3A_472 : i32
      %lt3A_474 = arith.constant 125 : i32
      %lt3A_475 = arith.cmpi slt, %add3A_473, %lt3A_474 : i32
      %convert_element_type3A_476 = arith.extui %lt3A_475 : i1 to i32
      %cond3A_477 = arith.constant 0 : i32
      %cond3A_478 = arith.cmpi ne, %convert_element_type3A_476, %cond3A_477 : i32
      scf.if %cond3A_478 {
        %add3A_632 = arith.constant 2 : i32
        %add3A_633 = arith.addi %mul3A_238, %add3A_632 : i32
        %add3A_634 = arith.constant 12 : i32
        %add3A_635 = arith.addi %add3A_633, %add3A_634 : i32
        %dma_start3A_636 = arith.constant 0 : i32
        %dma_start3A_637 = tpu.memref_slice %arg7[%add3A_635, %dma_start3A_636] : memref<125x80xi32, #tpu.memory_space<vmem>> -> memref<1x80xi32, #tpu.memory_space<vmem>>
        %dma_start3A_638 = tpu.memref_squeeze %dma_start3A_637 : memref<1x80xi32, #tpu.memory_space<vmem>> -> memref<80xi32, #tpu.memory_space<vmem>>
        %dma_start3A_639 = arith.constant 0 : i32
        %dma_start3A_640 = arith.constant 0 : i32
        %dma_start3A_641 = tpu.memref_slice %arg2[%dma_start3A_639, %dma_start3A_640] : memref<10000x64xf32, #tpu.memory_space<hbm>> -> memref<10000x64xf32, #tpu.memory_space<hbm>>
        tpu.enqueue_indirect_dma source(%dma_start3A_641 : memref<10000x64xf32, #tpu.memory_space<hbm>>) target(%arg11 : memref<80x64xf32, #tpu.memory_space<vmem>>) offsets(%dma_start3A_638 : memref<80xi32, #tpu.memory_space<vmem>>) semaphore(%arg24 : memref<!tpu.dma_semaphore, #tpu.memory_space<semaphore_mem>>)
      } else {
      }
      %add3A_479 = arith.constant 3 : i32
      %add3A_480 = arith.addi %mul3A_238, %add3A_479 : i32
      %dma_wait3A_481 = arith.constant 0 : i32
      %dma_wait3A_482 = tpu.memref_slice %arg8[%add3A_480, %dma_wait3A_481] : memref<125x80xi32, #tpu.memory_space<vmem>> -> memref<1x80xi32, #tpu.memory_space<vmem>>
      %dma_wait3A_483 = tpu.memref_squeeze %dma_wait3A_482 : memref<1x80xi32, #tpu.memory_space<vmem>> -> memref<80xi32, #tpu.memory_space<vmem>>
      %dma_wait3A_484 = arith.constant 0 : i32
      %dma_wait3A_485 = arith.constant 0 : i32
      %dma_wait3A_486 = tpu.memref_slice %arg21[%dma_wait3A_484, %dma_wait3A_485] : memref<10240x64xf32, #tpu.memory_space<vmem_shared>> -> memref<10240x64xf32, #tpu.memory_space<vmem_shared>>
      tpu.wait_indirect_dma semaphore(%arg37 : memref<!tpu.dma_semaphore, #tpu.memory_space<semaphore_mem>>) src(%arg12 : memref<80x64xf32, #tpu.memory_space<vmem>>) dst(%dma_wait3A_486 : memref<10240x64xf32, #tpu.memory_space<vmem_shared>>)
      %add3A_487 = arith.constant 3 : i32
      %add3A_488 = arith.addi %mul3A_238, %add3A_487 : i32
      %add3A_489 = arith.constant 12 : i32
      %add3A_490 = arith.addi %add3A_488, %add3A_489 : i32
      %lt3A_491 = arith.constant 125 : i32
      %lt3A_492 = arith.cmpi slt, %add3A_490, %lt3A_491 : i32
      %convert_element_type3A_493 = arith.extui %lt3A_492 : i1 to i32
      %cond3A_494 = arith.constant 0 : i32
      %cond3A_495 = arith.cmpi ne, %convert_element_type3A_493, %cond3A_494 : i32
      scf.if %cond3A_495 {
        %add3A_632 = arith.constant 3 : i32
        %add3A_633 = arith.addi %mul3A_238, %add3A_632 : i32
        %add3A_634 = arith.constant 12 : i32
        %add3A_635 = arith.addi %add3A_633, %add3A_634 : i32
        %dma_start3A_636 = arith.constant 0 : i32
        %dma_start3A_637 = tpu.memref_slice %arg7[%add3A_635, %dma_start3A_636] : memref<125x80xi32, #tpu.memory_space<vmem>> -> memref<1x80xi32, #tpu.memory_space<vmem>>
        %dma_start3A_638 = tpu.memref_squeeze %dma_start3A_637 : memref<1x80xi32, #tpu.memory_space<vmem>> -> memref<80xi32, #tpu.memory_space<vmem>>
        %dma_start3A_639 = arith.constant 0 : i32
        %dma_start3A_640 = arith.constant 0 : i32
        %dma_start3A_641 = tpu.memref_slice %arg2[%dma_start3A_639, %dma_start3A_640] : memref<10000x64xf32, #tpu.memory_space<hbm>> -> memref<10000x64xf32, #tpu.memory_space<hbm>>
        tpu.enqueue_indirect_dma source(%dma_start3A_641 : memref<10000x64xf32, #tpu.memory_space<hbm>>) target(%arg12 : memref<80x64xf32, #tpu.memory_space<vmem>>) offsets(%dma_start3A_638 : memref<80xi32, #tpu.memory_space<vmem>>) semaphore(%arg25 : memref<!tpu.dma_semaphore, #tpu.memory_space<semaphore_mem>>)
      } else {
      }
      %add3A_496 = arith.constant 4 : i32
      %add3A_497 = arith.addi %mul3A_238, %add3A_496 : i32
      %dma_wait3A_498 = arith.constant 0 : i32
      %dma_wait3A_499 = tpu.memref_slice %arg8[%add3A_497, %dma_wait3A_498] : memref<125x80xi32, #tpu.memory_space<vmem>> -> memref<1x80xi32, #tpu.memory_space<vmem>>
      %dma_wait3A_500 = tpu.memref_squeeze %dma_wait3A_499 : memref<1x80xi32, #tpu.memory_space<vmem>> -> memref<80xi32, #tpu.memory_space<vmem>>
      %dma_wait3A_501 = arith.constant 0 : i32
      %dma_wait3A_502 = arith.constant 0 : i32
      %dma_wait3A_503 = tpu.memref_slice %arg21[%dma_wait3A_501, %dma_wait3A_502] : memref<10240x64xf32, #tpu.memory_space<vmem_shared>> -> memref<10240x64xf32, #tpu.memory_space<vmem_shared>>
      tpu.wait_indirect_dma semaphore(%arg38 : memref<!tpu.dma_semaphore, #tpu.memory_space<semaphore_mem>>) src(%arg13 : memref<80x64xf32, #tpu.memory_space<vmem>>) dst(%dma_wait3A_503 : memref<10240x64xf32, #tpu.memory_space<vmem_shared>>)
      %add3A_504 = arith.constant 4 : i32
      %add3A_505 = arith.addi %mul3A_238, %add3A_504 : i32
      %add3A_506 = arith.constant 12 : i32
      %add3A_507 = arith.addi %add3A_505, %add3A_506 : i32
      %lt3A_508 = arith.constant 125 : i32
      %lt3A_509 = arith.cmpi slt, %add3A_507, %lt3A_508 : i32
      %convert_element_type3A_510 = arith.extui %lt3A_509 : i1 to i32
      %cond3A_511 = arith.constant 0 : i32
      %cond3A_512 = arith.cmpi ne, %convert_element_type3A_510, %cond3A_511 : i32
      scf.if %cond3A_512 {
        %add3A_632 = arith.constant 4 : i32
        %add3A_633 = arith.addi %mul3A_238, %add3A_632 : i32
        %add3A_634 = arith.constant 12 : i32
        %add3A_635 = arith.addi %add3A_633, %add3A_634 : i32
        %dma_start3A_636 = arith.constant 0 : i32
        %dma_start3A_637 = tpu.memref_slice %arg7[%add3A_635, %dma_start3A_636] : memref<125x80xi32, #tpu.memory_space<vmem>> -> memref<1x80xi32, #tpu.memory_space<vmem>>
        %dma_start3A_638 = tpu.memref_squeeze %dma_start3A_637 : memref<1x80xi32, #tpu.memory_space<vmem>> -> memref<80xi32, #tpu.memory_space<vmem>>
        %dma_start3A_639 = arith.constant 0 : i32
        %dma_start3A_640 = arith.constant 0 : i32
        %dma_start3A_641 = tpu.memref_slice %arg2[%dma_start3A_639, %dma_start3A_640] : memref<10000x64xf32, #tpu.memory_space<hbm>> -> memref<10000x64xf32, #tpu.memory_space<hbm>>
        tpu.enqueue_indirect_dma source(%dma_start3A_641 : memref<10000x64xf32, #tpu.memory_space<hbm>>) target(%arg13 : memref<80x64xf32, #tpu.memory_space<vmem>>) offsets(%dma_start3A_638 : memref<80xi32, #tpu.memory_space<vmem>>) semaphore(%arg26 : memref<!tpu.dma_semaphore, #tpu.memory_space<semaphore_mem>>)
      } else {
      }
      %add3A_513 = arith.constant 5 : i32
      %add3A_514 = arith.addi %mul3A_238, %add3A_513 : i32
      %dma_wait3A_515 = arith.constant 0 : i32
      %dma_wait3A_516 = tpu.memref_slice %arg8[%add3A_514, %dma_wait3A_515] : memref<125x80xi32, #tpu.memory_space<vmem>> -> memref<1x80xi32, #tpu.memory_space<vmem>>
      %dma_wait3A_517 = tpu.memref_squeeze %dma_wait3A_516 : memref<1x80xi32, #tpu.memory_space<vmem>> -> memref<80xi32, #tpu.memory_space<vmem>>
      %dma_wait3A_518 = arith.constant 0 : i32
      %dma_wait3A_519 = arith.constant 0 : i32
      %dma_wait3A_520 = tpu.memref_slice %arg21[%dma_wait3A_518, %dma_wait3A_519] : memref<10240x64xf32, #tpu.memory_space<vmem_shared>> -> memref<10240x64xf32, #tpu.memory_space<vmem_shared>>
      tpu.wait_indirect_dma semaphore(%arg39 : memref<!tpu.dma_semaphore, #tpu.memory_space<semaphore_mem>>) src(%arg14 : memref<80x64xf32, #tpu.memory_space<vmem>>) dst(%dma_wait3A_520 : memref<10240x64xf32, #tpu.memory_space<vmem_shared>>)
      %add3A_521 = arith.constant 5 : i32
      %add3A_522 = arith.addi %mul3A_238, %add3A_521 : i32
      %add3A_523 = arith.constant 12 : i32
      %add3A_524 = arith.addi %add3A_522, %add3A_523 : i32
      %lt3A_525 = arith.constant 125 : i32
      %lt3A_526 = arith.cmpi slt, %add3A_524, %lt3A_525 : i32
      %convert_element_type3A_527 = arith.extui %lt3A_526 : i1 to i32
      %cond3A_528 = arith.constant 0 : i32
      %cond3A_529 = arith.cmpi ne, %convert_element_type3A_527, %cond3A_528 : i32
      scf.if %cond3A_529 {
        %add3A_632 = arith.constant 5 : i32
        %add3A_633 = arith.addi %mul3A_238, %add3A_632 : i32
        %add3A_634 = arith.constant 12 : i32
        %add3A_635 = arith.addi %add3A_633, %add3A_634 : i32
        %dma_start3A_636 = arith.constant 0 : i32
        %dma_start3A_637 = tpu.memref_slice %arg7[%add3A_635, %dma_start3A_636] : memref<125x80xi32, #tpu.memory_space<vmem>> -> memref<1x80xi32, #tpu.memory_space<vmem>>
        %dma_start3A_638 = tpu.memref_squeeze %dma_start3A_637 : memref<1x80xi32, #tpu.memory_space<vmem>> -> memref<80xi32, #tpu.memory_space<vmem>>
        %dma_start3A_639 = arith.constant 0 : i32
        %dma_start3A_640 = arith.constant 0 : i32
        %dma_start3A_641 = tpu.memref_slice %arg2[%dma_start3A_639, %dma_start3A_640] : memref<10000x64xf32, #tpu.memory_space<hbm>> -> memref<10000x64xf32, #tpu.memory_space<hbm>>
        tpu.enqueue_indirect_dma source(%dma_start3A_641 : memref<10000x64xf32, #tpu.memory_space<hbm>>) target(%arg14 : memref<80x64xf32, #tpu.memory_space<vmem>>) offsets(%dma_start3A_638 : memref<80xi32, #tpu.memory_space<vmem>>) semaphore(%arg27 : memref<!tpu.dma_semaphore, #tpu.memory_space<semaphore_mem>>)
      } else {
      }
      %add3A_530 = arith.constant 6 : i32
      %add3A_531 = arith.addi %mul3A_238, %add3A_530 : i32
      %dma_wait3A_532 = arith.constant 0 : i32
      %dma_wait3A_533 = tpu.memref_slice %arg8[%add3A_531, %dma_wait3A_532] : memref<125x80xi32, #tpu.memory_space<vmem>> -> memref<1x80xi32, #tpu.memory_space<vmem>>
      %dma_wait3A_534 = tpu.memref_squeeze %dma_wait3A_533 : memref<1x80xi32, #tpu.memory_space<vmem>> -> memref<80xi32, #tpu.memory_space<vmem>>
      %dma_wait3A_535 = arith.constant 0 : i32
      %dma_wait3A_536 = arith.constant 0 : i32
      %dma_wait3A_537 = tpu.memref_slice %arg21[%dma_wait3A_535, %dma_wait3A_536] : memref<10240x64xf32, #tpu.memory_space<vmem_shared>> -> memref<10240x64xf32, #tpu.memory_space<vmem_shared>>
      tpu.wait_indirect_dma semaphore(%arg40 : memref<!tpu.dma_semaphore, #tpu.memory_space<semaphore_mem>>) src(%arg15 : memref<80x64xf32, #tpu.memory_space<vmem>>) dst(%dma_wait3A_537 : memref<10240x64xf32, #tpu.memory_space<vmem_shared>>)
      %add3A_538 = arith.constant 6 : i32
      %add3A_539 = arith.addi %mul3A_238, %add3A_538 : i32
      %add3A_540 = arith.constant 12 : i32
      %add3A_541 = arith.addi %add3A_539, %add3A_540 : i32
      %lt3A_542 = arith.constant 125 : i32
      %lt3A_543 = arith.cmpi slt, %add3A_541, %lt3A_542 : i32
      %convert_element_type3A_544 = arith.extui %lt3A_543 : i1 to i32
      %cond3A_545 = arith.constant 0 : i32
      %cond3A_546 = arith.cmpi ne, %convert_element_type3A_544, %cond3A_545 : i32
      scf.if %cond3A_546 {
        %add3A_632 = arith.constant 6 : i32
        %add3A_633 = arith.addi %mul3A_238, %add3A_632 : i32
        %add3A_634 = arith.constant 12 : i32
        %add3A_635 = arith.addi %add3A_633, %add3A_634 : i32
        %dma_start3A_636 = arith.constant 0 : i32
        %dma_start3A_637 = tpu.memref_slice %arg7[%add3A_635, %dma_start3A_636] : memref<125x80xi32, #tpu.memory_space<vmem>> -> memref<1x80xi32, #tpu.memory_space<vmem>>
        %dma_start3A_638 = tpu.memref_squeeze %dma_start3A_637 : memref<1x80xi32, #tpu.memory_space<vmem>> -> memref<80xi32, #tpu.memory_space<vmem>>
        %dma_start3A_639 = arith.constant 0 : i32
        %dma_start3A_640 = arith.constant 0 : i32
        %dma_start3A_641 = tpu.memref_slice %arg2[%dma_start3A_639, %dma_start3A_640] : memref<10000x64xf32, #tpu.memory_space<hbm>> -> memref<10000x64xf32, #tpu.memory_space<hbm>>
        tpu.enqueue_indirect_dma source(%dma_start3A_641 : memref<10000x64xf32, #tpu.memory_space<hbm>>) target(%arg15 : memref<80x64xf32, #tpu.memory_space<vmem>>) offsets(%dma_start3A_638 : memref<80xi32, #tpu.memory_space<vmem>>) semaphore(%arg28 : memref<!tpu.dma_semaphore, #tpu.memory_space<semaphore_mem>>)
      } else {
      }
      %add3A_547 = arith.constant 7 : i32
      %add3A_548 = arith.addi %mul3A_238, %add3A_547 : i32
      %dma_wait3A_549 = arith.constant 0 : i32
      %dma_wait3A_550 = tpu.memref_slice %arg8[%add3A_548, %dma_wait3A_549] : memref<125x80xi32, #tpu.memory_space<vmem>> -> memref<1x80xi32, #tpu.memory_space<vmem>>
      %dma_wait3A_551 = tpu.memref_squeeze %dma_wait3A_550 : memref<1x80xi32, #tpu.memory_space<vmem>> -> memref<80xi32, #tpu.memory_space<vmem>>
      %dma_wait3A_552 = arith.constant 0 : i32
      %dma_wait3A_553 = arith.constant 0 : i32
      %dma_wait3A_554 = tpu.memref_slice %arg21[%dma_wait3A_552, %dma_wait3A_553] : memref<10240x64xf32, #tpu.memory_space<vmem_shared>> -> memref<10240x64xf32, #tpu.memory_space<vmem_shared>>
      tpu.wait_indirect_dma semaphore(%arg41 : memref<!tpu.dma_semaphore, #tpu.memory_space<semaphore_mem>>) src(%arg16 : memref<80x64xf32, #tpu.memory_space<vmem>>) dst(%dma_wait3A_554 : memref<10240x64xf32, #tpu.memory_space<vmem_shared>>)
      %add3A_555 = arith.constant 7 : i32
      %add3A_556 = arith.addi %mul3A_238, %add3A_555 : i32
      %add3A_557 = arith.constant 12 : i32
      %add3A_558 = arith.addi %add3A_556, %add3A_557 : i32
      %lt3A_559 = arith.constant 125 : i32
      %lt3A_560 = arith.cmpi slt, %add3A_558, %lt3A_559 : i32
      %convert_element_type3A_561 = arith.extui %lt3A_560 : i1 to i32
      %cond3A_562 = arith.constant 0 : i32
      %cond3A_563 = arith.cmpi ne, %convert_element_type3A_561, %cond3A_562 : i32
      scf.if %cond3A_563 {
        %add3A_632 = arith.constant 7 : i32
        %add3A_633 = arith.addi %mul3A_238, %add3A_632 : i32
        %add3A_634 = arith.constant 12 : i32
        %add3A_635 = arith.addi %add3A_633, %add3A_634 : i32
        %dma_start3A_636 = arith.constant 0 : i32
        %dma_start3A_637 = tpu.memref_slice %arg7[%add3A_635, %dma_start3A_636] : memref<125x80xi32, #tpu.memory_space<vmem>> -> memref<1x80xi32, #tpu.memory_space<vmem>>
        %dma_start3A_638 = tpu.memref_squeeze %dma_start3A_637 : memref<1x80xi32, #tpu.memory_space<vmem>> -> memref<80xi32, #tpu.memory_space<vmem>>
        %dma_start3A_639 = arith.constant 0 : i32
        %dma_start3A_640 = arith.constant 0 : i32
        %dma_start3A_641 = tpu.memref_slice %arg2[%dma_start3A_639, %dma_start3A_640] : memref<10000x64xf32, #tpu.memory_space<hbm>> -> memref<10000x64xf32, #tpu.memory_space<hbm>>
        tpu.enqueue_indirect_dma source(%dma_start3A_641 : memref<10000x64xf32, #tpu.memory_space<hbm>>) target(%arg16 : memref<80x64xf32, #tpu.memory_space<vmem>>) offsets(%dma_start3A_638 : memref<80xi32, #tpu.memory_space<vmem>>) semaphore(%arg29 : memref<!tpu.dma_semaphore, #tpu.memory_space<semaphore_mem>>)
      } else {
      }
      %add3A_564 = arith.constant 8 : i32
      %add3A_565 = arith.addi %mul3A_238, %add3A_564 : i32
      %dma_wait3A_566 = arith.constant 0 : i32
      %dma_wait3A_567 = tpu.memref_slice %arg8[%add3A_565, %dma_wait3A_566] : memref<125x80xi32, #tpu.memory_space<vmem>> -> memref<1x80xi32, #tpu.memory_space<vmem>>
      %dma_wait3A_568 = tpu.memref_squeeze %dma_wait3A_567 : memref<1x80xi32, #tpu.memory_space<vmem>> -> memref<80xi32, #tpu.memory_space<vmem>>
      %dma_wait3A_569 = arith.constant 0 : i32
      %dma_wait3A_570 = arith.constant 0 : i32
      %dma_wait3A_571 = tpu.memref_slice %arg21[%dma_wait3A_569, %dma_wait3A_570] : memref<10240x64xf32, #tpu.memory_space<vmem_shared>> -> memref<10240x64xf32, #tpu.memory_space<vmem_shared>>
      tpu.wait_indirect_dma semaphore(%arg42 : memref<!tpu.dma_semaphore, #tpu.memory_space<semaphore_mem>>) src(%arg17 : memref<80x64xf32, #tpu.memory_space<vmem>>) dst(%dma_wait3A_571 : memref<10240x64xf32, #tpu.memory_space<vmem_shared>>)
      %add3A_572 = arith.constant 8 : i32
      %add3A_573 = arith.addi %mul3A_238, %add3A_572 : i32
      %add3A_574 = arith.constant 12 : i32
      %add3A_575 = arith.addi %add3A_573, %add3A_574 : i32
      %lt3A_576 = arith.constant 125 : i32
      %lt3A_577 = arith.cmpi slt, %add3A_575, %lt3A_576 : i32
      %convert_element_type3A_578 = arith.extui %lt3A_577 : i1 to i32
      %cond3A_579 = arith.constant 0 : i32
      %cond3A_580 = arith.cmpi ne, %convert_element_type3A_578, %cond3A_579 : i32
      scf.if %cond3A_580 {
        %add3A_632 = arith.constant 8 : i32
        %add3A_633 = arith.addi %mul3A_238, %add3A_632 : i32
        %add3A_634 = arith.constant 12 : i32
        %add3A_635 = arith.addi %add3A_633, %add3A_634 : i32
        %dma_start3A_636 = arith.constant 0 : i32
        %dma_start3A_637 = tpu.memref_slice %arg7[%add3A_635, %dma_start3A_636] : memref<125x80xi32, #tpu.memory_space<vmem>> -> memref<1x80xi32, #tpu.memory_space<vmem>>
        %dma_start3A_638 = tpu.memref_squeeze %dma_start3A_637 : memref<1x80xi32, #tpu.memory_space<vmem>> -> memref<80xi32, #tpu.memory_space<vmem>>
        %dma_start3A_639 = arith.constant 0 : i32
        %dma_start3A_640 = arith.constant 0 : i32
        %dma_start3A_641 = tpu.memref_slice %arg2[%dma_start3A_639, %dma_start3A_640] : memref<10000x64xf32, #tpu.memory_space<hbm>> -> memref<10000x64xf32, #tpu.memory_space<hbm>>
        tpu.enqueue_indirect_dma source(%dma_start3A_641 : memref<10000x64xf32, #tpu.memory_space<hbm>>) target(%arg17 : memref<80x64xf32, #tpu.memory_space<vmem>>) offsets(%dma_start3A_638 : memref<80xi32, #tpu.memory_space<vmem>>) semaphore(%arg30 : memref<!tpu.dma_semaphore, #tpu.memory_space<semaphore_mem>>)
      } else {
      }
      %add3A_581 = arith.constant 9 : i32
      %add3A_582 = arith.addi %mul3A_238, %add3A_581 : i32
      %dma_wait3A_583 = arith.constant 0 : i32
      %dma_wait3A_584 = tpu.memref_slice %arg8[%add3A_582, %dma_wait3A_583] : memref<125x80xi32, #tpu.memory_space<vmem>> -> memref<1x80xi32, #tpu.memory_space<vmem>>
      %dma_wait3A_585 = tpu.memref_squeeze %dma_wait3A_584 : memref<1x80xi32, #tpu.memory_space<vmem>> -> memref<80xi32, #tpu.memory_space<vmem>>
      %dma_wait3A_586 = arith.constant 0 : i32
      %dma_wait3A_587 = arith.constant 0 : i32
      %dma_wait3A_588 = tpu.memref_slice %arg21[%dma_wait3A_586, %dma_wait3A_587] : memref<10240x64xf32, #tpu.memory_space<vmem_shared>> -> memref<10240x64xf32, #tpu.memory_space<vmem_shared>>
      tpu.wait_indirect_dma semaphore(%arg43 : memref<!tpu.dma_semaphore, #tpu.memory_space<semaphore_mem>>) src(%arg18 : memref<80x64xf32, #tpu.memory_space<vmem>>) dst(%dma_wait3A_588 : memref<10240x64xf32, #tpu.memory_space<vmem_shared>>)
      %add3A_589 = arith.constant 9 : i32
      %add3A_590 = arith.addi %mul3A_238, %add3A_589 : i32
      %add3A_591 = arith.constant 12 : i32
      %add3A_592 = arith.addi %add3A_590, %add3A_591 : i32
      %lt3A_593 = arith.constant 125 : i32
      %lt3A_594 = arith.cmpi slt, %add3A_592, %lt3A_593 : i32
      %convert_element_type3A_595 = arith.extui %lt3A_594 : i1 to i32
      %cond3A_596 = arith.constant 0 : i32
      %cond3A_597 = arith.cmpi ne, %convert_element_type3A_595, %cond3A_596 : i32
      scf.if %cond3A_597 {
        %add3A_632 = arith.constant 9 : i32
        %add3A_633 = arith.addi %mul3A_238, %add3A_632 : i32
        %add3A_634 = arith.constant 12 : i32
        %add3A_635 = arith.addi %add3A_633, %add3A_634 : i32
        %dma_start3A_636 = arith.constant 0 : i32
        %dma_start3A_637 = tpu.memref_slice %arg7[%add3A_635, %dma_start3A_636] : memref<125x80xi32, #tpu.memory_space<vmem>> -> memref<1x80xi32, #tpu.memory_space<vmem>>
        %dma_start3A_638 = tpu.memref_squeeze %dma_start3A_637 : memref<1x80xi32, #tpu.memory_space<vmem>> -> memref<80xi32, #tpu.memory_space<vmem>>
        %dma_start3A_639 = arith.constant 0 : i32
        %dma_start3A_640 = arith.constant 0 : i32
        %dma_start3A_641 = tpu.memref_slice %arg2[%dma_start3A_639, %dma_start3A_640] : memref<10000x64xf32, #tpu.memory_space<hbm>> -> memref<10000x64xf32, #tpu.memory_space<hbm>>
        tpu.enqueue_indirect_dma source(%dma_start3A_641 : memref<10000x64xf32, #tpu.memory_space<hbm>>) target(%arg18 : memref<80x64xf32, #tpu.memory_space<vmem>>) offsets(%dma_start3A_638 : memref<80xi32, #tpu.memory_space<vmem>>) semaphore(%arg31 : memref<!tpu.dma_semaphore, #tpu.memory_space<semaphore_mem>>)
      } else {
      }
      %add3A_598 = arith.constant 10 : i32
      %add3A_599 = arith.addi %mul3A_238, %add3A_598 : i32
      %dma_wait3A_600 = arith.constant 0 : i32
      %dma_wait3A_601 = tpu.memref_slice %arg8[%add3A_599, %dma_wait3A_600] : memref<125x80xi32, #tpu.memory_space<vmem>> -> memref<1x80xi32, #tpu.memory_space<vmem>>
      %dma_wait3A_602 = tpu.memref_squeeze %dma_wait3A_601 : memref<1x80xi32, #tpu.memory_space<vmem>> -> memref<80xi32, #tpu.memory_space<vmem>>
      %dma_wait3A_603 = arith.constant 0 : i32
      %dma_wait3A_604 = arith.constant 0 : i32
      %dma_wait3A_605 = tpu.memref_slice %arg21[%dma_wait3A_603, %dma_wait3A_604] : memref<10240x64xf32, #tpu.memory_space<vmem_shared>> -> memref<10240x64xf32, #tpu.memory_space<vmem_shared>>
      tpu.wait_indirect_dma semaphore(%arg44 : memref<!tpu.dma_semaphore, #tpu.memory_space<semaphore_mem>>) src(%arg19 : memref<80x64xf32, #tpu.memory_space<vmem>>) dst(%dma_wait3A_605 : memref<10240x64xf32, #tpu.memory_space<vmem_shared>>)
      %add3A_606 = arith.constant 10 : i32
      %add3A_607 = arith.addi %mul3A_238, %add3A_606 : i32
      %add3A_608 = arith.constant 12 : i32
      %add3A_609 = arith.addi %add3A_607, %add3A_608 : i32
      %lt3A_610 = arith.constant 125 : i32
      %lt3A_611 = arith.cmpi slt, %add3A_609, %lt3A_610 : i32
      %convert_element_type3A_612 = arith.extui %lt3A_611 : i1 to i32
      %cond3A_613 = arith.constant 0 : i32
      %cond3A_614 = arith.cmpi ne, %convert_element_type3A_612, %cond3A_613 : i32
      scf.if %cond3A_614 {
        %add3A_632 = arith.constant 10 : i32
        %add3A_633 = arith.addi %mul3A_238, %add3A_632 : i32
        %add3A_634 = arith.constant 12 : i32
        %add3A_635 = arith.addi %add3A_633, %add3A_634 : i32
        %dma_start3A_636 = arith.constant 0 : i32
        %dma_start3A_637 = tpu.memref_slice %arg7[%add3A_635, %dma_start3A_636] : memref<125x80xi32, #tpu.memory_space<vmem>> -> memref<1x80xi32, #tpu.memory_space<vmem>>
        %dma_start3A_638 = tpu.memref_squeeze %dma_start3A_637 : memref<1x80xi32, #tpu.memory_space<vmem>> -> memref<80xi32, #tpu.memory_space<vmem>>
        %dma_start3A_639 = arith.constant 0 : i32
        %dma_start3A_640 = arith.constant 0 : i32
        %dma_start3A_641 = tpu.memref_slice %arg2[%dma_start3A_639, %dma_start3A_640] : memref<10000x64xf32, #tpu.memory_space<hbm>> -> memref<10000x64xf32, #tpu.memory_space<hbm>>
        tpu.enqueue_indirect_dma source(%dma_start3A_641 : memref<10000x64xf32, #tpu.memory_space<hbm>>) target(%arg19 : memref<80x64xf32, #tpu.memory_space<vmem>>) offsets(%dma_start3A_638 : memref<80xi32, #tpu.memory_space<vmem>>) semaphore(%arg32 : memref<!tpu.dma_semaphore, #tpu.memory_space<semaphore_mem>>)
      } else {
      }
      %add3A_615 = arith.constant 11 : i32
      %add3A_616 = arith.addi %mul3A_238, %add3A_615 : i32
      %dma_wait3A_617 = arith.constant 0 : i32
      %dma_wait3A_618 = tpu.memref_slice %arg8[%add3A_616, %dma_wait3A_617] : memref<125x80xi32, #tpu.memory_space<vmem>> -> memref<1x80xi32, #tpu.memory_space<vmem>>
      %dma_wait3A_619 = tpu.memref_squeeze %dma_wait3A_618 : memref<1x80xi32, #tpu.memory_space<vmem>> -> memref<80xi32, #tpu.memory_space<vmem>>
      %dma_wait3A_620 = arith.constant 0 : i32
      %dma_wait3A_621 = arith.constant 0 : i32
      %dma_wait3A_622 = tpu.memref_slice %arg21[%dma_wait3A_620, %dma_wait3A_621] : memref<10240x64xf32, #tpu.memory_space<vmem_shared>> -> memref<10240x64xf32, #tpu.memory_space<vmem_shared>>
      tpu.wait_indirect_dma semaphore(%arg45 : memref<!tpu.dma_semaphore, #tpu.memory_space<semaphore_mem>>) src(%arg20 : memref<80x64xf32, #tpu.memory_space<vmem>>) dst(%dma_wait3A_622 : memref<10240x64xf32, #tpu.memory_space<vmem_shared>>)
      %add3A_623 = arith.constant 11 : i32
      %add3A_624 = arith.addi %mul3A_238, %add3A_623 : i32
      %add3A_625 = arith.constant 12 : i32
      %add3A_626 = arith.addi %add3A_624, %add3A_625 : i32
      %lt3A_627 = arith.constant 125 : i32
      %lt3A_628 = arith.cmpi slt, %add3A_626, %lt3A_627 : i32
      %convert_element_type3A_629 = arith.extui %lt3A_628 : i1 to i32
      %cond3A_630 = arith.constant 0 : i32
      %cond3A_631 = arith.cmpi ne, %convert_element_type3A_629, %cond3A_630 : i32
      scf.if %cond3A_631 {
        %add3A_632 = arith.constant 11 : i32
        %add3A_633 = arith.addi %mul3A_238, %add3A_632 : i32
        %add3A_634 = arith.constant 12 : i32
        %add3A_635 = arith.addi %add3A_633, %add3A_634 : i32
        %dma_start3A_636 = arith.constant 0 : i32
        %dma_start3A_637 = tpu.memref_slice %arg7[%add3A_635, %dma_start3A_636] : memref<125x80xi32, #tpu.memory_space<vmem>> -> memref<1x80xi32, #tpu.memory_space<vmem>>
        %dma_start3A_638 = tpu.memref_squeeze %dma_start3A_637 : memref<1x80xi32, #tpu.memory_space<vmem>> -> memref<80xi32, #tpu.memory_space<vmem>>
        %dma_start3A_639 = arith.constant 0 : i32
        %dma_start3A_640 = arith.constant 0 : i32
        %dma_start3A_641 = tpu.memref_slice %arg2[%dma_start3A_639, %dma_start3A_640] : memref<10000x64xf32, #tpu.memory_space<hbm>> -> memref<10000x64xf32, #tpu.memory_space<hbm>>
        tpu.enqueue_indirect_dma source(%dma_start3A_641 : memref<10000x64xf32, #tpu.memory_space<hbm>>) target(%arg20 : memref<80x64xf32, #tpu.memory_space<vmem>>) offsets(%dma_start3A_638 : memref<80xi32, #tpu.memory_space<vmem>>) semaphore(%arg33 : memref<!tpu.dma_semaphore, #tpu.memory_space<semaphore_mem>>)
      } else {
      }
    }
    %scan3A_125 = arith.constant 10 : i32
    %dma_wait3A_126 = arith.constant 120 : i32
    %dma_wait3A_127 = arith.constant 0 : i32
    %dma_wait3A_128 = tpu.memref_slice %arg7[%dma_wait3A_126, %dma_wait3A_127] : memref<125x80xi32, #tpu.memory_space<vmem>> -> memref<1x80xi32, #tpu.memory_space<vmem>>
    %dma_wait3A_129 = tpu.memref_squeeze %dma_wait3A_128 : memref<1x80xi32, #tpu.memory_space<vmem>> -> memref<80xi32, #tpu.memory_space<vmem>>
    %dma_wait3A_130 = arith.constant 0 : i32
    %dma_wait3A_131 = arith.constant 0 : i32
    %dma_wait3A_132 = tpu.memref_slice %arg2[%dma_wait3A_130, %dma_wait3A_131] : memref<10000x64xf32, #tpu.memory_space<hbm>> -> memref<10000x64xf32, #tpu.memory_space<hbm>>
    tpu.wait_indirect_dma semaphore(%arg22 : memref<!tpu.dma_semaphore, #tpu.memory_space<semaphore_mem>>) src(%dma_wait3A_132 : memref<10000x64xf32, #tpu.memory_space<hbm>>) dst(%arg9 : memref<80x64xf32, #tpu.memory_space<vmem>>)
    %dma_start3A_133 = arith.constant 120 : i32
    %dma_start3A_134 = arith.constant 0 : i32
    %dma_start3A_135 = tpu.memref_slice %arg8[%dma_start3A_133, %dma_start3A_134] : memref<125x80xi32, #tpu.memory_space<vmem>> -> memref<1x80xi32, #tpu.memory_space<vmem>>
    %dma_start3A_136 = tpu.memref_squeeze %dma_start3A_135 : memref<1x80xi32, #tpu.memory_space<vmem>> -> memref<80xi32, #tpu.memory_space<vmem>>
    %dma_start3A_137 = arith.constant 0 : i32
    %dma_start3A_138 = arith.constant 0 : i32
    %dma_start3A_139 = tpu.memref_slice %arg21[%dma_start3A_137, %dma_start3A_138] : memref<10240x64xf32, #tpu.memory_space<vmem_shared>> -> memref<10240x64xf32, #tpu.memory_space<vmem_shared>>
    tpu.enqueue_indirect_dma source(%arg9 : memref<80x64xf32, #tpu.memory_space<vmem>>) target(%dma_start3A_139 : memref<10240x64xf32, #tpu.memory_space<vmem_shared>>) offsets(%dma_start3A_136 : memref<80xi32, #tpu.memory_space<vmem>>) semaphore(%arg34 : memref<!tpu.dma_semaphore, #tpu.memory_space<semaphore_mem>>) {add = true}
    %dma_wait3A_140 = arith.constant 121 : i32
    %dma_wait3A_141 = arith.constant 0 : i32
    %dma_wait3A_142 = tpu.memref_slice %arg7[%dma_wait3A_140, %dma_wait3A_141] : memref<125x80xi32, #tpu.memory_space<vmem>> -> memref<1x80xi32, #tpu.memory_space<vmem>>
    %dma_wait3A_143 = tpu.memref_squeeze %dma_wait3A_142 : memref<1x80xi32, #tpu.memory_space<vmem>> -> memref<80xi32, #tpu.memory_space<vmem>>
    %dma_wait3A_144 = arith.constant 0 : i32
    %dma_wait3A_145 = arith.constant 0 : i32
    %dma_wait3A_146 = tpu.memref_slice %arg2[%dma_wait3A_144, %dma_wait3A_145] : memref<10000x64xf32, #tpu.memory_space<hbm>> -> memref<10000x64xf32, #tpu.memory_space<hbm>>
    tpu.wait_indirect_dma semaphore(%arg23 : memref<!tpu.dma_semaphore, #tpu.memory_space<semaphore_mem>>) src(%dma_wait3A_146 : memref<10000x64xf32, #tpu.memory_space<hbm>>) dst(%arg10 : memref<80x64xf32, #tpu.memory_space<vmem>>)
    %dma_start3A_147 = arith.constant 121 : i32
    %dma_start3A_148 = arith.constant 0 : i32
    %dma_start3A_149 = tpu.memref_slice %arg8[%dma_start3A_147, %dma_start3A_148] : memref<125x80xi32, #tpu.memory_space<vmem>> -> memref<1x80xi32, #tpu.memory_space<vmem>>
    %dma_start3A_150 = tpu.memref_squeeze %dma_start3A_149 : memref<1x80xi32, #tpu.memory_space<vmem>> -> memref<80xi32, #tpu.memory_space<vmem>>
    %dma_start3A_151 = arith.constant 0 : i32
    %dma_start3A_152 = arith.constant 0 : i32
    %dma_start3A_153 = tpu.memref_slice %arg21[%dma_start3A_151, %dma_start3A_152] : memref<10240x64xf32, #tpu.memory_space<vmem_shared>> -> memref<10240x64xf32, #tpu.memory_space<vmem_shared>>
    tpu.enqueue_indirect_dma source(%arg10 : memref<80x64xf32, #tpu.memory_space<vmem>>) target(%dma_start3A_153 : memref<10240x64xf32, #tpu.memory_space<vmem_shared>>) offsets(%dma_start3A_150 : memref<80xi32, #tpu.memory_space<vmem>>) semaphore(%arg35 : memref<!tpu.dma_semaphore, #tpu.memory_space<semaphore_mem>>) {add = true}
    %dma_wait3A_154 = arith.constant 122 : i32
    %dma_wait3A_155 = arith.constant 0 : i32
    %dma_wait3A_156 = tpu.memref_slice %arg7[%dma_wait3A_154, %dma_wait3A_155] : memref<125x80xi32, #tpu.memory_space<vmem>> -> memref<1x80xi32, #tpu.memory_space<vmem>>
    %dma_wait3A_157 = tpu.memref_squeeze %dma_wait3A_156 : memref<1x80xi32, #tpu.memory_space<vmem>> -> memref<80xi32, #tpu.memory_space<vmem>>
    %dma_wait3A_158 = arith.constant 0 : i32
    %dma_wait3A_159 = arith.constant 0 : i32
    %dma_wait3A_160 = tpu.memref_slice %arg2[%dma_wait3A_158, %dma_wait3A_159] : memref<10000x64xf32, #tpu.memory_space<hbm>> -> memref<10000x64xf32, #tpu.memory_space<hbm>>
    tpu.wait_indirect_dma semaphore(%arg24 : memref<!tpu.dma_semaphore, #tpu.memory_space<semaphore_mem>>) src(%dma_wait3A_160 : memref<10000x64xf32, #tpu.memory_space<hbm>>) dst(%arg11 : memref<80x64xf32, #tpu.memory_space<vmem>>)
    %dma_start3A_161 = arith.constant 122 : i32
    %dma_start3A_162 = arith.constant 0 : i32
    %dma_start3A_163 = tpu.memref_slice %arg8[%dma_start3A_161, %dma_start3A_162] : memref<125x80xi32, #tpu.memory_space<vmem>> -> memref<1x80xi32, #tpu.memory_space<vmem>>
    %dma_start3A_164 = tpu.memref_squeeze %dma_start3A_163 : memref<1x80xi32, #tpu.memory_space<vmem>> -> memref<80xi32, #tpu.memory_space<vmem>>
    %dma_start3A_165 = arith.constant 0 : i32
    %dma_start3A_166 = arith.constant 0 : i32
    %dma_start3A_167 = tpu.memref_slice %arg21[%dma_start3A_165, %dma_start3A_166] : memref<10240x64xf32, #tpu.memory_space<vmem_shared>> -> memref<10240x64xf32, #tpu.memory_space<vmem_shared>>
    tpu.enqueue_indirect_dma source(%arg11 : memref<80x64xf32, #tpu.memory_space<vmem>>) target(%dma_start3A_167 : memref<10240x64xf32, #tpu.memory_space<vmem_shared>>) offsets(%dma_start3A_164 : memref<80xi32, #tpu.memory_space<vmem>>) semaphore(%arg36 : memref<!tpu.dma_semaphore, #tpu.memory_space<semaphore_mem>>) {add = true}
    %dma_wait3A_168 = arith.constant 123 : i32
    %dma_wait3A_169 = arith.constant 0 : i32
    %dma_wait3A_170 = tpu.memref_slice %arg7[%dma_wait3A_168, %dma_wait3A_169] : memref<125x80xi32, #tpu.memory_space<vmem>> -> memref<1x80xi32, #tpu.memory_space<vmem>>
    %dma_wait3A_171 = tpu.memref_squeeze %dma_wait3A_170 : memref<1x80xi32, #tpu.memory_space<vmem>> -> memref<80xi32, #tpu.memory_space<vmem>>
    %dma_wait3A_172 = arith.constant 0 : i32
    %dma_wait3A_173 = arith.constant 0 : i32
    %dma_wait3A_174 = tpu.memref_slice %arg2[%dma_wait3A_172, %dma_wait3A_173] : memref<10000x64xf32, #tpu.memory_space<hbm>> -> memref<10000x64xf32, #tpu.memory_space<hbm>>
    tpu.wait_indirect_dma semaphore(%arg25 : memref<!tpu.dma_semaphore, #tpu.memory_space<semaphore_mem>>) src(%dma_wait3A_174 : memref<10000x64xf32, #tpu.memory_space<hbm>>) dst(%arg12 : memref<80x64xf32, #tpu.memory_space<vmem>>)
    %dma_start3A_175 = arith.constant 123 : i32
    %dma_start3A_176 = arith.constant 0 : i32
    %dma_start3A_177 = tpu.memref_slice %arg8[%dma_start3A_175, %dma_start3A_176] : memref<125x80xi32, #tpu.memory_space<vmem>> -> memref<1x80xi32, #tpu.memory_space<vmem>>
    %dma_start3A_178 = tpu.memref_squeeze %dma_start3A_177 : memref<1x80xi32, #tpu.memory_space<vmem>> -> memref<80xi32, #tpu.memory_space<vmem>>
    %dma_start3A_179 = arith.constant 0 : i32
    %dma_start3A_180 = arith.constant 0 : i32
    %dma_start3A_181 = tpu.memref_slice %arg21[%dma_start3A_179, %dma_start3A_180] : memref<10240x64xf32, #tpu.memory_space<vmem_shared>> -> memref<10240x64xf32, #tpu.memory_space<vmem_shared>>
    tpu.enqueue_indirect_dma source(%arg12 : memref<80x64xf32, #tpu.memory_space<vmem>>) target(%dma_start3A_181 : memref<10240x64xf32, #tpu.memory_space<vmem_shared>>) offsets(%dma_start3A_178 : memref<80xi32, #tpu.memory_space<vmem>>) semaphore(%arg37 : memref<!tpu.dma_semaphore, #tpu.memory_space<semaphore_mem>>) {add = true}
    %dma_wait3A_182 = arith.constant 124 : i32
    %dma_wait3A_183 = arith.constant 0 : i32
    %dma_wait3A_184 = tpu.memref_slice %arg7[%dma_wait3A_182, %dma_wait3A_183] : memref<125x80xi32, #tpu.memory_space<vmem>> -> memref<1x80xi32, #tpu.memory_space<vmem>>
    %dma_wait3A_185 = tpu.memref_squeeze %dma_wait3A_184 : memref<1x80xi32, #tpu.memory_space<vmem>> -> memref<80xi32, #tpu.memory_space<vmem>>
    %dma_wait3A_186 = arith.constant 0 : i32
    %dma_wait3A_187 = arith.constant 0 : i32
    %dma_wait3A_188 = tpu.memref_slice %arg2[%dma_wait3A_186, %dma_wait3A_187] : memref<10000x64xf32, #tpu.memory_space<hbm>> -> memref<10000x64xf32, #tpu.memory_space<hbm>>
    tpu.wait_indirect_dma semaphore(%arg26 : memref<!tpu.dma_semaphore, #tpu.memory_space<semaphore_mem>>) src(%dma_wait3A_188 : memref<10000x64xf32, #tpu.memory_space<hbm>>) dst(%arg13 : memref<80x64xf32, #tpu.memory_space<vmem>>)
    %dma_start3A_189 = arith.constant 124 : i32
    %dma_start3A_190 = arith.constant 0 : i32
    %dma_start3A_191 = tpu.memref_slice %arg8[%dma_start3A_189, %dma_start3A_190] : memref<125x80xi32, #tpu.memory_space<vmem>> -> memref<1x80xi32, #tpu.memory_space<vmem>>
    %dma_start3A_192 = tpu.memref_squeeze %dma_start3A_191 : memref<1x80xi32, #tpu.memory_space<vmem>> -> memref<80xi32, #tpu.memory_space<vmem>>
    %dma_start3A_193 = arith.constant 0 : i32
    %dma_start3A_194 = arith.constant 0 : i32
    %dma_start3A_195 = tpu.memref_slice %arg21[%dma_start3A_193, %dma_start3A_194] : memref<10240x64xf32, #tpu.memory_space<vmem_shared>> -> memref<10240x64xf32, #tpu.memory_space<vmem_shared>>
    tpu.enqueue_indirect_dma source(%arg13 : memref<80x64xf32, #tpu.memory_space<vmem>>) target(%dma_start3A_195 : memref<10240x64xf32, #tpu.memory_space<vmem_shared>>) offsets(%dma_start3A_192 : memref<80xi32, #tpu.memory_space<vmem>>) semaphore(%arg38 : memref<!tpu.dma_semaphore, #tpu.memory_space<semaphore_mem>>) {add = true}
    %dma_wait3A_196 = arith.constant 120 : i32
    %dma_wait3A_197 = arith.constant 0 : i32
    %dma_wait3A_198 = tpu.memref_slice %arg8[%dma_wait3A_196, %dma_wait3A_197] : memref<125x80xi32, #tpu.memory_space<vmem>> -> memref<1x80xi32, #tpu.memory_space<vmem>>
    %dma_wait3A_199 = tpu.memref_squeeze %dma_wait3A_198 : memref<1x80xi32, #tpu.memory_space<vmem>> -> memref<80xi32, #tpu.memory_space<vmem>>
    %dma_wait3A_200 = arith.constant 0 : i32
    %dma_wait3A_201 = arith.constant 0 : i32
    %dma_wait3A_202 = tpu.memref_slice %arg21[%dma_wait3A_200, %dma_wait3A_201] : memref<10240x64xf32, #tpu.memory_space<vmem_shared>> -> memref<10240x64xf32, #tpu.memory_space<vmem_shared>>
    tpu.wait_indirect_dma semaphore(%arg34 : memref<!tpu.dma_semaphore, #tpu.memory_space<semaphore_mem>>) src(%arg9 : memref<80x64xf32, #tpu.memory_space<vmem>>) dst(%dma_wait3A_202 : memref<10240x64xf32, #tpu.memory_space<vmem_shared>>)
    %dma_wait3A_203 = arith.constant 121 : i32
    %dma_wait3A_204 = arith.constant 0 : i32
    %dma_wait3A_205 = tpu.memref_slice %arg8[%dma_wait3A_203, %dma_wait3A_204] : memref<125x80xi32, #tpu.memory_space<vmem>> -> memref<1x80xi32, #tpu.memory_space<vmem>>
    %dma_wait3A_206 = tpu.memref_squeeze %dma_wait3A_205 : memref<1x80xi32, #tpu.memory_space<vmem>> -> memref<80xi32, #tpu.memory_space<vmem>>
    %dma_wait3A_207 = arith.constant 0 : i32
    %dma_wait3A_208 = arith.constant 0 : i32
    %dma_wait3A_209 = tpu.memref_slice %arg21[%dma_wait3A_207, %dma_wait3A_208] : memref<10240x64xf32, #tpu.memory_space<vmem_shared>> -> memref<10240x64xf32, #tpu.memory_space<vmem_shared>>
    tpu.wait_indirect_dma semaphore(%arg35 : memref<!tpu.dma_semaphore, #tpu.memory_space<semaphore_mem>>) src(%arg10 : memref<80x64xf32, #tpu.memory_space<vmem>>) dst(%dma_wait3A_209 : memref<10240x64xf32, #tpu.memory_space<vmem_shared>>)
    %dma_wait3A_210 = arith.constant 122 : i32
    %dma_wait3A_211 = arith.constant 0 : i32
    %dma_wait3A_212 = tpu.memref_slice %arg8[%dma_wait3A_210, %dma_wait3A_211] : memref<125x80xi32, #tpu.memory_space<vmem>> -> memref<1x80xi32, #tpu.memory_space<vmem>>
    %dma_wait3A_213 = tpu.memref_squeeze %dma_wait3A_212 : memref<1x80xi32, #tpu.memory_space<vmem>> -> memref<80xi32, #tpu.memory_space<vmem>>
    %dma_wait3A_214 = arith.constant 0 : i32
    %dma_wait3A_215 = arith.constant 0 : i32
    %dma_wait3A_216 = tpu.memref_slice %arg21[%dma_wait3A_214, %dma_wait3A_215] : memref<10240x64xf32, #tpu.memory_space<vmem_shared>> -> memref<10240x64xf32, #tpu.memory_space<vmem_shared>>
    tpu.wait_indirect_dma semaphore(%arg36 : memref<!tpu.dma_semaphore, #tpu.memory_space<semaphore_mem>>) src(%arg11 : memref<80x64xf32, #tpu.memory_space<vmem>>) dst(%dma_wait3A_216 : memref<10240x64xf32, #tpu.memory_space<vmem_shared>>)
    %dma_wait3A_217 = arith.constant 123 : i32
    %dma_wait3A_218 = arith.constant 0 : i32
    %dma_wait3A_219 = tpu.memref_slice %arg8[%dma_wait3A_217, %dma_wait3A_218] : memref<125x80xi32, #tpu.memory_space<vmem>> -> memref<1x80xi32, #tpu.memory_space<vmem>>
    %dma_wait3A_220 = tpu.memref_squeeze %dma_wait3A_219 : memref<1x80xi32, #tpu.memory_space<vmem>> -> memref<80xi32, #tpu.memory_space<vmem>>
    %dma_wait3A_221 = arith.constant 0 : i32
    %dma_wait3A_222 = arith.constant 0 : i32
    %dma_wait3A_223 = tpu.memref_slice %arg21[%dma_wait3A_221, %dma_wait3A_222] : memref<10240x64xf32, #tpu.memory_space<vmem_shared>> -> memref<10240x64xf32, #tpu.memory_space<vmem_shared>>
    tpu.wait_indirect_dma semaphore(%arg37 : memref<!tpu.dma_semaphore, #tpu.memory_space<semaphore_mem>>) src(%arg12 : memref<80x64xf32, #tpu.memory_space<vmem>>) dst(%dma_wait3A_223 : memref<10240x64xf32, #tpu.memory_space<vmem_shared>>)
    %dma_wait3A_224 = arith.constant 124 : i32
    %dma_wait3A_225 = arith.constant 0 : i32
    %dma_wait3A_226 = tpu.memref_slice %arg8[%dma_wait3A_224, %dma_wait3A_225] : memref<125x80xi32, #tpu.memory_space<vmem>> -> memref<1x80xi32, #tpu.memory_space<vmem>>
    %dma_wait3A_227 = tpu.memref_squeeze %dma_wait3A_226 : memref<1x80xi32, #tpu.memory_space<vmem>> -> memref<80xi32, #tpu.memory_space<vmem>>
    %dma_wait3A_228 = arith.constant 0 : i32
    %dma_wait3A_229 = arith.constant 0 : i32
    %dma_wait3A_230 = tpu.memref_slice %arg21[%dma_wait3A_228, %dma_wait3A_229] : memref<10240x64xf32, #tpu.memory_space<vmem_shared>> -> memref<10240x64xf32, #tpu.memory_space<vmem_shared>>
    tpu.wait_indirect_dma semaphore(%arg38 : memref<!tpu.dma_semaphore, #tpu.memory_space<semaphore_mem>>) src(%arg13 : memref<80x64xf32, #tpu.memory_space<vmem>>) dst(%dma_wait3A_230 : memref<10240x64xf32, #tpu.memory_space<vmem_shared>>)
    %barrier3A_231 = arith.constant 0 : index
    tpu.barrier barrier_id(%barrier3A_231)
    %mul3A_232 = arith.constant 640 : i32
    %mul3A_233 = arith.muli %arg1, %mul3A_232 : i32
    %mul3A_234 = arith.constant 640 : i32
    %mul3A_235 = arith.muli %arg1, %mul3A_234 : i32
    "tpu.region"() ({
      %run_scoped3A = tpu.sem_alloc : memref<!tpu.dma_semaphore, #tpu.memory_space<semaphore_mem>>
      %dma_start3A_236 = arith.constant 0 : i32
      %dma_start3A_237 = tpu.memref_slice %arg6[%arg0, %mul3A_235, %dma_start3A_236] : memref<2x10240x64xf32, #tpu.memory_space<hbm>> -> memref<1x640x64xf32, #tpu.memory_space<hbm>>
      %dma_start3A_238 = tpu.memref_squeeze %dma_start3A_237 : memref<1x640x64xf32, #tpu.memory_space<hbm>> -> memref<640x64xf32, #tpu.memory_space<hbm>>
      %dma_start3A_239 = arith.constant 0 : i32
      %dma_start3A_240 = tpu.memref_slice %arg21[%mul3A_233, %dma_start3A_239] : memref<10240x64xf32, #tpu.memory_space<vmem_shared>> -> memref<640x64xf32, #tpu.memory_space<vmem_shared>>
      tpu.enqueue_dma source(%dma_start3A_240 : memref<640x64xf32, #tpu.memory_space<vmem_shared>>) target(%dma_start3A_238 : memref<640x64xf32, #tpu.memory_space<hbm>>) target_semaphore(%run_scoped3A : memref<!tpu.dma_semaphore, #tpu.memory_space<semaphore_mem>>)
      %dma_wait3A_241 = arith.constant 0 : i32
      %dma_wait3A_242 = tpu.memref_slice %arg6[%arg0, %mul3A_235, %dma_wait3A_241] : memref<2x10240x64xf32, #tpu.memory_space<hbm>> -> memref<1x640x64xf32, #tpu.memory_space<hbm>>
      %dma_wait3A_243 = tpu.memref_squeeze %dma_wait3A_242 : memref<1x640x64xf32, #tpu.memory_space<hbm>> -> memref<640x64xf32, #tpu.memory_space<hbm>>
      %dma_wait3A_244 = arith.constant 0 : i32
      %dma_wait3A_245 = tpu.memref_slice %arg21[%mul3A_233, %dma_wait3A_244] : memref<10240x64xf32, #tpu.memory_space<vmem_shared>> -> memref<640x64xf32, #tpu.memory_space<vmem_shared>>
      tpu.wait_dma2 semaphore(%run_scoped3A : memref<!tpu.dma_semaphore, #tpu.memory_space<semaphore_mem>>) src(%dma_wait3A_245 : memref<640x64xf32, #tpu.memory_space<vmem_shared>>) dst(%dma_wait3A_243 : memref<640x64xf32, #tpu.memory_space<hbm>>)
      tpu.yield
    }) : () -> ()
    return
  }
}

module attributes {stable_mosaic.version = 14 : i64} {
  func.func @_mm1_body(%arg0: memref<10000x128xf32, #tpu.memory_space<vmem>>, %arg1: memref<128x64xf32, #tpu.memory_space<vmem>>, %arg2: memref<10000x64xf32, #tpu.memory_space<vmem>>) attributes {dimension_semantics = [], scalar_prefetch = 0 : i64, scratch_operands = 0 : i64, tpu.core_type = #tpu.core_type<tc>} {
    %get3A = arith.constant 0 : index
    %get3A_0 = arith.constant 0 : index
    %get3A_1 = vector.load %arg0[%get3A, %get3A_0] : memref<10000x128xf32, #tpu.memory_space<vmem>>, vector<10000x128xf32>
    %get3A_2 = arith.constant 0 : index
    %get3A_3 = arith.constant 0 : index
    %get3A_4 = vector.load %arg1[%get3A_2, %get3A_3] : memref<128x64xf32, #tpu.memory_space<vmem>>, vector<128x64xf32>
    %dot_general3A = arith.constant dense<0.000000e+00> : vector<10000x64xf32>
    %dot_general3A_5 = tpu.matmul %get3A_1, %get3A_4, %dot_general3A {dimension_numbers = #tpu.dot_dimension_numbers<[1], [0], [0], [1], [0, 0, 1, 1], [], []>, transpose_lhs_hint = false} : vector<10000x128xf32>, vector<128x64xf32>, vector<10000x64xf32> -> vector<10000x64xf32>
    %swap3A = arith.constant 0 : index
    %swap3A_6 = arith.constant 0 : index
    %swap3A_7 = vector.load %arg2[%swap3A, %swap3A_6] : memref<10000x64xf32, #tpu.memory_space<vmem>>, vector<10000x64xf32>
    tpu.vector_store %arg2[%swap3A, %swap3A_6], %dot_general3A_5 {strides = array<i32>} : memref<10000x64xf32, #tpu.memory_space<vmem>>, vector<10000x64xf32>,
    return
  }
}

module attributes {stable_mosaic.version = 14 : i64} {
  func.func @_mid_body(%arg0: memref<10000x64xf32, #tpu.memory_space<vmem>>, %arg1: memref<2x10240x64xf32, #tpu.memory_space<vmem>>, %arg2: memref<1x1xf32, #tpu.memory_space<vmem>>, %arg3: memref<1x64xf32, #tpu.memory_space<vmem>>, %arg4: memref<64x64xf32, #tpu.memory_space<vmem>>, %arg5: memref<1x64xf32, #tpu.memory_space<vmem>>, %arg6: memref<64x64xf32, #tpu.memory_space<vmem>>, %arg7: memref<10000x64xf32, #tpu.memory_space<vmem>>, %arg8: memref<10000x64xf32, #tpu.memory_space<vmem>>) attributes {dimension_semantics = [], scalar_prefetch = 0 : i64, scratch_operands = 0 : i64, tpu.core_type = #tpu.core_type<tc>} {
    %get3A = arith.constant 0 : index
    %get3A_0 = arith.constant 0 : index
    %get3A_1 = vector.load %arg2[%get3A, %get3A_0] : memref<1x1xf32, #tpu.memory_space<vmem>>, vector<1x1xf32>
    %get3A_2 = vector.extract %get3A_1[0, 0] : f32 from vector<1x1xf32>
    %add3A = arith.constant 1.000000e+00 : f32
    %add3A_3 = arith.addf %add3A, %get3A_2 : f32
    %get3A_4 = arith.constant 0 : index
    %get3A_5 = arith.constant 0 : index
    %get3A_6 = vector.load %arg0[%get3A_4, %get3A_5] : memref<10000x64xf32, #tpu.memory_space<vmem>>, vector<10000x64xf32>
    %mul3A = vector.broadcast %add3A_3 : f32 to vector<10000x64xf32>
    %mul3A_7 = arith.mulf %mul3A, %get3A_6 : vector<10000x64xf32>
    %get3A_8 = arith.constant 0 : index
    %get3A_9 = arith.constant 0 : index
    %get3A_10 = arith.constant 0 : index
    %get3A_11 = vector.load %arg1[%get3A_8, %get3A_9, %get3A_10] : memref<2x10240x64xf32, #tpu.memory_space<vmem>>, vector<1x10000x64xf32>
    %get3A_12 = vector.shape_cast %get3A_11 : vector<1x10000x64xf32> to vector<10000x64xf32>
    %add3A_13 = arith.addf %mul3A_7, %get3A_12 : vector<10000x64xf32>
    %get3A_14 = arith.constant 1 : index
    %get3A_15 = arith.constant 0 : index
    %get3A_16 = arith.constant 0 : index
    %get3A_17 = vector.load %arg1[%get3A_14, %get3A_15, %get3A_16] : memref<2x10240x64xf32, #tpu.memory_space<vmem>>, vector<1x10000x64xf32>
    %get3A_18 = vector.shape_cast %get3A_17 : vector<1x10000x64xf32> to vector<10000x64xf32>
    %add3A_19 = arith.addf %add3A_13, %get3A_18 : vector<10000x64xf32>
    %get3A_20 = arith.constant 0 : index
    %get3A_21 = arith.constant 0 : index
    %get3A_22 = vector.load %arg3[%get3A_20, %get3A_21] : memref<1x64xf32, #tpu.memory_space<vmem>>, vector<1x64xf32>
    %add3A_23 = vector.broadcast %get3A_22 : vector<1x64xf32> to vector<10000x64xf32>
    %add3A_24 = arith.addf %add3A_19, %add3A_23 : vector<10000x64xf32>
    %max3A = arith.constant 0.000000e+00 : f32
    %max3A_25 = vector.broadcast %max3A : f32 to vector<10000x64xf32>
    %max3A_26 = arith.maximumf %add3A_24, %max3A_25 : vector<10000x64xf32>
    %get3A_27 = arith.constant 0 : index
    %get3A_28 = arith.constant 0 : index
    %get3A_29 = vector.load %arg4[%get3A_27, %get3A_28] : memref<64x64xf32, #tpu.memory_space<vmem>>, vector<64x64xf32>
    %dot_general3A = arith.constant dense<0.000000e+00> : vector<10000x64xf32>
    %dot_general3A_30 = tpu.matmul %max3A_26, %get3A_29, %dot_general3A {dimension_numbers = #tpu.dot_dimension_numbers<[1], [0], [0], [1], [0, 0, 1, 1], [], []>, transpose_lhs_hint = false} : vector<10000x64xf32>, vector<64x64xf32>, vector<10000x64xf32> -> vector<10000x64xf32>
    %get3A_31 = arith.constant 0 : index
    %get3A_32 = arith.constant 0 : index
    %get3A_33 = vector.load %arg5[%get3A_31, %get3A_32] : memref<1x64xf32, #tpu.memory_space<vmem>>, vector<1x64xf32>
    %add3A_34 = vector.broadcast %get3A_33 : vector<1x64xf32> to vector<10000x64xf32>
    %add3A_35 = arith.addf %dot_general3A_30, %add3A_34 : vector<10000x64xf32>
    %max3A_36 = arith.constant 0.000000e+00 : f32
    %max3A_37 = vector.broadcast %max3A_36 : f32 to vector<10000x64xf32>
    %max3A_38 = arith.maximumf %add3A_35, %max3A_37 : vector<10000x64xf32>
    %swap3A = arith.constant 0 : index
    %swap3A_39 = arith.constant 0 : index
    %swap3A_40 = vector.load %arg7[%swap3A, %swap3A_39] : memref<10000x64xf32, #tpu.memory_space<vmem>>, vector<10000x64xf32>
    tpu.vector_store %arg7[%swap3A, %swap3A_39], %max3A_38 {strides = array<i32>} : memref<10000x64xf32, #tpu.memory_space<vmem>>, vector<10000x64xf32>,
    %get3A_41 = arith.constant 0 : index
    %get3A_42 = arith.constant 0 : index
    %get3A_43 = vector.load %arg6[%get3A_41, %get3A_42] : memref<64x64xf32, #tpu.memory_space<vmem>>, vector<64x64xf32>
    %dot_general3A_44 = arith.constant dense<0.000000e+00> : vector<10000x64xf32>
    %dot_general3A_45 = tpu.matmul %max3A_38, %get3A_43, %dot_general3A_44 {dimension_numbers = #tpu.dot_dimension_numbers<[1], [0], [0], [1], [0, 0, 1, 1], [], []>, transpose_lhs_hint = false} : vector<10000x64xf32>, vector<64x64xf32>, vector<10000x64xf32> -> vector<10000x64xf32>
    %swap3A_46 = arith.constant 0 : index
    %swap3A_47 = arith.constant 0 : index
    %swap3A_48 = vector.load %arg8[%swap3A_46, %swap3A_47] : memref<10000x64xf32, #tpu.memory_space<vmem>>, vector<10000x64xf32>
    tpu.vector_store %arg8[%swap3A_46, %swap3A_47], %dot_general3A_45 {strides = array<i32>} : memref<10000x64xf32, #tpu.memory_space<vmem>>, vector<10000x64xf32>,
    return
  }
}

module attributes {stable_mosaic.version = 14 : i64} {
  func.func @_final_body(%arg0: memref<10000x64xf32, #tpu.memory_space<vmem>>, %arg1: memref<2x10240x64xf32, #tpu.memory_space<vmem>>, %arg2: memref<1x1xf32, #tpu.memory_space<vmem>>, %arg3: memref<1x64xf32, #tpu.memory_space<vmem>>, %arg4: memref<64x64xf32, #tpu.memory_space<vmem>>, %arg5: memref<1x64xf32, #tpu.memory_space<vmem>>, %arg6: memref<10000x64xf32, #tpu.memory_space<vmem>>) attributes {dimension_semantics = [], scalar_prefetch = 0 : i64, scratch_operands = 0 : i64, tpu.core_type = #tpu.core_type<tc>} {
    %get3A = arith.constant 0 : index
    %get3A_0 = arith.constant 0 : index
    %get3A_1 = vector.load %arg2[%get3A, %get3A_0] : memref<1x1xf32, #tpu.memory_space<vmem>>, vector<1x1xf32>
    %get3A_2 = vector.extract %get3A_1[0, 0] : f32 from vector<1x1xf32>
    %add3A = arith.constant 1.000000e+00 : f32
    %add3A_3 = arith.addf %add3A, %get3A_2 : f32
    %get3A_4 = arith.constant 0 : index
    %get3A_5 = arith.constant 0 : index
    %get3A_6 = vector.load %arg0[%get3A_4, %get3A_5] : memref<10000x64xf32, #tpu.memory_space<vmem>>, vector<10000x64xf32>
    %mul3A = vector.broadcast %add3A_3 : f32 to vector<10000x64xf32>
    %mul3A_7 = arith.mulf %mul3A, %get3A_6 : vector<10000x64xf32>
    %get3A_8 = arith.constant 0 : index
    %get3A_9 = arith.constant 0 : index
    %get3A_10 = arith.constant 0 : index
    %get3A_11 = vector.load %arg1[%get3A_8, %get3A_9, %get3A_10] : memref<2x10240x64xf32, #tpu.memory_space<vmem>>, vector<1x10000x64xf32>
    %get3A_12 = vector.shape_cast %get3A_11 : vector<1x10000x64xf32> to vector<10000x64xf32>
    %add3A_13 = arith.addf %mul3A_7, %get3A_12 : vector<10000x64xf32>
    %get3A_14 = arith.constant 1 : index
    %get3A_15 = arith.constant 0 : index
    %get3A_16 = arith.constant 0 : index
    %get3A_17 = vector.load %arg1[%get3A_14, %get3A_15, %get3A_16] : memref<2x10240x64xf32, #tpu.memory_space<vmem>>, vector<1x10000x64xf32>
    %get3A_18 = vector.shape_cast %get3A_17 : vector<1x10000x64xf32> to vector<10000x64xf32>
    %add3A_19 = arith.addf %add3A_13, %get3A_18 : vector<10000x64xf32>
    %get3A_20 = arith.constant 0 : index
    %get3A_21 = arith.constant 0 : index
    %get3A_22 = vector.load %arg3[%get3A_20, %get3A_21] : memref<1x64xf32, #tpu.memory_space<vmem>>, vector<1x64xf32>
    %add3A_23 = vector.broadcast %get3A_22 : vector<1x64xf32> to vector<10000x64xf32>
    %add3A_24 = arith.addf %add3A_19, %add3A_23 : vector<10000x64xf32>
    %max3A = arith.constant 0.000000e+00 : f32
    %max3A_25 = vector.broadcast %max3A : f32 to vector<10000x64xf32>
    %max3A_26 = arith.maximumf %add3A_24, %max3A_25 : vector<10000x64xf32>
    %get3A_27 = arith.constant 0 : index
    %get3A_28 = arith.constant 0 : index
    %get3A_29 = vector.load %arg4[%get3A_27, %get3A_28] : memref<64x64xf32, #tpu.memory_space<vmem>>, vector<64x64xf32>
    %dot_general3A = arith.constant dense<0.000000e+00> : vector<10000x64xf32>
    %dot_general3A_30 = tpu.matmul %max3A_26, %get3A_29, %dot_general3A {dimension_numbers = #tpu.dot_dimension_numbers<[1], [0], [0], [1], [0, 0, 1, 1], [], []>, transpose_lhs_hint = false} : vector<10000x64xf32>, vector<64x64xf32>, vector<10000x64xf32> -> vector<10000x64xf32>
    %get3A_31 = arith.constant 0 : index
    %get3A_32 = arith.constant 0 : index
    %get3A_33 = vector.load %arg5[%get3A_31, %get3A_32] : memref<1x64xf32, #tpu.memory_space<vmem>>, vector<1x64xf32>
    %add3A_34 = vector.broadcast %get3A_33 : vector<1x64xf32> to vector<10000x64xf32>
    %add3A_35 = arith.addf %dot_general3A_30, %add3A_34 : vector<10000x64xf32>
    %reduce_max3A = arith.constant dense<0xFF800000> : vector<10000xf32>
    %reduce_max3A_36 = vector.multi_reduction <maximumf>, %add3A_35, %reduce_max3A [1] : vector<10000x64xf32> to vector<10000xf32>
    %broadcast_in_dim3A = vector.shape_cast %reduce_max3A_36 : vector<10000xf32> to vector<10000x1xf32>
    %sub3A = vector.broadcast %broadcast_in_dim3A : vector<10000x1xf32> to vector<10000x64xf32>
    %sub3A_37 = arith.subf %add3A_35, %sub3A : vector<10000x64xf32>
    %exp3A = math.exp %sub3A_37 : vector<10000x64xf32>
    %reduce_sum3A = arith.constant dense<0.000000e+00> : vector<10000xf32>
    %reduce_sum3A_38 = vector.multi_reduction <add>, %exp3A, %reduce_sum3A [1] : vector<10000x64xf32> to vector<10000xf32>
    %broadcast_in_dim3A_39 = vector.shape_cast %reduce_sum3A_38 : vector<10000xf32> to vector<10000x1xf32>
    %log3A = math.log %broadcast_in_dim3A_39 : vector<10000x1xf32>
    %add3A_40 = arith.addf %log3A, %broadcast_in_dim3A : vector<10000x1xf32>
    %sub3A_41 = vector.broadcast %add3A_40 : vector<10000x1xf32> to vector<10000x64xf32>
    %sub3A_42 = arith.subf %add3A_35, %sub3A_41 : vector<10000x64xf32>
    %swap3A = arith.constant 0 : index
    %swap3A_43 = arith.constant 0 : index
    %swap3A_44 = vector.load %arg6[%swap3A, %swap3A_43] : memref<10000x64xf32, #tpu.memory_space<vmem>>, vector<10000x64xf32>
    tpu.vector_store %arg6[%swap3A, %swap3A_43], %sub3A_42 {strides = array<i32>} : memref<10000x64xf32, #tpu.memory_space<vmem>>, vector<10000x64xf32>,
    return
  }
}

</mosaic_0001>

<sc_bundles>
// kernel: kernel.10.cloned.1.call-start
scs
__scs_entry_jumppad:
0x0: {  	(pc) =	sbr.rel $0x88, $3  }
0x1: {  	(tag) =	ssettag $0x0;
	lr =	simm.s32 $0x1  }
0x2: {  	[smem:$0x3F95] =	sst lr;
	_ =	strace $0xD0000000  }
0x3: {  	_ = 	snop  }
0x4: {  	_ = 	snop  }
0x5: {  	_ = 	snop  }
0x6: {  	_ = 	snop  }
0x7: {  	_ = 	snop  }
__scs_overlays_trampoline_lowered:
0x8: {  	[smem:$0x3FA4] =	sst s0  }
0x9: {  	[smem:$0x3FA5] =	sst s1  }
0xa: {  	[smem:$0x3FA6] =	sst s2  }
0xb: {  	[smem:$0x3FA7] =	sst s3  }
0xc: {  	[smem:$0x3FA8] =	sst s4  }
0xd: {  	[smem:$0x3FA9] =	sst s5  }
0xe: {  	[smem:$0x3FAA] =	sst s6  }
0xf: {  	[smem:$0x3FAB] =	sst s7  }
0x10: {  	[smem:$0x3FAC] =	sst s8  }
0x11: {  	[smem:$0x3FAD] =	sst s9;
	s0 =	simm.s32 @!p0 $0x0  }
0x12: {  	s1 =	sld [smem:$0x3F93];
	s0 =	simm.s32 @p0 $0x1  }
0x13: {  	[smem:$0x3FAE] =	sst s0;
	s0 =	simm.s32 @!p1 $0x0  }
0x14: {  	s2 =	sld [smem:$0x3F92];
	s0 =	simm.s32 @p1 $0x1  }
0x15: {  	[smem:$0x3FAF] =	sst s0;
	s0 =	simm.s32 @!p2 $0x0  }
0x16: {  	s3 =	sld [smem:$0x3FDB];
	s0 =	simm.s32 @p2 $0x1  }
0x17: {  	s4 =	simm.s32 $0x1BF5;
	[smem:$0x3FB1] =	sst s0  }
0x18: {  	s0 =	sld [smem:$0x3F94];
	_ =	swait.ge [sflag:s4], $0x0  }
0x19: {  	s7 =	sld [smem:$0x3F95]  }
0x1a: {  	s8 =	sadd.s32 $0xFFFFE003, lr  }
0x1b: {  	s9 =	sadd.s32 $0xFFFFFEF7, lr;
	s5 =	simm.s32 $0xFFFFFFFF;
	p2 =	slt.u32 s8, $0xFFFFF086  }
0x1c: {  	p1 =	slt.u32 s9, $0xF7A;
	s5 =	simm.s32 @!p2 $0x0  }
0x1d: {  	s5 =	simm.s32 @p1 $0x1;
	p0 =	seq.s32 s7, s2  }
0x1e: {  	s7 =	smul.u32 @!p0 $0xF7A, s2;
	p2 =	seq.s32 @!p0 s5, $0x0  }
0x1f: {  	s9 =	smul.u32 $0xF7A, s1;
	s8 =	simm.s32 @!p0 $0x1BF5;
	p2 =	por !p2, p0  }
0x20: {  	[sflag:s8] =	ssyncset.s32 @!p0 $0xFFFFF086;
	s6 =	sadd.s32 @!p0 s3, s7;
	s7 =	simm.s32 @!p0 $0x108  }
0x21: {  	s3 =	sadd.s32 s3, s9;
	s6 =	sadd.s32 @!p0 $0x88, s6;
	s7 =	simm.s32 @p2 $0x1082  }
0x22: {  	[simem:s7], [sflag:s8] =	dma.local @!p0 [hbm:s6], $0xF7A  }
0x23: {  	s9 =	sor.u32 $0xD0000000, s2;
	s6 =	simm.s32 $0x108;
	_ =	swait.ge @!p0 [sflag:s8], $0x0  }
0x24: {  	s3 =	sadd.s32 $0x88, s3;
	s6 =	simm.s32 @!p1 $0x1082;
	[sflag:s4] =	ssyncset.s32 $0xFFFFF086  }
0x25: {  	[simem:s6], [sflag:s4] =	dma.local [hbm:s3], $0xF7A  }
0x26: {  	[smem:$0x3F95] =	sst s1;
	(tag) =	ssettag s2;
	_ =	strace s9  }
0x27: {  	s1 =	sld [smem:$0x3FA5]  }
0x28: {  	s2 =	sld [smem:$0x3FA6]  }
0x29: {  	s4 =	sld [smem:$0x3FA8]  }
0x2a: {  	p0 =	seq.s32 s5, $0x0;
	s5 =	sld [smem:$0x3FA9]  }
0x2b: {  	s6 =	sld [smem:$0x3FAA]  }
0x2c: {  	s7 =	sld [smem:$0x3FAB]  }
0x2d: {  	s3 =	simm.s32 $0x108;
	s8 =	sld [smem:$0x3FAC]  }
0x2e: {  	s3 =	simm.s32 @!p0 $0x1082;
	s9 =	sld [smem:$0x3FAD]  }
0x2f: {  	lr =	sadd.s32 s0, s3;
	s0 =	sld [smem:$0x3FA4]  }
0x30: {  	s3 =	sld [smem:$0x3FA7]  }
0x31: {  	[smem:$0x3FB0] =	sst s10  }
0x32: {  	s10 =	sld [smem:$0x3FAE];
	_ =	sdelay $0x3  }
0x33: {  	p0 =	seq.s32 s10, $0x1;
	s10 =	sld [smem:$0x3FB0];
	_ =	sdelay $0x3  }
0x34: {  	[smem:$0x3FB0] =	sst s10  }
0x35: {  	s10 =	sld [smem:$0x3FAF];
	_ =	sdelay $0x3  }
0x36: {  	p1 =	seq.s32 s10, $0x1;
	s10 =	sld [smem:$0x3FB0];
	_ =	sdelay $0x3  }
0x37: {  	[smem:$0x3FB0] =	sst s10  }
0x38: {  	s10 =	sld [smem:$0x3FB1]  }
0x39: {  	_ = 	snop;
	(pc) =	sbr.ind lr, $3  }
0x3a: {  	_ = 	snop  }
0x3b: {  	_ = 	snop  }
0x3c: {  	p2 =	seq.s32 s10, $0x1;
	s10 =	sld [smem:$0x3FB0]  }
0x3d: {  	_ =	shalt  }
0x3e: {  	_ =	shalt  }
0x3f: {  	_ =	shalt  }
0x40: {  	_ =	shalt  }
0x41: {  	_ =	shalt  }
0x42: {  	_ =	shalt  }
0x43: {  	_ =	shalt  }
0x44: {  	_ =	shalt  }
0x45: {  	_ =	shalt  }
0x46: {  	_ =	shalt  }
0x47: {  	_ =	shalt  }
0x48: {  	_ =	shalt  }
0x49: {  	_ =	shalt  }
0x4a: {  	_ =	shalt  }
0x4b: {  	_ =	shalt  }
0x4c: {  	_ =	shalt  }
0x4d: {  	_ =	shalt  }
0x4e: {  	_ =	shalt  }
0x4f: {  	_ =	shalt  }
0x50: {  	_ =	shalt  }
0x51: {  	_ =	shalt  }
0x52: {  	_ =	shalt  }
0x53: {  	_ =	shalt  }
0x54: {  	_ =	shalt  }
0x55: {  	_ =	shalt  }
0x56: {  	_ =	shalt  }
0x57: {  	_ =	shalt  }
0x58: {  	_ =	shalt  }
0x59: {  	_ =	shalt  }
0x5a: {  	_ =	shalt  }
0x5b: {  	_ =	shalt  }
0x5c: {  	_ =	shalt  }
0x5d: {  	_ =	shalt  }
0x5e: {  	_ =	shalt  }
0x5f: {  	_ =	shalt  }
0x60: {  	_ =	shalt  }
0x61: {  	_ =	shalt  }
0x62: {  	_ =	shalt  }
0x63: {  	_ =	shalt  }
0x64: {  	_ =	shalt  }
0x65: {  	_ =	shalt  }
0x66: {  	_ =	shalt  }
0x67: {  	_ =	shalt  }
0x68: {  	_ =	shalt  }
0x69: {  	_ =	shalt  }
0x6a: {  	_ =	shalt  }
0x6b: {  	_ =	shalt  }
0x6c: {  	_ =	shalt  }
0x6d: {  	_ =	shalt  }
0x6e: {  	_ =	shalt  }
0x6f: {  	_ =	shalt  }
0x70: {  	_ =	shalt  }
0x71: {  	_ =	shalt  }
0x72: {  	_ =	shalt  }
0x73: {  	_ =	shalt  }
0x74: {  	_ =	shalt  }
0x75: {  	_ =	shalt  }
0x76: {  	_ =	shalt  }
0x77: {  	_ =	shalt  }
0x78: {  	_ =	shalt  }
0x79: {  	_ =	shalt  }
0x7a: {  	_ =	shalt  }
0x7b: {  	_ =	shalt  }
0x7c: {  	_ =	shalt  }
0x7d: {  	_ =	shalt  }
0x7e: {  	_ =	shalt  }
0x7f: {  	_ =	shalt  }
0x80: {  	_ =	shalt  }
0x81: {  	_ =	shalt  }
0x82: {  	_ =	shalt  }
0x83: {  	_ =	shalt  }
0x84: {  	_ =	shalt  }
0x85: {  	_ =	shalt  }
0x86: {  	_ =	shalt  }
0x87: {  	_ =	shalt  }
.Lfunc_end0:
.L_simem_size_0:
called_computation.1_lowered:
.L_overlay_start_0:
0x88: {  	s2 =	sld [smem:$0x3FD9]  }
0x89: {  	s3 =	sld [smem:$0x3FFE];
	_ =	sdelay $0x1  }
0x8a: {  	s1 =	srdreg.scid  }
0x8b: {  	s0 =	sand.u32 $0x1, s1  }
0x8c: {  	s14 =	sshll.u32 s0, $0xA;
	s2 =	sadd.s32 s3, s2  }
0x8d: {  	s2 =	sadd.s32 s2, s14  }
0x8e: {  	[smem:$0x3FBC] =	sst s2  }
0x8f: {  	_ = 	snop  }
0x90: {  	s2 =	sld [smem:$0x3FD0];
	_ =	sdelay $0x2  }
0x91: {  	s15 =	simm.s32 $0xA;
	s4 =	simm.s32 $0x10  }
0x92: {  	[smem:s4], [sflag:s15] =	dma.local [hbm:s2], $0x1  }
0x93: {  	_ =	swait.eq [sflag:s15], $0x1  }
0x94: {  	[sflag:s15] =	ssyncset.done $0x0  }
0x95: {  	[sflag:s15] =	ssyncadd.s32 $0xFFFFFFFF  }
0x96: {  	s16 =	sld [smem:$0x10];
	(tm) =	ssettm $0x1  }
0x97: {  	s17 =	sld [smem:$0x3FFB];
	_ =	sdelay $0x3  }
0x98: {  	_ =	strace s17  }
0x99: {  	s3 =	sld [smem:$0x3FFC];
	_ =	sdelay $0x3  }
0x9a: {  	_ =	strace s3  }
0x9b: {  	s3 =	sld [smem:$0x3FFD];
	_ =	sdelay $0x3  }
0x9c: {  	_ =	strace s3  }
0x9d: {  	_ =	strace $0x8FFFFFFF  }
0x9e: {  	s18 =	sld [smem:$0x3FDB];
	_ =	sdelay $0x1  }
0x9f: {  	s19 =	simm.s32 $_scs_section_size  }
0xa0: {  	s5 =	simm.s32 $_size__tile_overlayer_lowered;
	s6 =	simm.s32 $_tile_overlayer_lowered  }
0xa1: {  	s22 =	simm.s32 $0x1BFF;
	s21 =	sshll.u32 s6, $0x1;
	s3 =	sadd.s32 s19, s18  }
0xa2: {  	s7 =	simm.s32 $0x0;
	s20 =	sshll.u32 s5, $0x1;
	s5 =	sadd.s32 s21, s3  }
0xa3: {  	[timem:s7], [sflag:s22] =	dma.local [hbm:s5], s20  }
0xa4: {  	_ =	swait.ge [sflag:s22], s20  }
0xa5: {  	s4 =	ssub.s32 $0x0, s20;
	[sflag:s22] =	ssyncset.done $0x0  }
0xa6: {  	[sflag:s22] =	ssyncadd.s32 s4;
	_ =	sdelay $0x1  }
0xa7: {  	s23 =	simm.s32 $0x1B8B  }
0xa8: {  	_ =	swait.ge [sflag:s23], $0x1  }
0xa9: {  	[sflag:s23] =	ssyncset.done $0x0  }
0xaa: {  	s25 =	simm.s32 $0x1B8E;
	s24 =	sld [smem:$0x3FFE];
	[sflag:s23] =	ssyncadd.s32 $0xFFFFFFFF  }
0xab: {  	s26 =	simm.s32 $execute0_lowered;
	[smem:$0x3FD2] =	sst s25  }
0xac: {  	s5 =	sshll.u32 s26, $0x1;
	_ =	strace $0x80000049;
	[dreg:$0x1] =	wrdreg $0xFFFFFFFF  }
0xad: {  	s28 =	simm.s32 $_size_execute0_lowered;
	s3 =	sadd.s32 s3, s5;
	[dreg:$0x0] =	wrdreg $0x0  }
0xae: {  	s5 =	sshll.u32 s28, $0x1;
	[dreg:$0x2] =	wrdreg s3  }
0xaf: {  	[dreg:$0x3] =	wrdreg s5  }
0xb0: {  	[dreg:$0x4] =	wrdreg $0xC0  }
0xb1: {  	_ =	task [dreg:s7], $0x5FFFF  }
0xb2: {  	[dreg:$0x1] =	wrdreg $0xFFFFFFFF  }
0xb3: {  	[dreg:$0x0] =	wrdreg $0x60  }
0xb4: {  	[dreg:$0x2] =	wrdreg s16  }
0xb5: {  	[dreg:$0x3] =	wrdreg s24  }
0xb6: {  	[dreg:$0x4] =	wrdreg $0x13E200  }
0xb7: {  	[dreg:$0x5] =	wrdreg $0x9  }
0xb8: {  	_ =	task.clear_ibuf [dreg:s7], $0x6FFFF;
	_ =	strace $0x90000049  }
0xb9: {  	s29 =	simm.s32 $0x9;
	_ =	strace $0x8000004B  }
0xba: {  	_ =	swait.ge [sflag:s29], $0x1  }
0xbb: {  	[sflag:s29] =	ssyncadd.s32 $0xFFFFFFFF  }
0xbc: {  	_ =	strace $0x9000004B  }
0xbd: {  	_ =	sfence  }
0xbe: {  	s30 =	sld [smem:$0x0];
	_ =	sdelay $0x2  }
0xbf: {  	s31 =	sshll.u32 s1, $0xD;
	s1 =	sshrl.u32 s1, $0x2  }
0xc0: {  	s3 =	sand.u32 $0x4000, s31;
	s1 =	sadd.s32 s1, s30  }
0xc1: {  	s0 =	sor.u32 s3, s0;
	s1 =	sshll.u32 s1, $0x11  }
0xc2: {  	s0 =	sor.u32 s1, s0  }
0xc3: {  	s0 =	sadd.s32 $0x8F2B, s0  }
0xc4: {  	[sflag:s0] =	ssyncadd.remote.s32 $0x1  }
0xc5: {  	_ =	sfence.sel $0xFFFF  }
0xc6: {  	[dreg:$0x0] =	wrdreg $0xFFFFFFFF;
	(pc) =	sbr.abs _section_cstart, $3  }
0xc7: {  	[dreg:$0x1] =	wrdreg $0xFFFFFFFF  }
0xc8: {  	_ =	task.clear_ibuf [dreg:s7], $0x2FFFF;
	_ =	strace $0x9FFFFFFF  }
0xc9: {  	(tm) =	ssettm $0x7FFFFFFF  }
tec
execute0_lowered:
.L_overlay_start_1:
0x0: {  	(tag) =	ssettag $0x1  }
0x1: {  	s0 =	srdreg.scid;
	s2 =	rddreg [dreg:$0x0]  }
0x2: {  	s7 =	stileid.u32;
	s4 =	rddreg [dreg:$0x1]  }
0x3: {  	s3 =	rddreg [dreg:$0x2];
	s8 =	simm.s32 $0x0;
	s14 =	simm.s32 $0xD  }
0x4: {  	s15 =	simm.s32 $0xE;
	s16 =	simm.s32 $0xF;
	s17 =	simm.s32 $0x50  }
0x5: {  	s31 =	simm.s32 $0x6220;
	s9 =	simm.s32 $0x7620;
	s10 =	simm.s32 $0x8A20  }
0x6: {  	s11 =	simm.s32 $0x9E20;
	s29 =	simm.s32 $0x4;
	s12 =	simm.s32 $0x10  }
0x7: {  	s18 =	simm.s32 $0x11;
	s28 =	simm.s32 $0x12;
	s19 =	simm.s32 $0x13  }
0x8: {  	s30 =	simm.s32 $0x14;
	s21 =	simm.s32 $0x15;
	s13 =	simm.s32 $0x18  }
0x9: {  	s20 =	simm.s32 $0x12A20;
	s0 =	sand.u32 $0x1, s0;
	s5 =	smul.u32 $0xA000, s7  }
0xa: {  	[smem:$0x7FF] =	sst s8;
	s22 =	sadd.s32 $0x15000, s4;
	s8 =	simm.s32 $0x4E20  }
0xb: {  	s1 =	sshll.u32 s0, $0x4;
	s6 =	smul.u32 $0xA0000, s0;
	_ =	strace $0x8000004A  }
0xc: {  	[dreg:$0x4] =	wrdreg s22;
	s0 =	ssub.s32 $0x2, s0;
	s1 =	sor.u32 s7, s1  }
0xd: {  	s23 =	sshrl.u32 s0, $0x1;
	s7 =	sshll.u32 s7, $0x6;
	s1 =	smul.u32 $0x4E2, s1  }
0xe: {  	s6 =	sadd.s32 s5, s6;
	s0 =	ssub.s32 s0, s23;
	s5 =	sadd.s32 s5, s3  }
0xf: {  	[dreg:$0x5] =	wrdreg s7;
	s24 =	sor.u32 $0x1C0D, s7;
	s23 =	simm.s32 $0x17  }
0x10: {  	s7 =	simm.s32 $0x0;
	s6 =	sshrl.u32 s6, $0x3;
	[dreg:$0x6] =	wrdreg s24  }
0x11: {  	s0 =	smax.u32 s0, $0x1;
	s24 =	simm.s32 $0x3;
	s1 =	sadd.s32 s1, s4  }
.Ltmp0:
0x12: {  	[dreg:$0xa] =	wrdreg s0;
	s25 =	sadd.s32 $0xB200, s1;
	(pc) =	sbr.rel .LBB2_1-.Ltmp0, $4  }
0x13: {  	s4 =	sadd.s32 s6, s4;
	s1 =	sadd.s32 $0x1400, s1;
	[dreg:$0x7] =	wrdreg s25  }
0x14: {  	s6 =	simm.s32 $0xB;
	s26 =	sadd.s32 $0x16400, s4;
	[dreg:$0x8] =	wrdreg s1  }
0x15: {  	s4 =	simm.s32 $0xC;
	[dreg:$0x9] =	wrdreg s26;
	s26 =	sshrl.u32 s5, $0x3  }
0x16: {  	s5 =	simm.s32 $0x5;
	s1 =	simm.s32 $0x16;
	[dreg:$0xb] =	wrdreg s26  }
.LBB2_4:
0x17: {  	_ =	swait.ge [sflag:s19], $0x1400  }
0x18: {  	[sflag:s19] =	ssyncset.done $0x0  }
0x19: {  	[sflag:s19] =	ssyncadd.s32 $0xFFFFEC00  }
0x1a: {  	_ =	swait.ge [sflag:s30], $0x1400  }
0x1b: {  	[sflag:s30] =	ssyncset.done $0x0  }
0x1c: {  	[sflag:s30] =	ssyncadd.s32 $0xFFFFEC00  }
0x1d: {  	_ =	swait.ge [sflag:s21], $0x1400  }
0x1e: {  	[sflag:s21] =	ssyncset.done $0x0  }
0x1f: {  	[sflag:s21] =	ssyncadd.s32 $0xFFFFEC00  }
0x20: {  	_ =	swait.ge [sflag:s1], $0x1400  }
0x21: {  	[sflag:s1] =	ssyncset.done $0x0  }
0x22: {  	[sflag:s1] =	ssyncadd.s32 $0xFFFFEC00  }
0x23: {  	_ =	swait.ge [sflag:s23], $0x1400  }
0x24: {  	[sflag:s23] =	ssyncset.done $0x0  }
0x25: {  	[sflag:s23] =	ssyncadd.s32 $0xFFFFEC00  }
0x26: {  	_ =	swait.ge [sflag:s13], $0x1400  }
0x27: {  	[sflag:s13] =	ssyncset.done $0x0  }
0x28: {  	s0 =	simm.s32 $0x1;
	[sflag:s13] =	ssyncadd.s32 $0xFFFFEC00  }
0x29: {  	_ =	swait.ge [sflag:s0], $0x1400  }
0x2a: {  	s8 =	simm.s32 $0x4E20;
	[sflag:s0] =	ssyncset.done $0x0  }
0x2b: {  	s7 =	simm.s32 $0x4C90;
	s9 =	simm.s32 $0x2;
	[sflag:s0] =	ssyncadd.s32 $0xFFFFEC00  }
0x2c: {  	[spmem:s3] =	stream.indirect.scatter.add.f32 [tilespmem:s8], [sflag:$0xD], $0x40, s7, s17, $0xb8;
	[tilespmem:$0x1DE20] =	vst v63  }
0x2d: {  	_ =	swait.ge [sflag:s9], $0x1400  }
0x2e: {  	[sflag:s9] =	ssyncset.done $0x0  }
0x2f: {  	s10 =	simm.s32 $0x4CE0;
	[sflag:s9] =	ssyncadd.s32 $0xFFFFEC00  }
0x30: {  	[spmem:s3] =	stream.indirect.scatter.add.f32 [tilespmem:s31], [sflag:$0xE], $0x40, s10, s17, $0xb8;
	[tilespmem:$0x1DE20] =	vst v63  }
0x31: {  	_ =	swait.ge [sflag:s24], $0x1400  }
0x32: {  	[sflag:s24] =	ssyncset.done $0x0  }
0x33: {  	s11 =	simm.s32 $0x4D30;
	s9 =	simm.s32 $0x7620;
	[sflag:s24] =	ssyncadd.s32 $0xFFFFEC00  }
0x34: {  	[spmem:s3] =	stream.indirect.scatter.add.f32 [tilespmem:s9], [sflag:$0xF], $0x40, s11, s17, $0xb8;
	[tilespmem:$0x1DE20] =	vst v63  }
0x35: {  	_ =	swait.ge [sflag:s29], $0x1400  }
0x36: {  	[sflag:s29] =	ssyncset.done $0x0  }
0x37: {  	s16 =	simm.s32 $0x4D80;
	[sflag:s29] =	ssyncadd.s32 $0xFFFFEC00  }
0x38: {  	[spmem:s3] =	stream.indirect.scatter.add.f32 [tilespmem:s15], [sflag:$0x10], $0x40, s16, s17, $0xb8;
	[tilespmem:$0x1DE20] =	vst v63  }
0x39: {  	_ =	swait.ge [sflag:s5], $0x1400  }
0x3a: {  	[sflag:s5] =	ssyncset.done $0x0  }
0x3b: {  	s22 =	simm.s32 $0x4DD0;
	[sflag:s5] =	ssyncadd.s32 $0xFFFFEC00  }
0x3c: {  	[spmem:s3] =	stream.indirect.scatter.add.f32 [tilespmem:s26], [sflag:$0x11], $0x40, s22, s17, $0xb8;
	[tilespmem:$0x1DE20] =	vst v63  }
0x3d: {  	_ =	swait.ge [sflag:s14], $0x1400  }
0x3e: {  	[sflag:s14] =	ssyncset.done $0x0  }
0x3f: {  	s15 =	simm.s32 $0xE;
	[sflag:s14] =	ssyncadd.s32 $0xFFFFEC00  }
0x40: {  	_ =	swait.ge [sflag:s15], $0x1400  }
0x41: {  	[sflag:s15] =	ssyncset.done $0x0  }
0x42: {  	s16 =	simm.s32 $0xF;
	[sflag:s15] =	ssyncadd.s32 $0xFFFFEC00  }
0x43: {  	_ =	swait.ge [sflag:s16], $0x1400  }
0x44: {  	[sflag:s16] =	ssyncset.done $0x0  }
0x45: {  	[sflag:s16] =	ssyncadd.s32 $0xFFFFEC00  }
0x46: {  	_ =	swait.ge [sflag:s12], $0x1400  }
0x47: {  	[sflag:s12] =	ssyncset.done $0x0  }
0x48: {  	[sflag:s12] =	ssyncadd.s32 $0xFFFFEC00  }
0x49: {  	_ =	swait.ge [sflag:s18], $0x1400  }
0x4a: {  	[sflag:s18] =	ssyncset.done $0x0  }
0x4b: {  	[sflag:s18] =	ssyncadd.s32 $0xFFFFEC00  }
0x4c: {  	[bflag:$0x0] =	sbarrier.arrive $0xFFFF  }
0x4d: {  	s22 =	rddreg [dreg:$0x5]  }
0x4e: {  	s25 =	rddreg [dreg:$0x9]  }
0x4f: {  	s0 =	simm.s32 $0x19;
	s26 =	rddreg [dreg:$0xb];
	s22 =	sor.u32 $0x1C19, s22  }
0x50: {  	[hbm:s25], [sflag:s22] =	dma.local [spmem:s26], $0x1400  }
0x51: {  	_ =	swait.ge [sflag:s0], $0x1400  }
0x52: {  	s7 =	rddreg [dreg:$0xc]  }
0x53: {  	s25 =	rddreg [dreg:$0xa];
	s7 =	sadd.s32 $0x1, s7  }
0x54: {  	p0 =	sne.s32 s7, s25  }
.Ltmp1:
0x55: {  	_ = 	snop;
	(pc) =	sbr.rel @!p0 .LBB2_5-.Ltmp1, $3  }
0x56: {  	_ =	sdelay $0x1  }
0x57: {  	[sflag:s0] =	ssyncset.done $0x0  }
0x58: {  	s10 =	simm.s32 $0x8A20;
	s11 =	simm.s32 $0x9E20;
	[sflag:s0] =	ssyncadd.s32 $0xFFFFEC00  }
.LBB2_1:
0x59: {  	[dreg:$0xc] =	wrdreg s7  }
0x5a: {  	s22 =	rddreg [dreg:$0x4]  }
0x5b: {  	s25 =	rddreg [dreg:$0x6]  }
0x5c: {  	[spmem:s26], [sflag:s25] =	dma.local [hbm:s22], $0x1400  }
0x5d: {  	s22 =	simm.s32 $0x0;
	s25 =	rddreg [dreg:$0x7]  }
0x5e: {  	[tilespmem:s22], [sflag:$0xE] =	stream.linear.gather [hbm4b:s25+s22], $0x2710, $0x38;
	[tilespmem:$0x1DE20] =	vst v63  }
0x5f: {  	s7 =	simm.s32 $0x2710;
	s0 =	rddreg [dreg:$0x8]  }
0x60: {  	[tilespmem:s7], [sflag:$0xF] =	stream.linear.gather [hbm4b:s0+s22], $0x2710, $0x38;
	[tilespmem:$0x1DE20] =	vst v63  }
0x61: {  	_ =	swait.ge [sflag:s14], $0x1400  }
0x62: {  	[sflag:s14] =	ssyncset.done $0x0  }
0x63: {  	[sflag:s14] =	ssyncadd.s32 $0xFFFFEC00  }
0x64: {  	_ =	swait.ge [sflag:s15], $0x2710  }
0x65: {  	[sflag:s15] =	ssyncset.done $0x0  }
0x66: {  	[sflag:s15] =	ssyncadd.s32 $0xFFFFD8F0  }
0x67: {  	_ =	swait.ge [sflag:s16], $0x2710  }
0x68: {  	[sflag:s16] =	ssyncset.done $0x0  }
0x69: {  	[sflag:s16] =	ssyncadd.s32 $0xFFFFD8F0  }
0x6a: {  	[bflag:$0x0] =	sbarrier.arrive $0xFFFF  }
0x6b: {  	[tilespmem:s8], [sflag:$0x1] =	stream.indirect.gather [hbm4b:s2+s17], $0x40, s22, s17, $0xb8;
	[tilespmem:$0x1DE20] =	vst v63  }
0x6c: {  	_ = 	snop  }
0x6d: {  	[tilespmem:s31], [sflag:$0x2] =	stream.indirect.gather [hbm4b:s2+s17], $0x40, s17, s17, $0xb8;
	[tilespmem:$0x1DE20] =	vst v63  }
0x6e: {  	s8 =	simm.s32 $0xA0  }
0x6f: {  	[tilespmem:s9], [sflag:$0x3] =	stream.indirect.gather [hbm4b:s2+s17], $0x40, s8, s17, $0xb8;
	[tilespmem:$0x1DE20] =	vst v63  }
0x70: {  	s9 =	simm.s32 $0xF0  }
0x71: {  	[tilespmem:s10], [sflag:$0x4] =	stream.indirect.gather [hbm4b:s2+s17], $0x40, s9, s17, $0xb8;
	[tilespmem:$0x1DE20] =	vst v63  }
0x72: {  	s10 =	simm.s32 $0x140  }
0x73: {  	[tilespmem:s11], [sflag:$0x5] =	stream.indirect.gather [hbm4b:s2+s17], $0x40, s10, s17, $0xb8;
	[tilespmem:$0x1DE20] =	vst v63  }
0x74: {  	s7 =	simm.s32 $0xB220;
	s11 =	simm.s32 $0x190  }
0x75: {  	[tilespmem:s7], [sflag:$0x6] =	stream.indirect.gather [hbm4b:s2+s17], $0x40, s11, s17, $0xb8;
	[tilespmem:$0x1DE20] =	vst v63  }
0x76: {  	s15 =	simm.s32 $0x1E0;
	s8 =	simm.s32 $0xC620  }
0x77: {  	[tilespmem:s8], [sflag:$0x7] =	stream.indirect.gather [hbm4b:s2+s17], $0x40, s15, s17, $0xb8;
	[tilespmem:$0x1DE20] =	vst v63  }
0x78: {  	s16 =	simm.s32 $0x230;
	s9 =	simm.s32 $0xDA20  }
0x79: {  	[tilespmem:s9], [sflag:$0x8] =	stream.indirect.gather [hbm4b:s2+s17], $0x40, s16, s17, $0xb8;
	[tilespmem:$0x1DE20] =	vst v63  }
0x7a: {  	s22 =	simm.s32 $0x280;
	s10 =	simm.s32 $0xEE20  }
0x7b: {  	[tilespmem:s10], [sflag:$0x9] =	stream.indirect.gather [hbm4b:s2+s17], $0x40, s22, s17, $0xb8;
	[tilespmem:$0x1DE20] =	vst v63  }
0x7c: {  	s25 =	simm.s32 $0x2D0;
	s0 =	simm.s32 $0x10220  }
0x7d: {  	[tilespmem:s0], [sflag:$0xA] =	stream.indirect.gather [hbm4b:s2+s17], $0x40, s25, s17, $0xb8;
	[tilespmem:$0x1DE20] =	vst v63  }
0x7e: {  	s26 =	simm.s32 $0x320;
	s11 =	simm.s32 $0x11620  }
0x7f: {  	[tilespmem:s11], [sflag:$0xB] =	stream.indirect.gather [hbm4b:s2+s17], $0x40, s26, s17, $0xb8;
	[tilespmem:$0x1DE20] =	vst v63  }
0x80: {  	s31 =	simm.s32 $0x370;
	s25 =	simm.s32 $0x0  }
0x81: {  	[tilespmem:s20], [sflag:$0xC] =	stream.indirect.gather [hbm4b:s2+s17], $0x40, s31, s17, $0xb8;
	[tilespmem:$0x1DE20] =	vst v63  }
.LBB2_2:
0x82: {  	s14 =	simm.s32 $0x1  }
0x83: {  	_ =	swait.ge [sflag:s14], $0x1400  }
0x84: {  	s22 =	sshra.s32 s25, $0x2;
	[sflag:s14] =	ssyncset.done $0x0  }
0x85: {  	s31 =	simm.s32 $0x4E20;
	s26 =	sadd.s32 $0x2710, s22;
	[sflag:s14] =	ssyncadd.s32 $0xFFFFEC00  }
0x86: {  	[spmem:s3] =	stream.indirect.scatter.add.f32 [tilespmem:s31], [sflag:$0xD], $0x40, s26, s17, $0xb8;
	[tilespmem:$0x1DE20] =	vst v63  }
0x87: {  	s26 =	simm.s32 $0x2  }
0x88: {  	_ =	swait.ge [sflag:s26], $0x1400  }
0x89: {  	[sflag:s26] =	ssyncset.done $0x0  }
0x8a: {  	s15 =	simm.s32 $0x6220;
	s14 =	sadd.s32 $0x2760, s22;
	[sflag:s26] =	ssyncadd.s32 $0xFFFFEC00  }
0x8b: {  	[spmem:s3] =	stream.indirect.scatter.add.f32 [tilespmem:s15], [sflag:$0xE], $0x40, s14, s17, $0xb8;
	[tilespmem:$0x1DE20] =	vst v63  }
0x8c: {  	_ =	swait.ge [sflag:s24], $0x1400  }
0x8d: {  	[sflag:s24] =	ssyncset.done $0x0  }
0x8e: {  	s16 =	sadd.s32 $0x27B0, s22;
	s15 =	simm.s32 $0x7620;
	[sflag:s24] =	ssyncadd.s32 $0xFFFFEC00  }
0x8f: {  	[spmem:s3] =	stream.indirect.scatter.add.f32 [tilespmem:s15], [sflag:$0xF], $0x40, s16, s17, $0xb8;
	[tilespmem:$0x1DE20] =	vst v63  }
0x90: {  	_ =	swait.ge [sflag:s29], $0x1400  }
0x91: {  	[sflag:s29] =	ssyncset.done $0x0  }
0x92: {  	s14 =	sadd.s32 $0x2800, s22;
	s16 =	simm.s32 $0x8A20;
	[sflag:s29] =	ssyncadd.s32 $0xFFFFEC00  }
0x93: {  	[spmem:s3] =	stream.indirect.scatter.add.f32 [tilespmem:s16], [sflag:$0x10], $0x40, s14, s17, $0xb8;
	[tilespmem:$0x1DE20] =	vst v63  }
0x94: {  	_ =	swait.ge [sflag:s5], $0x1400  }
0x95: {  	s26 =	simm.s32 $0x6;
	[sflag:s5] =	ssyncset.done $0x0  }
0x96: {  	s14 =	sadd.s32 $0x2850, s22;
	s16 =	simm.s32 $0x9E20;
	[sflag:s5] =	ssyncadd.s32 $0xFFFFEC00  }
0x97: {  	[spmem:s3] =	stream.indirect.scatter.add.f32 [tilespmem:s16], [sflag:$0x11], $0x40, s14, s17, $0xb8;
	[tilespmem:$0x1DE20] =	vst v63  }
0x98: {  	_ =	swait.ge [sflag:s26], $0x1400  }
0x99: {  	[sflag:s26] =	ssyncset.done $0x0  }
0x9a: {  	s14 =	sadd.s32 $0x28A0, s22;
	[sflag:s26] =	ssyncadd.s32 $0xFFFFEC00;
	s26 =	simm.s32 $0x7  }
0x9b: {  	[spmem:s3] =	stream.indirect.scatter.add.f32 [tilespmem:s7], [sflag:$0x12], $0x40, s14, s17, $0xb8;
	[tilespmem:$0x1DE20] =	vst v63  }
0x9c: {  	_ =	swait.ge [sflag:s26], $0x1400  }
0x9d: {  	[sflag:s26] =	ssyncset.done $0x0  }
0x9e: {  	s14 =	sadd.s32 $0x28F0, s22;
	[sflag:s26] =	ssyncadd.s32 $0xFFFFEC00;
	s26 =	simm.s32 $0x8  }
0x9f: {  	[spmem:s3] =	stream.indirect.scatter.add.f32 [tilespmem:s8], [sflag:$0x13], $0x40, s14, s17, $0xb8;
	[tilespmem:$0x1DE20] =	vst v63  }
0xa0: {  	_ =	swait.ge [sflag:s26], $0x1400  }
0xa1: {  	[sflag:s26] =	ssyncset.done $0x0  }
0xa2: {  	s14 =	sadd.s32 $0x2940, s22;
	[sflag:s26] =	ssyncadd.s32 $0xFFFFEC00;
	s26 =	simm.s32 $0x9  }
0xa3: {  	[spmem:s3] =	stream.indirect.scatter.add.f32 [tilespmem:s9], [sflag:$0x14], $0x40, s14, s17, $0xb8;
	[tilespmem:$0x1DE20] =	vst v63  }
0xa4: {  	_ =	swait.ge [sflag:s26], $0x1400  }
0xa5: {  	[sflag:s26] =	ssyncset.done $0x0  }
0xa6: {  	s14 =	sadd.s32 $0x2990, s22;
	[sflag:s26] =	ssyncadd.s32 $0xFFFFEC00;
	s26 =	simm.s32 $0xA  }
0xa7: {  	[spmem:s3] =	stream.indirect.scatter.add.f32 [tilespmem:s10], [sflag:$0x15], $0x40, s14, s17, $0xb8;
	[tilespmem:$0x1DE20] =	vst v63  }
0xa8: {  	_ =	swait.ge [sflag:s26], $0x1400  }
0xa9: {  	[sflag:s26] =	ssyncset.done $0x0  }
0xaa: {  	s14 =	sadd.s32 $0x29E0, s22;
	[sflag:s26] =	ssyncadd.s32 $0xFFFFEC00  }
0xab: {  	[spmem:s3] =	stream.indirect.scatter.add.f32 [tilespmem:s0], [sflag:$0x16], $0x40, s14, s17, $0xb8;
	[tilespmem:$0x1DE20] =	vst v63  }
0xac: {  	_ =	swait.ge [sflag:s6], $0x1400  }
0xad: {  	[sflag:s6] =	ssyncset.done $0x0  }
0xae: {  	s14 =	sadd.s32 $0x2A30, s22;
	[sflag:s6] =	ssyncadd.s32 $0xFFFFEC00  }
0xaf: {  	[spmem:s3] =	stream.indirect.scatter.add.f32 [tilespmem:s11], [sflag:$0x17], $0x40, s14, s17, $0xb8;
	[tilespmem:$0x1DE20] =	vst v63  }
0xb0: {  	_ =	swait.ge [sflag:s4], $0x1400  }
0xb1: {  	[sflag:s4] =	ssyncset.done $0x0  }
0xb2: {  	s14 =	sadd.s32 $0x2A80, s22;
	[sflag:s4] =	ssyncadd.s32 $0xFFFFEC00  }
0xb3: {  	[spmem:s3] =	stream.indirect.scatter.add.f32 [tilespmem:s20], [sflag:$0x18], $0x40, s14, s17, $0xb8;
	[tilespmem:$0x1DE20] =	vst v63  }
0xb4: {  	s14 =	simm.s32 $0xD  }
0xb5: {  	_ =	swait.ge [sflag:s14], $0x1400  }
0xb6: {  	[sflag:s14] =	ssyncset.done $0x0  }
0xb7: {  	s26 =	sadd.s32 $0x3C0, s22;
	[sflag:s14] =	ssyncadd.s32 $0xFFFFEC00  }
0xb8: {  	[tilespmem:s31], [sflag:$0x1] =	stream.indirect.gather [hbm4b:s2+s17], $0x40, s26, s17, $0xb8;
	[tilespmem:$0x1DE20] =	vst v63  }
0xb9: {  	s26 =	simm.s32 $0xE  }
0xba: {  	_ =	swait.ge [sflag:s26], $0x1400  }
0xbb: {  	[sflag:s26] =	ssyncset.done $0x0  }
0xbc: {  	s31 =	simm.s32 $0x6220;
	[sflag:s26] =	ssyncadd.s32 $0xFFFFEC00;
	s26 =	sadd.s32 $0x410, s22  }
0xbd: {  	[tilespmem:s31], [sflag:$0x2] =	stream.indirect.gather [hbm4b:s2+s17], $0x40, s26, s17, $0xb8;
	[tilespmem:$0x1DE20] =	vst v63  }
0xbe: {  	s26 =	simm.s32 $0xF  }
0xbf: {  	_ =	swait.ge [sflag:s26], $0x1400  }
0xc0: {  	[sflag:s26] =	ssyncset.done $0x0  }
0xc1: {  	[sflag:s26] =	ssyncadd.s32 $0xFFFFEC00;
	s26 =	sadd.s32 $0x460, s22  }
0xc2: {  	[tilespmem:s15], [sflag:$0x3] =	stream.indirect.gather [hbm4b:s2+s17], $0x40, s26, s17, $0xb8;
	[tilespmem:$0x1DE20] =	vst v63  }
0xc3: {  	_ =	swait.ge [sflag:s12], $0x1400  }
0xc4: {  	[sflag:s12] =	ssyncset.done $0x0  }
0xc5: {  	s15 =	simm.s32 $0x8A20;
	s26 =	sadd.s32 $0x4B0, s22;
	[sflag:s12] =	ssyncadd.s32 $0xFFFFEC00  }
0xc6: {  	[tilespmem:s15], [sflag:$0x4] =	stream.indirect.gather [hbm4b:s2+s17], $0x40, s26, s17, $0xb8;
	[tilespmem:$0x1DE20] =	vst v63  }
0xc7: {  	_ =	swait.ge [sflag:s18], $0x1400  }
0xc8: {  	p0 =	seq.s32 s25, $0x8700;
	[sflag:s18] =	ssyncset.done $0x0  }
.Ltmp2:
0xc9: {  	s26 =	sadd.s32 $0x500, s22;
	[sflag:s18] =	ssyncadd.s32 $0xFFFFEC00;
	(pc) =	sbr.rel @p0 .LBB2_4-.Ltmp2, $4  }
0xca: {  	[tilespmem:s16], [sflag:$0x5] =	stream.indirect.gather [hbm4b:s2+s17], $0x40, s26, s17, $0xb8;
	[tilespmem:$0x1DE20] =	vst v63  }
0xcb: {  	_ =	swait.ge [sflag:s28], $0x1400  }
0xcc: {  	[sflag:s28] =	ssyncset.done $0x0  }
0xcd: {  	s26 =	simm.s32 $0x9E20;
	[sflag:s28] =	ssyncadd.s32 $0xFFFFEC00  }
0xce: {  	s26 =	sadd.s32 $0x550, s22  }
0xcf: {  	[tilespmem:s7], [sflag:$0x6] =	stream.indirect.gather [hbm4b:s2+s17], $0x40, s26, s17, $0xb8;
	[tilespmem:$0x1DE20] =	vst v63  }
0xd0: {  	_ =	swait.ge [sflag:s19], $0x1400  }
0xd1: {  	[sflag:s19] =	ssyncset.done $0x0  }
0xd2: {  	s16 =	sadd.s32 $0x5A0, s22;
	[sflag:s19] =	ssyncadd.s32 $0xFFFFEC00  }
0xd3: {  	[tilespmem:s8], [sflag:$0x7] =	stream.indirect.gather [hbm4b:s2+s17], $0x40, s16, s17, $0xb8;
	[tilespmem:$0x1DE20] =	vst v63  }
0xd4: {  	_ =	swait.ge [sflag:s30], $0x1400  }
0xd5: {  	[sflag:s30] =	ssyncset.done $0x0  }
0xd6: {  	s31 =	sadd.s32 $0x5F0, s22;
	[sflag:s30] =	ssyncadd.s32 $0xFFFFEC00  }
0xd7: {  	[tilespmem:s9], [sflag:$0x8] =	stream.indirect.gather [hbm4b:s2+s17], $0x40, s31, s17, $0xb8;
	[tilespmem:$0x1DE20] =	vst v63  }
0xd8: {  	_ =	swait.ge [sflag:s21], $0x1400  }
0xd9: {  	[sflag:s21] =	ssyncset.done $0x0  }
0xda: {  	s14 =	sadd.s32 $0x640, s22;
	[sflag:s21] =	ssyncadd.s32 $0xFFFFEC00  }
0xdb: {  	[tilespmem:s10], [sflag:$0x9] =	stream.indirect.gather [hbm4b:s2+s17], $0x40, s14, s17, $0xb8;
	[tilespmem:$0x1DE20] =	vst v63  }
0xdc: {  	_ =	swait.ge [sflag:s1], $0x1400  }
0xdd: {  	[sflag:s1] =	ssyncset.done $0x0  }
0xde: {  	s15 =	sadd.s32 $0x690, s22;
	[sflag:s1] =	ssyncadd.s32 $0xFFFFEC00  }
0xdf: {  	[tilespmem:s0], [sflag:$0xA] =	stream.indirect.gather [hbm4b:s2+s17], $0x40, s15, s17, $0xb8;
	[tilespmem:$0x1DE20] =	vst v63  }
0xe0: {  	_ =	swait.ge [sflag:s23], $0x1400  }
0xe1: {  	[sflag:s23] =	ssyncset.done $0x0  }
0xe2: {  	s16 =	sadd.s32 $0x6E0, s22;
	[sflag:s23] =	ssyncadd.s32 $0xFFFFEC00  }
0xe3: {  	[tilespmem:s11], [sflag:$0xB] =	stream.indirect.gather [hbm4b:s2+s17], $0x40, s16, s17, $0xb8;
	[tilespmem:$0x1DE20] =	vst v63  }
.Ltmp3:
0xe4: {  	_ = 	snop;
	(pc) =	sbr.rel .LBB2_2-.Ltmp3, $4  }
0xe5: {  	_ =	swait.ge [sflag:s13], $0x1400  }
0xe6: {  	[sflag:s13] =	ssyncset.done $0x0  }
0xe7: {  	s25 =	sadd.s32 $0xF00, s25;
	s31 =	sadd.s32 $0x730, s22;
	[sflag:s13] =	ssyncadd.s32 $0xFFFFEC00  }
0xe8: {  	[tilespmem:s20], [sflag:$0xC] =	stream.indirect.gather [hbm4b:s2+s17], $0x40, s31, s17, $0xb8;
	[tilespmem:$0x1DE20] =	vst v63  }
.LBB2_5:
0xe9: {  	_ =	sfence.sel $0x180000  }
0xea: {  	[bflag:$0x0] =	sbarrier.arrive $0xFFFF  }
0xeb: {  	_ =	strace $0x9000004A  }
0xec: {  	s0 =	stileid.u32;
	[bflag:$0x2] =	sbarrier.arrive $0xFFFF  }
0xed: {  	p0 =	sne.s32 s0, $0x0;
	s0 =	rddreg [dreg:$0x3]  }
0xee: {  	s0 =	sadd.s32 @!p0 $0x100000, s0  }
0xef: {  	[sflag:s0] =	ssyncadd.tile.s32 @!p0 $0x1;
	_ =	shalt  }
.Lfunc_end2:
_tile_overlayer_lowered:
.L_overlay_start_2:
0xf0: {  	(tag) =	ssettag $0x2  }
0xf1: {  	s0 =	rddreg [dreg:$0x0];
	s2 =	stileid.u32  }
0xf2: {  	s1 =	rddreg [dreg:$0x1];
	p0 =	sne.s32 s2, $0x0  }
0xf3: {  	s3 =	rddreg [dreg:$0x2];
	[bflag:$0x3] =	sbarrier.arrive $0xFFFF;
	s2 =	simm.s32 @!p0 $0x1C19  }
0xf4: {  	[timem:s3], [sflag:s2] =	dma.local @!p0 [hbm:s0], s1  }
0xf5: {  	s0 =	simm.s32 @!p0 $0x19  }
0xf6: {  	_ =	swait.ge @!p0 [sflag:s0], s1  }
0xf7: {  	s1 =	ssub.s32 @!p0 $0x0, s1;
	[sflag:s0] =	ssyncset.done @!p0 $0x0  }
0xf8: {  	[sflag:s0] =	ssyncadd.s32 @!p0 s1  }
0xf9: {  	[bflag:$0x3] =	sbarrier.arrive $0xFFFF  }
0xfa: {  	_ =	shalt  }

// kernel: kernel.7.cloned.1.call-start
scs
__scs_entry_jumppad:
0x0: {  	(pc) =	sbr.rel $0x88, $3  }
0x1: {  	(tag) =	ssettag $0x0;
	lr =	simm.s32 $0x1  }
0x2: {  	[smem:$0x3F95] =	sst lr;
	_ =	strace $0xD0000000  }
0x3: {  	_ = 	snop  }
0x4: {  	_ = 	snop  }
0x5: {  	_ = 	snop  }
0x6: {  	_ = 	snop  }
0x7: {  	_ = 	snop  }
__scs_overlays_trampoline_lowered:
0x8: {  	[smem:$0x3FA4] =	sst s0  }
0x9: {  	[smem:$0x3FA5] =	sst s1  }
0xa: {  	[smem:$0x3FA6] =	sst s2  }
0xb: {  	[smem:$0x3FA7] =	sst s3  }
0xc: {  	[smem:$0x3FA8] =	sst s4  }
0xd: {  	[smem:$0x3FA9] =	sst s5  }
0xe: {  	[smem:$0x3FAA] =	sst s6  }
0xf: {  	[smem:$0x3FAB] =	sst s7  }
0x10: {  	[smem:$0x3FAC] =	sst s8  }
0x11: {  	[smem:$0x3FAD] =	sst s9;
	s0 =	simm.s32 @!p0 $0x0  }
0x12: {  	s1 =	sld [smem:$0x3F93];
	s0 =	simm.s32 @p0 $0x1  }
0x13: {  	[smem:$0x3FAE] =	sst s0;
	s0 =	simm.s32 @!p1 $0x0  }
0x14: {  	s2 =	sld [smem:$0x3F92];
	s0 =	simm.s32 @p1 $0x1  }
0x15: {  	[smem:$0x3FAF] =	sst s0;
	s0 =	simm.s32 @!p2 $0x0  }
0x16: {  	s3 =	sld [smem:$0x3FDB];
	s0 =	simm.s32 @p2 $0x1  }
0x17: {  	s4 =	simm.s32 $0x1BF5;
	[smem:$0x3FB1] =	sst s0  }
0x18: {  	s0 =	sld [smem:$0x3F94];
	_ =	swait.ge [sflag:s4], $0x0  }
0x19: {  	s7 =	sld [smem:$0x3F95]  }
0x1a: {  	s8 =	sadd.s32 $0xFFFFE003, lr  }
0x1b: {  	s9 =	sadd.s32 $0xFFFFFEF7, lr;
	s5 =	simm.s32 $0xFFFFFFFF;
	p2 =	slt.u32 s8, $0xFFFFF086  }
0x1c: {  	p1 =	slt.u32 s9, $0xF7A;
	s5 =	simm.s32 @!p2 $0x0  }
0x1d: {  	s5 =	simm.s32 @p1 $0x1;
	p0 =	seq.s32 s7, s2  }
0x1e: {  	s7 =	smul.u32 @!p0 $0xF7A, s2;
	p2 =	seq.s32 @!p0 s5, $0x0  }
0x1f: {  	s9 =	smul.u32 $0xF7A, s1;
	s8 =	simm.s32 @!p0 $0x1BF5;
	p2 =	por !p2, p0  }
0x20: {  	[sflag:s8] =	ssyncset.s32 @!p0 $0xFFFFF086;
	s6 =	sadd.s32 @!p0 s3, s7;
	s7 =	simm.s32 @!p0 $0x108  }
0x21: {  	s3 =	sadd.s32 s3, s9;
	s6 =	sadd.s32 @!p0 $0x88, s6;
	s7 =	simm.s32 @p2 $0x1082  }
0x22: {  	[simem:s7], [sflag:s8] =	dma.local @!p0 [hbm:s6], $0xF7A  }
0x23: {  	s9 =	sor.u32 $0xD0000000, s2;
	s6 =	simm.s32 $0x108;
	_ =	swait.ge @!p0 [sflag:s8], $0x0  }
0x24: {  	s3 =	sadd.s32 $0x88, s3;
	s6 =	simm.s32 @!p1 $0x1082;
	[sflag:s4] =	ssyncset.s32 $0xFFFFF086  }
0x25: {  	[simem:s6], [sflag:s4] =	dma.local [hbm:s3], $0xF7A  }
0x26: {  	[smem:$0x3F95] =	sst s1;
	(tag) =	ssettag s2;
	_ =	strace s9  }
0x27: {  	s1 =	sld [smem:$0x3FA5]  }
0x28: {  	s2 =	sld [smem:$0x3FA6]  }
0x29: {  	s4 =	sld [smem:$0x3FA8]  }
0x2a: {  	p0 =	seq.s32 s5, $0x0;
	s5 =	sld [smem:$0x3FA9]  }
0x2b: {  	s6 =	sld [smem:$0x3FAA]  }
0x2c: {  	s7 =	sld [smem:$0x3FAB]  }
0x2d: {  	s3 =	simm.s32 $0x108;
	s8 =	sld [smem:$0x3FAC]  }
0x2e: {  	s3 =	simm.s32 @!p0 $0x1082;
	s9 =	sld [smem:$0x3FAD]  }
0x2f: {  	lr =	sadd.s32 s0, s3;
	s0 =	sld [smem:$0x3FA4]  }
0x30: {  	s3 =	sld [smem:$0x3FA7]  }
0x31: {  	[smem:$0x3FB0] =	sst s10  }
0x32: {  	s10 =	sld [smem:$0x3FAE];
	_ =	sdelay $0x3  }
0x33: {  	p0 =	seq.s32 s10, $0x1;
	s10 =	sld [smem:$0x3FB0];
	_ =	sdelay $0x3  }
0x34: {  	[smem:$0x3FB0] =	sst s10  }
0x35: {  	s10 =	sld [smem:$0x3FAF];
	_ =	sdelay $0x3  }
0x36: {  	p1 =	seq.s32 s10, $0x1;
	s10 =	sld [smem:$0x3FB0];
	_ =	sdelay $0x3  }
0x37: {  	[smem:$0x3FB0] =	sst s10  }
0x38: {  	s10 =	sld [smem:$0x3FB1]  }
0x39: {  	_ = 	snop;
	(pc) =	sbr.ind lr, $3  }
0x3a: {  	_ = 	snop  }
0x3b: {  	_ = 	snop  }
0x3c: {  	p2 =	seq.s32 s10, $0x1;
	s10 =	sld [smem:$0x3FB0]  }
0x3d: {  	_ =	shalt  }
0x3e: {  	_ =	shalt  }
0x3f: {  	_ =	shalt  }
0x40: {  	_ =	shalt  }
0x41: {  	_ =	shalt  }
0x42: {  	_ =	shalt  }
0x43: {  	_ =	shalt  }
0x44: {  	_ =	shalt  }
0x45: {  	_ =	shalt  }
0x46: {  	_ =	shalt  }
0x47: {  	_ =	shalt  }
0x48: {  	_ =	shalt  }
0x49: {  	_ =	shalt  }
0x4a: {  	_ =	shalt  }
0x4b: {  	_ =	shalt  }
0x4c: {  	_ =	shalt  }
0x4d: {  	_ =	shalt  }
0x4e: {  	_ =	shalt  }
0x4f: {  	_ =	shalt  }
0x50: {  	_ =	shalt  }
0x51: {  	_ =	shalt  }
0x52: {  	_ =	shalt  }
0x53: {  	_ =	shalt  }
0x54: {  	_ =	shalt  }
0x55: {  	_ =	shalt  }
0x56: {  	_ =	shalt  }
0x57: {  	_ =	shalt  }
0x58: {  	_ =	shalt  }
0x59: {  	_ =	shalt  }
0x5a: {  	_ =	shalt  }
0x5b: {  	_ =	shalt  }
0x5c: {  	_ =	shalt  }
0x5d: {  	_ =	shalt  }
0x5e: {  	_ =	shalt  }
0x5f: {  	_ =	shalt  }
0x60: {  	_ =	shalt  }
0x61: {  	_ =	shalt  }
0x62: {  	_ =	shalt  }
0x63: {  	_ =	shalt  }
0x64: {  	_ =	shalt  }
0x65: {  	_ =	shalt  }
0x66: {  	_ =	shalt  }
0x67: {  	_ =	shalt  }
0x68: {  	_ =	shalt  }
0x69: {  	_ =	shalt  }
0x6a: {  	_ =	shalt  }
0x6b: {  	_ =	shalt  }
0x6c: {  	_ =	shalt  }
0x6d: {  	_ =	shalt  }
0x6e: {  	_ =	shalt  }
0x6f: {  	_ =	shalt  }
0x70: {  	_ =	shalt  }
0x71: {  	_ =	shalt  }
0x72: {  	_ =	shalt  }
0x73: {  	_ =	shalt  }
0x74: {  	_ =	shalt  }
0x75: {  	_ =	shalt  }
0x76: {  	_ =	shalt  }
0x77: {  	_ =	shalt  }
0x78: {  	_ =	shalt  }
0x79: {  	_ =	shalt  }
0x7a: {  	_ =	shalt  }
0x7b: {  	_ =	shalt  }
0x7c: {  	_ =	shalt  }
0x7d: {  	_ =	shalt  }
0x7e: {  	_ =	shalt  }
0x7f: {  	_ =	shalt  }
0x80: {  	_ =	shalt  }
0x81: {  	_ =	shalt  }
0x82: {  	_ =	shalt  }
0x83: {  	_ =	shalt  }
0x84: {  	_ =	shalt  }
0x85: {  	_ =	shalt  }
0x86: {  	_ =	shalt  }
0x87: {  	_ =	shalt  }
.Lfunc_end0:
.L_simem_size_0:
called_computation_lowered:
.L_overlay_start_0:
0x88: {  	s2 =	sld [smem:$0x3FD9]  }
0x89: {  	s3 =	sld [smem:$0x3FFE];
	_ =	sdelay $0x1  }
0x8a: {  	s1 =	srdreg.scid  }
0x8b: {  	s0 =	sand.u32 $0x1, s1  }
0x8c: {  	s14 =	sshll.u32 s0, $0xA;
	s2 =	sadd.s32 s3, s2  }
0x8d: {  	s2 =	sadd.s32 s2, s14  }
0x8e: {  	[smem:$0x3FBC] =	sst s2  }
0x8f: {  	_ = 	snop  }
0x90: {  	s2 =	sld [smem:$0x3FD0];
	_ =	sdelay $0x2  }
0x91: {  	s15 =	simm.s32 $0xA;
	s4 =	simm.s32 $0x10  }
0x92: {  	[smem:s4], [sflag:s15] =	dma.local [hbm:s2], $0x1  }
0x93: {  	_ =	swait.eq [sflag:s15], $0x1  }
0x94: {  	[sflag:s15] =	ssyncset.done $0x0  }
0x95: {  	[sflag:s15] =	ssyncadd.s32 $0xFFFFFFFF  }
0x96: {  	s16 =	sld [smem:$0x11];
	(tm) =	ssettm $0x1  }
0x97: {  	s17 =	sld [smem:$0x3FFB];
	_ =	sdelay $0x3  }
0x98: {  	_ =	strace s17  }
0x99: {  	s3 =	sld [smem:$0x3FFC];
	_ =	sdelay $0x3  }
0x9a: {  	_ =	strace s3  }
0x9b: {  	s3 =	sld [smem:$0x3FFD];
	_ =	sdelay $0x3  }
0x9c: {  	_ =	strace s3  }
0x9d: {  	_ =	strace $0x8FFFFFFF  }
0x9e: {  	s18 =	sld [smem:$0x3FDB];
	_ =	sdelay $0x1  }
0x9f: {  	s19 =	simm.s32 $_scs_section_size  }
0xa0: {  	s5 =	simm.s32 $_size__tile_overlayer_lowered;
	s6 =	simm.s32 $_tile_overlayer_lowered  }
0xa1: {  	s22 =	simm.s32 $0x1BFF;
	s21 =	sshll.u32 s6, $0x1;
	s3 =	sadd.s32 s19, s18  }
0xa2: {  	s7 =	simm.s32 $0x0;
	s20 =	sshll.u32 s5, $0x1;
	s5 =	sadd.s32 s21, s3  }
0xa3: {  	[timem:s7], [sflag:s22] =	dma.local [hbm:s5], s20  }
0xa4: {  	_ =	swait.ge [sflag:s22], s20  }
0xa5: {  	s4 =	ssub.s32 $0x0, s20;
	[sflag:s22] =	ssyncset.done $0x0  }
0xa6: {  	[sflag:s22] =	ssyncadd.s32 s4;
	_ =	sdelay $0x1  }
0xa7: {  	s23 =	simm.s32 $0x1B8B  }
0xa8: {  	_ =	swait.ge [sflag:s23], $0x1  }
0xa9: {  	[sflag:s23] =	ssyncset.done $0x0  }
0xaa: {  	s25 =	simm.s32 $0x1B8E;
	s24 =	sld [smem:$0x3FFE];
	[sflag:s23] =	ssyncadd.s32 $0xFFFFFFFF  }
0xab: {  	s26 =	simm.s32 $execute0_lowered;
	[smem:$0x3FD2] =	sst s25  }
0xac: {  	s5 =	sshll.u32 s26, $0x1;
	_ =	strace $0x80000046;
	[dreg:$0x1] =	wrdreg $0xFFFFFFFF  }
0xad: {  	s28 =	simm.s32 $_size_execute0_lowered;
	s3 =	sadd.s32 s3, s5;
	[dreg:$0x0] =	wrdreg $0x0  }
0xae: {  	s5 =	sshll.u32 s28, $0x1;
	[dreg:$0x2] =	wrdreg s3  }
0xaf: {  	[dreg:$0x3] =	wrdreg s5  }
0xb0: {  	[dreg:$0x4] =	wrdreg $0xC0  }
0xb1: {  	_ =	task [dreg:s7], $0x5FFFF  }
0xb2: {  	[dreg:$0x1] =	wrdreg $0xFFFFFFFF  }
0xb3: {  	[dreg:$0x0] =	wrdreg $0x60  }
0xb4: {  	[dreg:$0x2] =	wrdreg s16  }
0xb5: {  	[dreg:$0x3] =	wrdreg s24  }
0xb6: {  	[dreg:$0x4] =	wrdreg $0x13E200  }
0xb7: {  	[dreg:$0x5] =	wrdreg $0x9  }
0xb8: {  	_ =	task.clear_ibuf [dreg:s7], $0x6FFFF;
	_ =	strace $0x90000046  }
0xb9: {  	s29 =	simm.s32 $0x9;
	_ =	strace $0x80000048  }
0xba: {  	_ =	swait.ge [sflag:s29], $0x1  }
0xbb: {  	[sflag:s29] =	ssyncadd.s32 $0xFFFFFFFF  }
0xbc: {  	_ =	strace $0x90000048  }
0xbd: {  	_ =	sfence  }
0xbe: {  	s30 =	sld [smem:$0x0];
	_ =	sdelay $0x2  }
0xbf: {  	s31 =	sshll.u32 s1, $0xD;
	s1 =	sshrl.u32 s1, $0x2  }
0xc0: {  	s3 =	sand.u32 $0x4000, s31;
	s1 =	sadd.s32 s1, s30  }
0xc1: {  	s0 =	sor.u32 s3, s0;
	s1 =	sshll.u32 s1, $0x11  }
0xc2: {  	s0 =	sor.u32 s1, s0  }
0xc3: {  	s0 =	sadd.s32 $0x8F2B, s0  }
0xc4: {  	[sflag:s0] =	ssyncadd.remote.s32 $0x1  }
0xc5: {  	_ =	sfence.sel $0xFFFF  }
0xc6: {  	[dreg:$0x0] =	wrdreg $0xFFFFFFFF;
	(pc) =	sbr.abs _section_cstart, $3  }
0xc7: {  	[dreg:$0x1] =	wrdreg $0xFFFFFFFF  }
0xc8: {  	_ =	task.clear_ibuf [dreg:s7], $0x2FFFF;
	_ =	strace $0x9FFFFFFF  }
0xc9: {  	(tm) =	ssettm $0x7FFFFFFF  }
tec
execute0_lowered:
.L_overlay_start_1:
0x0: {  	(tag) =	ssettag $0x1  }
0x1: {  	s0 =	srdreg.scid;
	s2 =	rddreg [dreg:$0x0]  }
0x2: {  	s7 =	stileid.u32;
	s4 =	rddreg [dreg:$0x1]  }
0x3: {  	s3 =	rddreg [dreg:$0x2];
	s8 =	simm.s32 $0x0;
	s14 =	simm.s32 $0xD  }
0x4: {  	s15 =	simm.s32 $0xE;
	s16 =	simm.s32 $0xF;
	s17 =	simm.s32 $0x50  }
0x5: {  	s31 =	simm.s32 $0x6220;
	s9 =	simm.s32 $0x7620;
	s10 =	simm.s32 $0x8A20  }
0x6: {  	s11 =	simm.s32 $0x9E20;
	s29 =	simm.s32 $0x4;
	s12 =	simm.s32 $0x10  }
0x7: {  	s18 =	simm.s32 $0x11;
	s28 =	simm.s32 $0x12;
	s19 =	simm.s32 $0x13  }
0x8: {  	s30 =	simm.s32 $0x14;
	s21 =	simm.s32 $0x15;
	s13 =	simm.s32 $0x18  }
0x9: {  	s20 =	simm.s32 $0x12A20;
	s0 =	sand.u32 $0x1, s0;
	s5 =	smul.u32 $0xA000, s7  }
0xa: {  	[smem:$0x7FF] =	sst s8;
	s22 =	sadd.s32 $0x15000, s4;
	s8 =	simm.s32 $0x4E20  }
0xb: {  	s1 =	sshll.u32 s0, $0x4;
	s6 =	smul.u32 $0xA0000, s0;
	_ =	strace $0x80000047  }
0xc: {  	[dreg:$0x4] =	wrdreg s22;
	s0 =	ssub.s32 $0x2, s0;
	s1 =	sor.u32 s7, s1  }
0xd: {  	s23 =	sshrl.u32 s0, $0x1;
	s7 =	sshll.u32 s7, $0x6;
	s1 =	smul.u32 $0x4E2, s1  }
0xe: {  	s6 =	sadd.s32 s5, s6;
	s0 =	ssub.s32 s0, s23;
	s5 =	sadd.s32 s5, s3  }
0xf: {  	[dreg:$0x5] =	wrdreg s7;
	s24 =	sor.u32 $0x1C0D, s7;
	s23 =	simm.s32 $0x17  }
0x10: {  	s7 =	simm.s32 $0x0;
	s6 =	sshrl.u32 s6, $0x3;
	[dreg:$0x6] =	wrdreg s24  }
0x11: {  	s0 =	smax.u32 s0, $0x1;
	s24 =	simm.s32 $0x3;
	s1 =	sadd.s32 s1, s4  }
.Ltmp0:
0x12: {  	[dreg:$0xa] =	wrdreg s0;
	s25 =	sadd.s32 $0xB200, s1;
	(pc) =	sbr.rel .LBB2_1-.Ltmp0, $4  }
0x13: {  	s4 =	sadd.s32 s6, s4;
	s1 =	sadd.s32 $0x1400, s1;
	[dreg:$0x7] =	wrdreg s25  }
0x14: {  	s6 =	simm.s32 $0xB;
	s26 =	sadd.s32 $0x16400, s4;
	[dreg:$0x8] =	wrdreg s1  }
0x15: {  	s4 =	simm.s32 $0xC;
	[dreg:$0x9] =	wrdreg s26;
	s26 =	sshrl.u32 s5, $0x3  }
0x16: {  	s5 =	simm.s32 $0x5;
	s1 =	simm.s32 $0x16;
	[dreg:$0xb] =	wrdreg s26  }
.LBB2_4:
0x17: {  	_ =	swait.ge [sflag:s19], $0x1400  }
0x18: {  	[sflag:s19] =	ssyncset.done $0x0  }
0x19: {  	[sflag:s19] =	ssyncadd.s32 $0xFFFFEC00  }
0x1a: {  	_ =	swait.ge [sflag:s30], $0x1400  }
0x1b: {  	[sflag:s30] =	ssyncset.done $0x0  }
0x1c: {  	[sflag:s30] =	ssyncadd.s32 $0xFFFFEC00  }
0x1d: {  	_ =	swait.ge [sflag:s21], $0x1400  }
0x1e: {  	[sflag:s21] =	ssyncset.done $0x0  }
0x1f: {  	[sflag:s21] =	ssyncadd.s32 $0xFFFFEC00  }
0x20: {  	_ =	swait.ge [sflag:s1], $0x1400  }
0x21: {  	[sflag:s1] =	ssyncset.done $0x0  }
0x22: {  	[sflag:s1] =	ssyncadd.s32 $0xFFFFEC00  }
0x23: {  	_ =	swait.ge [sflag:s23], $0x1400  }
0x24: {  	[sflag:s23] =	ssyncset.done $0x0  }
0x25: {  	[sflag:s23] =	ssyncadd.s32 $0xFFFFEC00  }
0x26: {  	_ =	swait.ge [sflag:s13], $0x1400  }
0x27: {  	[sflag:s13] =	ssyncset.done $0x0  }
0x28: {  	s0 =	simm.s32 $0x1;
	[sflag:s13] =	ssyncadd.s32 $0xFFFFEC00  }
0x29: {  	_ =	swait.ge [sflag:s0], $0x1400  }
0x2a: {  	s8 =	simm.s32 $0x4E20;
	[sflag:s0] =	ssyncset.done $0x0  }
0x2b: {  	s7 =	simm.s32 $0x4C90;
	s9 =	simm.s32 $0x2;
	[sflag:s0] =	ssyncadd.s32 $0xFFFFEC00  }
0x2c: {  	[spmem:s3] =	stream.indirect.scatter.add.f32 [tilespmem:s8], [sflag:$0xD], $0x40, s7, s17, $0xb8;
	[tilespmem:$0x1DE20] =	vst v63  }
0x2d: {  	_ =	swait.ge [sflag:s9], $0x1400  }
0x2e: {  	[sflag:s9] =	ssyncset.done $0x0  }
0x2f: {  	s10 =	simm.s32 $0x4CE0;
	[sflag:s9] =	ssyncadd.s32 $0xFFFFEC00  }
0x30: {  	[spmem:s3] =	stream.indirect.scatter.add.f32 [tilespmem:s31], [sflag:$0xE], $0x40, s10, s17, $0xb8;
	[tilespmem:$0x1DE20] =	vst v63  }
0x31: {  	_ =	swait.ge [sflag:s24], $0x1400  }
0x32: {  	[sflag:s24] =	ssyncset.done $0x0  }
0x33: {  	s11 =	simm.s32 $0x4D30;
	s9 =	simm.s32 $0x7620;
	[sflag:s24] =	ssyncadd.s32 $0xFFFFEC00  }
0x34: {  	[spmem:s3] =	stream.indirect.scatter.add.f32 [tilespmem:s9], [sflag:$0xF], $0x40, s11, s17, $0xb8;
	[tilespmem:$0x1DE20] =	vst v63  }
0x35: {  	_ =	swait.ge [sflag:s29], $0x1400  }
0x36: {  	[sflag:s29] =	ssyncset.done $0x0  }
0x37: {  	s16 =	simm.s32 $0x4D80;
	[sflag:s29] =	ssyncadd.s32 $0xFFFFEC00  }
0x38: {  	[spmem:s3] =	stream.indirect.scatter.add.f32 [tilespmem:s15], [sflag:$0x10], $0x40, s16, s17, $0xb8;
	[tilespmem:$0x1DE20] =	vst v63  }
0x39: {  	_ =	swait.ge [sflag:s5], $0x1400  }
0x3a: {  	[sflag:s5] =	ssyncset.done $0x0  }
0x3b: {  	s22 =	simm.s32 $0x4DD0;
	[sflag:s5] =	ssyncadd.s32 $0xFFFFEC00  }
0x3c: {  	[spmem:s3] =	stream.indirect.scatter.add.f32 [tilespmem:s26], [sflag:$0x11], $0x40, s22, s17, $0xb8;
	[tilespmem:$0x1DE20] =	vst v63  }
0x3d: {  	_ =	swait.ge [sflag:s14], $0x1400  }
0x3e: {  	[sflag:s14] =	ssyncset.done $0x0  }
0x3f: {  	s15 =	simm.s32 $0xE;
	[sflag:s14] =	ssyncadd.s32 $0xFFFFEC00  }
0x40: {  	_ =	swait.ge [sflag:s15], $0x1400  }
0x41: {  	[sflag:s15] =	ssyncset.done $0x0  }
0x42: {  	s16 =	simm.s32 $0xF;
	[sflag:s15] =	ssyncadd.s32 $0xFFFFEC00  }
0x43: {  	_ =	swait.ge [sflag:s16], $0x1400  }
0x44: {  	[sflag:s16] =	ssyncset.done $0x0  }
0x45: {  	[sflag:s16] =	ssyncadd.s32 $0xFFFFEC00  }
0x46: {  	_ =	swait.ge [sflag:s12], $0x1400  }
0x47: {  	[sflag:s12] =	ssyncset.done $0x0  }
0x48: {  	[sflag:s12] =	ssyncadd.s32 $0xFFFFEC00  }
0x49: {  	_ =	swait.ge [sflag:s18], $0x1400  }
0x4a: {  	[sflag:s18] =	ssyncset.done $0x0  }
0x4b: {  	[sflag:s18] =	ssyncadd.s32 $0xFFFFEC00  }
0x4c: {  	[bflag:$0x0] =	sbarrier.arrive $0xFFFF  }
0x4d: {  	s22 =	rddreg [dreg:$0x5]  }
0x4e: {  	s25 =	rddreg [dreg:$0x9]  }
0x4f: {  	s0 =	simm.s32 $0x19;
	s26 =	rddreg [dreg:$0xb];
	s22 =	sor.u32 $0x1C19, s22  }
0x50: {  	[hbm:s25], [sflag:s22] =	dma.local [spmem:s26], $0x1400  }
0x51: {  	_ =	swait.ge [sflag:s0], $0x1400  }
0x52: {  	s7 =	rddreg [dreg:$0xc]  }
0x53: {  	s25 =	rddreg [dreg:$0xa];
	s7 =	sadd.s32 $0x1, s7  }
0x54: {  	p0 =	sne.s32 s7, s25  }
.Ltmp1:
0x55: {  	_ = 	snop;
	(pc) =	sbr.rel @!p0 .LBB2_5-.Ltmp1, $3  }
0x56: {  	_ =	sdelay $0x1  }
0x57: {  	[sflag:s0] =	ssyncset.done $0x0  }
0x58: {  	s10 =	simm.s32 $0x8A20;
	s11 =	simm.s32 $0x9E20;
	[sflag:s0] =	ssyncadd.s32 $0xFFFFEC00  }
.LBB2_1:
0x59: {  	[dreg:$0xc] =	wrdreg s7  }
0x5a: {  	s22 =	rddreg [dreg:$0x4]  }
0x5b: {  	s25 =	rddreg [dreg:$0x6]  }
0x5c: {  	[spmem:s26], [sflag:s25] =	dma.local [hbm:s22], $0x1400  }
0x5d: {  	s22 =	simm.s32 $0x0;
	s25 =	rddreg [dreg:$0x7]  }
0x5e: {  	[tilespmem:s22], [sflag:$0xE] =	stream.linear.gather [hbm4b:s25+s22], $0x2710, $0x38;
	[tilespmem:$0x1DE20] =	vst v63  }
0x5f: {  	s7 =	simm.s32 $0x2710;
	s0 =	rddreg [dreg:$0x8]  }
0x60: {  	[tilespmem:s7], [sflag:$0xF] =	stream.linear.gather [hbm4b:s0+s22], $0x2710, $0x38;
	[tilespmem:$0x1DE20] =	vst v63  }
0x61: {  	_ =	swait.ge [sflag:s14], $0x1400  }
0x62: {  	[sflag:s14] =	ssyncset.done $0x0  }
0x63: {  	[sflag:s14] =	ssyncadd.s32 $0xFFFFEC00  }
0x64: {  	_ =	swait.ge [sflag:s15], $0x2710  }
0x65: {  	[sflag:s15] =	ssyncset.done $0x0  }
0x66: {  	[sflag:s15] =	ssyncadd.s32 $0xFFFFD8F0  }
0x67: {  	_ =	swait.ge [sflag:s16], $0x2710  }
0x68: {  	[sflag:s16] =	ssyncset.done $0x0  }
0x69: {  	[sflag:s16] =	ssyncadd.s32 $0xFFFFD8F0  }
0x6a: {  	[bflag:$0x0] =	sbarrier.arrive $0xFFFF  }
0x6b: {  	[tilespmem:s8], [sflag:$0x1] =	stream.indirect.gather [hbm4b:s2+s17], $0x40, s22, s17, $0xb8;
	[tilespmem:$0x1DE20] =	vst v63  }
0x6c: {  	_ = 	snop  }
0x6d: {  	[tilespmem:s31], [sflag:$0x2] =	stream.indirect.gather [hbm4b:s2+s17], $0x40, s17, s17, $0xb8;
	[tilespmem:$0x1DE20] =	vst v63  }
0x6e: {  	s8 =	simm.s32 $0xA0  }
0x6f: {  	[tilespmem:s9], [sflag:$0x3] =	stream.indirect.gather [hbm4b:s2+s17], $0x40, s8, s17, $0xb8;
	[tilespmem:$0x1DE20] =	vst v63  }
0x70: {  	s9 =	simm.s32 $0xF0  }
0x71: {  	[tilespmem:s10], [sflag:$0x4] =	stream.indirect.gather [hbm4b:s2+s17], $0x40, s9, s17, $0xb8;
	[tilespmem:$0x1DE20] =	vst v63  }
0x72: {  	s10 =	simm.s32 $0x140  }
0x73: {  	[tilespmem:s11], [sflag:$0x5] =	stream.indirect.gather [hbm4b:s2+s17], $0x40, s10, s17, $0xb8;
	[tilespmem:$0x1DE20] =	vst v63  }
0x74: {  	s7 =	simm.s32 $0xB220;
	s11 =	simm.s32 $0x190  }
0x75: {  	[tilespmem:s7], [sflag:$0x6] =	stream.indirect.gather [hbm4b:s2+s17], $0x40, s11, s17, $0xb8;
	[tilespmem:$0x1DE20] =	vst v63  }
0x76: {  	s15 =	simm.s32 $0x1E0;
	s8 =	simm.s32 $0xC620  }
0x77: {  	[tilespmem:s8], [sflag:$0x7] =	stream.indirect.gather [hbm4b:s2+s17], $0x40, s15, s17, $0xb8;
	[tilespmem:$0x1DE20] =	vst v63  }
0x78: {  	s16 =	simm.s32 $0x230;
	s9 =	simm.s32 $0xDA20  }
0x79: {  	[tilespmem:s9], [sflag:$0x8] =	stream.indirect.gather [hbm4b:s2+s17], $0x40, s16, s17, $0xb8;
	[tilespmem:$0x1DE20] =	vst v63  }
0x7a: {  	s22 =	simm.s32 $0x280;
	s10 =	simm.s32 $0xEE20  }
0x7b: {  	[tilespmem:s10], [sflag:$0x9] =	stream.indirect.gather [hbm4b:s2+s17], $0x40, s22, s17, $0xb8;
	[tilespmem:$0x1DE20] =	vst v63  }
0x7c: {  	s25 =	simm.s32 $0x2D0;
	s0 =	simm.s32 $0x10220  }
0x7d: {  	[tilespmem:s0], [sflag:$0xA] =	stream.indirect.gather [hbm4b:s2+s17], $0x40, s25, s17, $0xb8;
	[tilespmem:$0x1DE20] =	vst v63  }
0x7e: {  	s26 =	simm.s32 $0x320;
	s11 =	simm.s32 $0x11620  }
0x7f: {  	[tilespmem:s11], [sflag:$0xB] =	stream.indirect.gather [hbm4b:s2+s17], $0x40, s26, s17, $0xb8;
	[tilespmem:$0x1DE20] =	vst v63  }
0x80: {  	s31 =	simm.s32 $0x370;
	s25 =	simm.s32 $0x0  }
0x81: {  	[tilespmem:s20], [sflag:$0xC] =	stream.indirect.gather [hbm4b:s2+s17], $0x40, s31, s17, $0xb8;
	[tilespmem:$0x1DE20] =	vst v63  }
.LBB2_2:
0x82: {  	s14 =	simm.s32 $0x1  }
0x83: {  	_ =	swait.ge [sflag:s14], $0x1400  }
0x84: {  	s22 =	sshra.s32 s25, $0x2;
	[sflag:s14] =	ssyncset.done $0x0  }
0x85: {  	s31 =	simm.s32 $0x4E20;
	s26 =	sadd.s32 $0x2710, s22;
	[sflag:s14] =	ssyncadd.s32 $0xFFFFEC00  }
0x86: {  	[spmem:s3] =	stream.indirect.scatter.add.f32 [tilespmem:s31], [sflag:$0xD], $0x40, s26, s17, $0xb8;
	[tilespmem:$0x1DE20] =	vst v63  }
0x87: {  	s26 =	simm.s32 $0x2  }
0x88: {  	_ =	swait.ge [sflag:s26], $0x1400  }
0x89: {  	[sflag:s26] =	ssyncset.done $0x0  }
0x8a: {  	s15 =	simm.s32 $0x6220;
	s14 =	sadd.s32 $0x2760, s22;
	[sflag:s26] =	ssyncadd.s32 $0xFFFFEC00  }
0x8b: {  	[spmem:s3] =	stream.indirect.scatter.add.f32 [tilespmem:s15], [sflag:$0xE], $0x40, s14, s17, $0xb8;
	[tilespmem:$0x1DE20] =	vst v63  }
0x8c: {  	_ =	swait.ge [sflag:s24], $0x1400  }
0x8d: {  	[sflag:s24] =	ssyncset.done $0x0  }
0x8e: {  	s16 =	sadd.s32 $0x27B0, s22;
	s15 =	simm.s32 $0x7620;
	[sflag:s24] =	ssyncadd.s32 $0xFFFFEC00  }
0x8f: {  	[spmem:s3] =	stream.indirect.scatter.add.f32 [tilespmem:s15], [sflag:$0xF], $0x40, s16, s17, $0xb8;
	[tilespmem:$0x1DE20] =	vst v63  }
0x90: {  	_ =	swait.ge [sflag:s29], $0x1400  }
0x91: {  	[sflag:s29] =	ssyncset.done $0x0  }
0x92: {  	s14 =	sadd.s32 $0x2800, s22;
	s16 =	simm.s32 $0x8A20;
	[sflag:s29] =	ssyncadd.s32 $0xFFFFEC00  }
0x93: {  	[spmem:s3] =	stream.indirect.scatter.add.f32 [tilespmem:s16], [sflag:$0x10], $0x40, s14, s17, $0xb8;
	[tilespmem:$0x1DE20] =	vst v63  }
0x94: {  	_ =	swait.ge [sflag:s5], $0x1400  }
0x95: {  	s26 =	simm.s32 $0x6;
	[sflag:s5] =	ssyncset.done $0x0  }
0x96: {  	s14 =	sadd.s32 $0x2850, s22;
	s16 =	simm.s32 $0x9E20;
	[sflag:s5] =	ssyncadd.s32 $0xFFFFEC00  }
0x97: {  	[spmem:s3] =	stream.indirect.scatter.add.f32 [tilespmem:s16], [sflag:$0x11], $0x40, s14, s17, $0xb8;
	[tilespmem:$0x1DE20] =	vst v63  }
0x98: {  	_ =	swait.ge [sflag:s26], $0x1400  }
0x99: {  	[sflag:s26] =	ssyncset.done $0x0  }
0x9a: {  	s14 =	sadd.s32 $0x28A0, s22;
	[sflag:s26] =	ssyncadd.s32 $0xFFFFEC00;
	s26 =	simm.s32 $0x7  }
0x9b: {  	[spmem:s3] =	stream.indirect.scatter.add.f32 [tilespmem:s7], [sflag:$0x12], $0x40, s14, s17, $0xb8;
	[tilespmem:$0x1DE20] =	vst v63  }
0x9c: {  	_ =	swait.ge [sflag:s26], $0x1400  }
0x9d: {  	[sflag:s26] =	ssyncset.done $0x0  }
0x9e: {  	s14 =	sadd.s32 $0x28F0, s22;
	[sflag:s26] =	ssyncadd.s32 $0xFFFFEC00;
	s26 =	simm.s32 $0x8  }
0x9f: {  	[spmem:s3] =	stream.indirect.scatter.add.f32 [tilespmem:s8], [sflag:$0x13], $0x40, s14, s17, $0xb8;
	[tilespmem:$0x1DE20] =	vst v63  }
0xa0: {  	_ =	swait.ge [sflag:s26], $0x1400  }
0xa1: {  	[sflag:s26] =	ssyncset.done $0x0  }
0xa2: {  	s14 =	sadd.s32 $0x2940, s22;
	[sflag:s26] =	ssyncadd.s32 $0xFFFFEC00;
	s26 =	simm.s32 $0x9  }
0xa3: {  	[spmem:s3] =	stream.indirect.scatter.add.f32 [tilespmem:s9], [sflag:$0x14], $0x40, s14, s17, $0xb8;
	[tilespmem:$0x1DE20] =	vst v63  }
0xa4: {  	_ =	swait.ge [sflag:s26], $0x1400  }
0xa5: {  	[sflag:s26] =	ssyncset.done $0x0  }
0xa6: {  	s14 =	sadd.s32 $0x2990, s22;
	[sflag:s26] =	ssyncadd.s32 $0xFFFFEC00;
	s26 =	simm.s32 $0xA  }
0xa7: {  	[spmem:s3] =	stream.indirect.scatter.add.f32 [tilespmem:s10], [sflag:$0x15], $0x40, s14, s17, $0xb8;
	[tilespmem:$0x1DE20] =	vst v63  }
0xa8: {  	_ =	swait.ge [sflag:s26], $0x1400  }
0xa9: {  	[sflag:s26] =	ssyncset.done $0x0  }
0xaa: {  	s14 =	sadd.s32 $0x29E0, s22;
	[sflag:s26] =	ssyncadd.s32 $0xFFFFEC00  }
0xab: {  	[spmem:s3] =	stream.indirect.scatter.add.f32 [tilespmem:s0], [sflag:$0x16], $0x40, s14, s17, $0xb8;
	[tilespmem:$0x1DE20] =	vst v63  }
0xac: {  	_ =	swait.ge [sflag:s6], $0x1400  }
0xad: {  	[sflag:s6] =	ssyncset.done $0x0  }
0xae: {  	s14 =	sadd.s32 $0x2A30, s22;
	[sflag:s6] =	ssyncadd.s32 $0xFFFFEC00  }
0xaf: {  	[spmem:s3] =	stream.indirect.scatter.add.f32 [tilespmem:s11], [sflag:$0x17], $0x40, s14, s17, $0xb8;
	[tilespmem:$0x1DE20] =	vst v63  }
0xb0: {  	_ =	swait.ge [sflag:s4], $0x1400  }
0xb1: {  	[sflag:s4] =	ssyncset.done $0x0  }
0xb2: {  	s14 =	sadd.s32 $0x2A80, s22;
	[sflag:s4] =	ssyncadd.s32 $0xFFFFEC00  }
0xb3: {  	[spmem:s3] =	stream.indirect.scatter.add.f32 [tilespmem:s20], [sflag:$0x18], $0x40, s14, s17, $0xb8;
	[tilespmem:$0x1DE20] =	vst v63  }
0xb4: {  	s14 =	simm.s32 $0xD  }
0xb5: {  	_ =	swait.ge [sflag:s14], $0x1400  }
0xb6: {  	[sflag:s14] =	ssyncset.done $0x0  }
0xb7: {  	s26 =	sadd.s32 $0x3C0, s22;
	[sflag:s14] =	ssyncadd.s32 $0xFFFFEC00  }
0xb8: {  	[tilespmem:s31], [sflag:$0x1] =	stream.indirect.gather [hbm4b:s2+s17], $0x40, s26, s17, $0xb8;
	[tilespmem:$0x1DE20] =	vst v63  }
0xb9: {  	s26 =	simm.s32 $0xE  }
0xba: {  	_ =	swait.ge [sflag:s26], $0x1400  }
0xbb: {  	[sflag:s26] =	ssyncset.done $0x0  }
0xbc: {  	s31 =	simm.s32 $0x6220;
	[sflag:s26] =	ssyncadd.s32 $0xFFFFEC00;
	s26 =	sadd.s32 $0x410, s22  }
0xbd: {  	[tilespmem:s31], [sflag:$0x2] =	stream.indirect.gather [hbm4b:s2+s17], $0x40, s26, s17, $0xb8;
	[tilespmem:$0x1DE20] =	vst v63  }
0xbe: {  	s26 =	simm.s32 $0xF  }
0xbf: {  	_ =	swait.ge [sflag:s26], $0x1400  }
0xc0: {  	[sflag:s26] =	ssyncset.done $0x0  }
0xc1: {  	[sflag:s26] =	ssyncadd.s32 $0xFFFFEC00;
	s26 =	sadd.s32 $0x460, s22  }
0xc2: {  	[tilespmem:s15], [sflag:$0x3] =	stream.indirect.gather [hbm4b:s2+s17], $0x40, s26, s17, $0xb8;
	[tilespmem:$0x1DE20] =	vst v63  }
0xc3: {  	_ =	swait.ge [sflag:s12], $0x1400  }
0xc4: {  	[sflag:s12] =	ssyncset.done $0x0  }
0xc5: {  	s15 =	simm.s32 $0x8A20;
	s26 =	sadd.s32 $0x4B0, s22;
	[sflag:s12] =	ssyncadd.s32 $0xFFFFEC00  }
0xc6: {  	[tilespmem:s15], [sflag:$0x4] =	stream.indirect.gather [hbm4b:s2+s17], $0x40, s26, s17, $0xb8;
	[tilespmem:$0x1DE20] =	vst v63  }
0xc7: {  	_ =	swait.ge [sflag:s18], $0x1400  }
0xc8: {  	p0 =	seq.s32 s25, $0x8700;
	[sflag:s18] =	ssyncset.done $0x0  }
.Ltmp2:
0xc9: {  	s26 =	sadd.s32 $0x500, s22;
	[sflag:s18] =	ssyncadd.s32 $0xFFFFEC00;
	(pc) =	sbr.rel @p0 .LBB2_4-.Ltmp2, $4  }
0xca: {  	[tilespmem:s16], [sflag:$0x5] =	stream.indirect.gather [hbm4b:s2+s17], $0x40, s26, s17, $0xb8;
	[tilespmem:$0x1DE20] =	vst v63  }
0xcb: {  	_ =	swait.ge [sflag:s28], $0x1400  }
0xcc: {  	[sflag:s28] =	ssyncset.done $0x0  }
0xcd: {  	s26 =	simm.s32 $0x9E20;
	[sflag:s28] =	ssyncadd.s32 $0xFFFFEC00  }
0xce: {  	s26 =	sadd.s32 $0x550, s22  }
0xcf: {  	[tilespmem:s7], [sflag:$0x6] =	stream.indirect.gather [hbm4b:s2+s17], $0x40, s26, s17, $0xb8;
	[tilespmem:$0x1DE20] =	vst v63  }
0xd0: {  	_ =	swait.ge [sflag:s19], $0x1400  }
0xd1: {  	[sflag:s19] =	ssyncset.done $0x0  }
0xd2: {  	s16 =	sadd.s32 $0x5A0, s22;
	[sflag:s19] =	ssyncadd.s32 $0xFFFFEC00  }
0xd3: {  	[tilespmem:s8], [sflag:$0x7] =	stream.indirect.gather [hbm4b:s2+s17], $0x40, s16, s17, $0xb8;
	[tilespmem:$0x1DE20] =	vst v63  }
0xd4: {  	_ =	swait.ge [sflag:s30], $0x1400  }
0xd5: {  	[sflag:s30] =	ssyncset.done $0x0  }
0xd6: {  	s31 =	sadd.s32 $0x5F0, s22;
	[sflag:s30] =	ssyncadd.s32 $0xFFFFEC00  }
0xd7: {  	[tilespmem:s9], [sflag:$0x8] =	stream.indirect.gather [hbm4b:s2+s17], $0x40, s31, s17, $0xb8;
	[tilespmem:$0x1DE20] =	vst v63  }
0xd8: {  	_ =	swait.ge [sflag:s21], $0x1400  }
0xd9: {  	[sflag:s21] =	ssyncset.done $0x0  }
0xda: {  	s14 =	sadd.s32 $0x640, s22;
	[sflag:s21] =	ssyncadd.s32 $0xFFFFEC00  }
0xdb: {  	[tilespmem:s10], [sflag:$0x9] =	stream.indirect.gather [hbm4b:s2+s17], $0x40, s14, s17, $0xb8;
	[tilespmem:$0x1DE20] =	vst v63  }
0xdc: {  	_ =	swait.ge [sflag:s1], $0x1400  }
0xdd: {  	[sflag:s1] =	ssyncset.done $0x0  }
0xde: {  	s15 =	sadd.s32 $0x690, s22;
	[sflag:s1] =	ssyncadd.s32 $0xFFFFEC00  }
0xdf: {  	[tilespmem:s0], [sflag:$0xA] =	stream.indirect.gather [hbm4b:s2+s17], $0x40, s15, s17, $0xb8;
	[tilespmem:$0x1DE20] =	vst v63  }
0xe0: {  	_ =	swait.ge [sflag:s23], $0x1400  }
0xe1: {  	[sflag:s23] =	ssyncset.done $0x0  }
0xe2: {  	s16 =	sadd.s32 $0x6E0, s22;
	[sflag:s23] =	ssyncadd.s32 $0xFFFFEC00  }
0xe3: {  	[tilespmem:s11], [sflag:$0xB] =	stream.indirect.gather [hbm4b:s2+s17], $0x40, s16, s17, $0xb8;
	[tilespmem:$0x1DE20] =	vst v63  }
.Ltmp3:
0xe4: {  	_ = 	snop;
	(pc) =	sbr.rel .LBB2_2-.Ltmp3, $4  }
0xe5: {  	_ =	swait.ge [sflag:s13], $0x1400  }
0xe6: {  	[sflag:s13] =	ssyncset.done $0x0  }
0xe7: {  	s25 =	sadd.s32 $0xF00, s25;
	s31 =	sadd.s32 $0x730, s22;
	[sflag:s13] =	ssyncadd.s32 $0xFFFFEC00  }
0xe8: {  	[tilespmem:s20], [sflag:$0xC] =	stream.indirect.gather [hbm4b:s2+s17], $0x40, s31, s17, $0xb8;
	[tilespmem:$0x1DE20] =	vst v63  }
.LBB2_5:
0xe9: {  	_ =	sfence.sel $0x180000  }
0xea: {  	[bflag:$0x0] =	sbarrier.arrive $0xFFFF  }
0xeb: {  	_ =	strace $0x90000047  }
0xec: {  	s0 =	stileid.u32;
	[bflag:$0x2] =	sbarrier.arrive $0xFFFF  }
0xed: {  	p0 =	sne.s32 s0, $0x0;
	s0 =	rddreg [dreg:$0x3]  }
0xee: {  	s0 =	sadd.s32 @!p0 $0x100000, s0  }
0xef: {  	[sflag:s0] =	ssyncadd.tile.s32 @!p0 $0x1;
	_ =	shalt  }
.Lfunc_end2:
_tile_overlayer_lowered:
.L_overlay_start_2:
0xf0: {  	(tag) =	ssettag $0x2  }
0xf1: {  	s0 =	rddreg [dreg:$0x0];
	s2 =	stileid.u32  }
0xf2: {  	s1 =	rddreg [dreg:$0x1];
	p0 =	sne.s32 s2, $0x0  }
0xf3: {  	s3 =	rddreg [dreg:$0x2];
	[bflag:$0x3] =	sbarrier.arrive $0xFFFF;
	s2 =	simm.s32 @!p0 $0x1C19  }
0xf4: {  	[timem:s3], [sflag:s2] =	dma.local @!p0 [hbm:s0], s1  }
0xf5: {  	s0 =	simm.s32 @!p0 $0x19  }
0xf6: {  	_ =	swait.ge @!p0 [sflag:s0], s1  }
0xf7: {  	s1 =	ssub.s32 @!p0 $0x0, s1;
	[sflag:s0] =	ssyncset.done @!p0 $0x0  }
0xf8: {  	[sflag:s0] =	ssyncadd.s32 @!p0 s1  }
0xf9: {  	[bflag:$0x3] =	sbarrier.arrive $0xFFFF  }
0xfa: {  	_ =	shalt  }

</sc_bundles>
